<compile_context>
chip_gen: v7x
topology: tpu7x:2x2x1
jax: 0.10.2.dev20260603
libtpu: 0.0.44.dev20260713+nightly
codegen_flags: <defaults>
</compile_context>

<pallas_src>
import functools

import jax
import jax.numpy as jnp
from jax import lax
from jax.experimental import pallas as pl
from jax.experimental.pallas import tpu as pltpu
from jax.experimental.pallas import tpu_sc as plsc

F = 26
B = 16384
FIELD = 40000
LANES = 16
NC, NS = 2, 16
NW = NC * NS
BPW = B // NW
N = F * BPW

_mesh = plsc.VectorSubcoreMesh(core_axis_name="c", subcore_axis_name="s")


@functools.partial(
    pl.kernel,
    mesh=_mesh,
    out_type=jax.ShapeDtypeStruct((B,), jnp.float32),
    scratch_types=[
        pltpu.VMEM((N,), jnp.int32),
        pltpu.VMEM((N,), jnp.float32),
        pltpu.VMEM((BPW,), jnp.float32),
        pltpu.VMEM((LANES,), jnp.float32),
        pltpu.SemaphoreType.DMA,
        pltpu.SemaphoreType.DMA,
    ],
)
def _emb_sum(xt_hbm, fc_hbm, bias_hbm, out_hbm, idx_v, vals_v, out_v, bias_v,
             sem, gsem):
    wid = lax.axis_index("s") * NC + lax.axis_index("c")
    base = wid * BPW

    copies = [
        pltpu.async_copy(
            xt_hbm.at[f, pl.ds(base, BPW)],
            idx_v.at[pl.ds(f * BPW, BPW)],
            sem,
        )
        for f in range(F)
    ]
    pltpu.sync_copy(bias_hbm, bias_v)

    def seed(c, carry):
        out_v[pl.ds(c * LANES, LANES)] = bias_v[...]
        return carry

    lax.fori_loop(0, BPW // LANES, seed, 0)

    gathers = []
    for f in range(F):
        copies[f].wait()
        gathers.append(pltpu.async_copy(
            fc_hbm.at[0].at[pl.ds(f * FIELD, FIELD)].at[
                idx_v.at[pl.ds(f * BPW, BPW)]],
            vals_v.at[pl.ds(f * BPW, BPW)],
            gsem,
        ))

    for f in range(F):
        gathers[f].wait()

        def acc_field(c, carry, f=f):
            sl = pl.ds(c * LANES, LANES)
            out_v[sl] = out_v[sl] + vals_v[pl.ds(f * BPW + c * LANES, LANES)]
            return carry

        lax.fori_loop(0, BPW // LANES, acc_field, 0)

    pltpu.sync_copy(out_v, out_hbm.at[pl.ds(base, BPW)])


def kernel(x, fc_weight, bias):
    xt = x.T
    fc_t = fc_weight.T
    bias_b = jnp.broadcast_to(bias.astype(jnp.float32), (LANES,))
    out = _emb_sum(xt, fc_t, bias_b)
    return out.reshape(B, 1)

# --- scband reference (transcript-rebuilt; emitter-appended) ---
"""Pipeline reference for scband-features-linear-48567490183894 (READ-ONLY COPY).

The authoritative reference and input builder live on the scoring server;
editing this copy changes nothing except your own understanding.
"""

import jax, jax.numpy as jnp
import numpy as np

FIELD_DIMS = [40000] * 26
BATCH = 16384
OUTPUT_DIM = 1
TOTAL_ROWS = int(np.sum(FIELD_DIMS))


def setup_inputs(seed: int = 0) -> dict:
    key = jax.random.key(seed)
    k1, k2 = jax.random.split(key)
    x = jax.random.randint(k1, (BATCH, len(FIELD_DIMS)), 0, 40000, dtype=jnp.int32)
    fc_weight = jax.random.normal(k2, (TOTAL_ROWS, OUTPUT_DIM), dtype=jnp.float32) * 0.01
    bias = jnp.zeros((OUTPUT_DIM,), dtype=jnp.float32)
    return {"x": x, "fc_weight": fc_weight, "bias": bias}


def reference(x, fc_weight, bias):
    # offsets: cumulative start index of each field in the flattened table
    offsets_np = np.concatenate(([0], np.cumsum(FIELD_DIMS)[:-1])).astype(np.int32)
    offsets = jnp.asarray(offsets_np, dtype=x.dtype)
    idx = x + offsets[None, :]               # (B, F)
    emb = jnp.take(fc_weight, idx, axis=0)   # (B, F, output_dim) -- embedding gather
    out = jnp.sum(emb, axis=1) + bias        # (B, output_dim)
    return out

if __name__ == "__main__":
    import jax
    _d = setup_inputs()
    print(jax.jit(kernel)(*tuple(_d.values())))

</pallas_src>

<mosaic_0001>
#map = affine_map<(d0, d1) -> (0, 0)>
#map1 = affine_map<(d0, d1) -> (0)>
module attributes {stable_mosaic.version = 14 : i64} {
  func.func @_emb_sum(%arg0: i32, %arg1: i32, %arg2: memref<26x16384xi32, #tpu.memory_space<hbm>>, %arg3: memref<1x1040000xf32, #tpu.memory_space<hbm>>, %arg4: memref<16xf32, #tpu.memory_space<hbm>>, %arg5: memref<16384xf32, #tpu.memory_space<hbm>>, %arg6: memref<13312xi32, #tpu.memory_space<vmem>>, %arg7: memref<13312xf32, #tpu.memory_space<vmem>>, %arg8: memref<512xf32, #tpu.memory_space<vmem>>, %arg9: memref<16xf32, #tpu.memory_space<vmem>>, %arg10: memref<!tpu.dma_semaphore, #tpu.memory_space<semaphore_mem>>, %arg11: memref<!tpu.dma_semaphore, #tpu.memory_space<semaphore_mem>>) attributes {dimension_semantics = [#tpu.dimension_semantics<core_parallel>, #tpu.dimension_semantics<subcore_parallel>], iteration_bounds = array<i64: 2, 16>, scalar_prefetch = 0 : i64, scratch_operands = 6 : i64, tpu.core_type = #tpu.core_type<sc_vector_subcore>, window_params = [{transform_indices = #map}, {transform_indices = #map}, {transform_indices = #map1}, {transform_indices = #map1}]} {
    %mul3A = arith.constant 2 : i32
    %mul3A_0 = arith.muli %arg1, %mul3A : i32
    %add3A = arith.addi %mul3A_0, %arg0 : i32
    %mul3A_1 = arith.constant 512 : i32
    %mul3A_2 = arith.muli %add3A, %mul3A_1 : i32
    %dma_start3A = arith.constant 0 : i32
    %dma_start3A_3 = arith.constant 0 : i32
    %dma_start3A_4 = tpu.memref_slice %arg6[%dma_start3A_3] : memref<13312xi32, #tpu.memory_space<vmem>> -> memref<512xi32, #tpu.memory_space<vmem>>
    %dma_start3A_5 = tpu.memref_slice %arg2[%dma_start3A, %mul3A_2] : memref<26x16384xi32, #tpu.memory_space<hbm>> -> memref<1x512xi32, #tpu.memory_space<hbm>>
    %dma_start3A_6 = tpu.memref_squeeze %dma_start3A_5 : memref<1x512xi32, #tpu.memory_space<hbm>> -> memref<512xi32, #tpu.memory_space<hbm>>
    %dma_start3A_7 = arith.constant 0 : i32
    %dma_start3A_8 = tpu.memref_slice %arg6[%dma_start3A_7] : memref<13312xi32, #tpu.memory_space<vmem>> -> memref<512xi32, #tpu.memory_space<vmem>>
    %dma_start3A_9 = tpu.memref_slice %arg2[%dma_start3A, %mul3A_2] : memref<26x16384xi32, #tpu.memory_space<hbm>> -> memref<1x512xi32, #tpu.memory_space<hbm>>
    %dma_start3A_10 = tpu.memref_squeeze %dma_start3A_9 : memref<1x512xi32, #tpu.memory_space<hbm>> -> memref<512xi32, #tpu.memory_space<hbm>>
    tpu.enqueue_dma source(%dma_start3A_10 : memref<512xi32, #tpu.memory_space<hbm>>) target(%dma_start3A_8 : memref<512xi32, #tpu.memory_space<vmem>>) target_semaphore(%arg10 : memref<!tpu.dma_semaphore, #tpu.memory_space<semaphore_mem>>)
    %dma_start3A_11 = arith.constant 1 : i32
    %dma_start3A_12 = arith.constant 512 : i32
    %dma_start3A_13 = tpu.memref_slice %arg6[%dma_start3A_12] : memref<13312xi32, #tpu.memory_space<vmem>> -> memref<512xi32, #tpu.memory_space<vmem>>
    %dma_start3A_14 = tpu.memref_slice %arg2[%dma_start3A_11, %mul3A_2] : memref<26x16384xi32, #tpu.memory_space<hbm>> -> memref<1x512xi32, #tpu.memory_space<hbm>>
    %dma_start3A_15 = tpu.memref_squeeze %dma_start3A_14 : memref<1x512xi32, #tpu.memory_space<hbm>> -> memref<512xi32, #tpu.memory_space<hbm>>
    %dma_start3A_16 = arith.constant 512 : i32
    %dma_start3A_17 = tpu.memref_slice %arg6[%dma_start3A_16] : memref<13312xi32, #tpu.memory_space<vmem>> -> memref<512xi32, #tpu.memory_space<vmem>>
    %dma_start3A_18 = tpu.memref_slice %arg2[%dma_start3A_11, %mul3A_2] : memref<26x16384xi32, #tpu.memory_space<hbm>> -> memref<1x512xi32, #tpu.memory_space<hbm>>
    %dma_start3A_19 = tpu.memref_squeeze %dma_start3A_18 : memref<1x512xi32, #tpu.memory_space<hbm>> -> memref<512xi32, #tpu.memory_space<hbm>>
    tpu.enqueue_dma source(%dma_start3A_19 : memref<512xi32, #tpu.memory_space<hbm>>) target(%dma_start3A_17 : memref<512xi32, #tpu.memory_space<vmem>>) target_semaphore(%arg10 : memref<!tpu.dma_semaphore, #tpu.memory_space<semaphore_mem>>)
    %dma_start3A_20 = arith.constant 2 : i32
    %dma_start3A_21 = arith.constant 1024 : i32
    %dma_start3A_22 = tpu.memref_slice %arg6[%dma_start3A_21] : memref<13312xi32, #tpu.memory_space<vmem>> -> memref<512xi32, #tpu.memory_space<vmem>>
    %dma_start3A_23 = tpu.memref_slice %arg2[%dma_start3A_20, %mul3A_2] : memref<26x16384xi32, #tpu.memory_space<hbm>> -> memref<1x512xi32, #tpu.memory_space<hbm>>
    %dma_start3A_24 = tpu.memref_squeeze %dma_start3A_23 : memref<1x512xi32, #tpu.memory_space<hbm>> -> memref<512xi32, #tpu.memory_space<hbm>>
    %dma_start3A_25 = arith.constant 1024 : i32
    %dma_start3A_26 = tpu.memref_slice %arg6[%dma_start3A_25] : memref<13312xi32, #tpu.memory_space<vmem>> -> memref<512xi32, #tpu.memory_space<vmem>>
    %dma_start3A_27 = tpu.memref_slice %arg2[%dma_start3A_20, %mul3A_2] : memref<26x16384xi32, #tpu.memory_space<hbm>> -> memref<1x512xi32, #tpu.memory_space<hbm>>
    %dma_start3A_28 = tpu.memref_squeeze %dma_start3A_27 : memref<1x512xi32, #tpu.memory_space<hbm>> -> memref<512xi32, #tpu.memory_space<hbm>>
    tpu.enqueue_dma source(%dma_start3A_28 : memref<512xi32, #tpu.memory_space<hbm>>) target(%dma_start3A_26 : memref<512xi32, #tpu.memory_space<vmem>>) target_semaphore(%arg10 : memref<!tpu.dma_semaphore, #tpu.memory_space<semaphore_mem>>)
    %dma_start3A_29 = arith.constant 3 : i32
    %dma_start3A_30 = arith.constant 1536 : i32
    %dma_start3A_31 = tpu.memref_slice %arg6[%dma_start3A_30] : memref<13312xi32, #tpu.memory_space<vmem>> -> memref<512xi32, #tpu.memory_space<vmem>>
    %dma_start3A_32 = tpu.memref_slice %arg2[%dma_start3A_29, %mul3A_2] : memref<26x16384xi32, #tpu.memory_space<hbm>> -> memref<1x512xi32, #tpu.memory_space<hbm>>
    %dma_start3A_33 = tpu.memref_squeeze %dma_start3A_32 : memref<1x512xi32, #tpu.memory_space<hbm>> -> memref<512xi32, #tpu.memory_space<hbm>>
    %dma_start3A_34 = arith.constant 1536 : i32
    %dma_start3A_35 = tpu.memref_slice %arg6[%dma_start3A_34] : memref<13312xi32, #tpu.memory_space<vmem>> -> memref<512xi32, #tpu.memory_space<vmem>>
    %dma_start3A_36 = tpu.memref_slice %arg2[%dma_start3A_29, %mul3A_2] : memref<26x16384xi32, #tpu.memory_space<hbm>> -> memref<1x512xi32, #tpu.memory_space<hbm>>
    %dma_start3A_37 = tpu.memref_squeeze %dma_start3A_36 : memref<1x512xi32, #tpu.memory_space<hbm>> -> memref<512xi32, #tpu.memory_space<hbm>>
    tpu.enqueue_dma source(%dma_start3A_37 : memref<512xi32, #tpu.memory_space<hbm>>) target(%dma_start3A_35 : memref<512xi32, #tpu.memory_space<vmem>>) target_semaphore(%arg10 : memref<!tpu.dma_semaphore, #tpu.memory_space<semaphore_mem>>)
    %dma_start3A_38 = arith.constant 4 : i32
    %dma_start3A_39 = arith.constant 2048 : i32
    %dma_start3A_40 = tpu.memref_slice %arg6[%dma_start3A_39] : memref<13312xi32, #tpu.memory_space<vmem>> -> memref<512xi32, #tpu.memory_space<vmem>>
    %dma_start3A_41 = tpu.memref_slice %arg2[%dma_start3A_38, %mul3A_2] : memref<26x16384xi32, #tpu.memory_space<hbm>> -> memref<1x512xi32, #tpu.memory_space<hbm>>
    %dma_start3A_42 = tpu.memref_squeeze %dma_start3A_41 : memref<1x512xi32, #tpu.memory_space<hbm>> -> memref<512xi32, #tpu.memory_space<hbm>>
    %dma_start3A_43 = arith.constant 2048 : i32
    %dma_start3A_44 = tpu.memref_slice %arg6[%dma_start3A_43] : memref<13312xi32, #tpu.memory_space<vmem>> -> memref<512xi32, #tpu.memory_space<vmem>>
    %dma_start3A_45 = tpu.memref_slice %arg2[%dma_start3A_38, %mul3A_2] : memref<26x16384xi32, #tpu.memory_space<hbm>> -> memref<1x512xi32, #tpu.memory_space<hbm>>
    %dma_start3A_46 = tpu.memref_squeeze %dma_start3A_45 : memref<1x512xi32, #tpu.memory_space<hbm>> -> memref<512xi32, #tpu.memory_space<hbm>>
    tpu.enqueue_dma source(%dma_start3A_46 : memref<512xi32, #tpu.memory_space<hbm>>) target(%dma_start3A_44 : memref<512xi32, #tpu.memory_space<vmem>>) target_semaphore(%arg10 : memref<!tpu.dma_semaphore, #tpu.memory_space<semaphore_mem>>)
    %dma_start3A_47 = arith.constant 5 : i32
    %dma_start3A_48 = arith.constant 2560 : i32
    %dma_start3A_49 = tpu.memref_slice %arg6[%dma_start3A_48] : memref<13312xi32, #tpu.memory_space<vmem>> -> memref<512xi32, #tpu.memory_space<vmem>>
    %dma_start3A_50 = tpu.memref_slice %arg2[%dma_start3A_47, %mul3A_2] : memref<26x16384xi32, #tpu.memory_space<hbm>> -> memref<1x512xi32, #tpu.memory_space<hbm>>
    %dma_start3A_51 = tpu.memref_squeeze %dma_start3A_50 : memref<1x512xi32, #tpu.memory_space<hbm>> -> memref<512xi32, #tpu.memory_space<hbm>>
    %dma_start3A_52 = arith.constant 2560 : i32
    %dma_start3A_53 = tpu.memref_slice %arg6[%dma_start3A_52] : memref<13312xi32, #tpu.memory_space<vmem>> -> memref<512xi32, #tpu.memory_space<vmem>>
    %dma_start3A_54 = tpu.memref_slice %arg2[%dma_start3A_47, %mul3A_2] : memref<26x16384xi32, #tpu.memory_space<hbm>> -> memref<1x512xi32, #tpu.memory_space<hbm>>
    %dma_start3A_55 = tpu.memref_squeeze %dma_start3A_54 : memref<1x512xi32, #tpu.memory_space<hbm>> -> memref<512xi32, #tpu.memory_space<hbm>>
    tpu.enqueue_dma source(%dma_start3A_55 : memref<512xi32, #tpu.memory_space<hbm>>) target(%dma_start3A_53 : memref<512xi32, #tpu.memory_space<vmem>>) target_semaphore(%arg10 : memref<!tpu.dma_semaphore, #tpu.memory_space<semaphore_mem>>)
    %dma_start3A_56 = arith.constant 6 : i32
    %dma_start3A_57 = arith.constant 3072 : i32
    %dma_start3A_58 = tpu.memref_slice %arg6[%dma_start3A_57] : memref<13312xi32, #tpu.memory_space<vmem>> -> memref<512xi32, #tpu.memory_space<vmem>>
    %dma_start3A_59 = tpu.memref_slice %arg2[%dma_start3A_56, %mul3A_2] : memref<26x16384xi32, #tpu.memory_space<hbm>> -> memref<1x512xi32, #tpu.memory_space<hbm>>
    %dma_start3A_60 = tpu.memref_squeeze %dma_start3A_59 : memref<1x512xi32, #tpu.memory_space<hbm>> -> memref<512xi32, #tpu.memory_space<hbm>>
    %dma_start3A_61 = arith.constant 3072 : i32
    %dma_start3A_62 = tpu.memref_slice %arg6[%dma_start3A_61] : memref<13312xi32, #tpu.memory_space<vmem>> -> memref<512xi32, #tpu.memory_space<vmem>>
    %dma_start3A_63 = tpu.memref_slice %arg2[%dma_start3A_56, %mul3A_2] : memref<26x16384xi32, #tpu.memory_space<hbm>> -> memref<1x512xi32, #tpu.memory_space<hbm>>
    %dma_start3A_64 = tpu.memref_squeeze %dma_start3A_63 : memref<1x512xi32, #tpu.memory_space<hbm>> -> memref<512xi32, #tpu.memory_space<hbm>>
    tpu.enqueue_dma source(%dma_start3A_64 : memref<512xi32, #tpu.memory_space<hbm>>) target(%dma_start3A_62 : memref<512xi32, #tpu.memory_space<vmem>>) target_semaphore(%arg10 : memref<!tpu.dma_semaphore, #tpu.memory_space<semaphore_mem>>)
    %dma_start3A_65 = arith.constant 7 : i32
    %dma_start3A_66 = arith.constant 3584 : i32
    %dma_start3A_67 = tpu.memref_slice %arg6[%dma_start3A_66] : memref<13312xi32, #tpu.memory_space<vmem>> -> memref<512xi32, #tpu.memory_space<vmem>>
    %dma_start3A_68 = tpu.memref_slice %arg2[%dma_start3A_65, %mul3A_2] : memref<26x16384xi32, #tpu.memory_space<hbm>> -> memref<1x512xi32, #tpu.memory_space<hbm>>
    %dma_start3A_69 = tpu.memref_squeeze %dma_start3A_68 : memref<1x512xi32, #tpu.memory_space<hbm>> -> memref<512xi32, #tpu.memory_space<hbm>>
    %dma_start3A_70 = arith.constant 3584 : i32
    %dma_start3A_71 = tpu.memref_slice %arg6[%dma_start3A_70] : memref<13312xi32, #tpu.memory_space<vmem>> -> memref<512xi32, #tpu.memory_space<vmem>>
    %dma_start3A_72 = tpu.memref_slice %arg2[%dma_start3A_65, %mul3A_2] : memref<26x16384xi32, #tpu.memory_space<hbm>> -> memref<1x512xi32, #tpu.memory_space<hbm>>
    %dma_start3A_73 = tpu.memref_squeeze %dma_start3A_72 : memref<1x512xi32, #tpu.memory_space<hbm>> -> memref<512xi32, #tpu.memory_space<hbm>>
    tpu.enqueue_dma source(%dma_start3A_73 : memref<512xi32, #tpu.memory_space<hbm>>) target(%dma_start3A_71 : memref<512xi32, #tpu.memory_space<vmem>>) target_semaphore(%arg10 : memref<!tpu.dma_semaphore, #tpu.memory_space<semaphore_mem>>)
    %dma_start3A_74 = arith.constant 8 : i32
    %dma_start3A_75 = arith.constant 4096 : i32
    %dma_start3A_76 = tpu.memref_slice %arg6[%dma_start3A_75] : memref<13312xi32, #tpu.memory_space<vmem>> -> memref<512xi32, #tpu.memory_space<vmem>>
    %dma_start3A_77 = tpu.memref_slice %arg2[%dma_start3A_74, %mul3A_2] : memref<26x16384xi32, #tpu.memory_space<hbm>> -> memref<1x512xi32, #tpu.memory_space<hbm>>
    %dma_start3A_78 = tpu.memref_squeeze %dma_start3A_77 : memref<1x512xi32, #tpu.memory_space<hbm>> -> memref<512xi32, #tpu.memory_space<hbm>>
    %dma_start3A_79 = arith.constant 4096 : i32
    %dma_start3A_80 = tpu.memref_slice %arg6[%dma_start3A_79] : memref<13312xi32, #tpu.memory_space<vmem>> -> memref<512xi32, #tpu.memory_space<vmem>>
    %dma_start3A_81 = tpu.memref_slice %arg2[%dma_start3A_74, %mul3A_2] : memref<26x16384xi32, #tpu.memory_space<hbm>> -> memref<1x512xi32, #tpu.memory_space<hbm>>
    %dma_start3A_82 = tpu.memref_squeeze %dma_start3A_81 : memref<1x512xi32, #tpu.memory_space<hbm>> -> memref<512xi32, #tpu.memory_space<hbm>>
    tpu.enqueue_dma source(%dma_start3A_82 : memref<512xi32, #tpu.memory_space<hbm>>) target(%dma_start3A_80 : memref<512xi32, #tpu.memory_space<vmem>>) target_semaphore(%arg10 : memref<!tpu.dma_semaphore, #tpu.memory_space<semaphore_mem>>)
    %dma_start3A_83 = arith.constant 9 : i32
    %dma_start3A_84 = arith.constant 4608 : i32
    %dma_start3A_85 = tpu.memref_slice %arg6[%dma_start3A_84] : memref<13312xi32, #tpu.memory_space<vmem>> -> memref<512xi32, #tpu.memory_space<vmem>>
    %dma_start3A_86 = tpu.memref_slice %arg2[%dma_start3A_83, %mul3A_2] : memref<26x16384xi32, #tpu.memory_space<hbm>> -> memref<1x512xi32, #tpu.memory_space<hbm>>
    %dma_start3A_87 = tpu.memref_squeeze %dma_start3A_86 : memref<1x512xi32, #tpu.memory_space<hbm>> -> memref<512xi32, #tpu.memory_space<hbm>>
    %dma_start3A_88 = arith.constant 4608 : i32
    %dma_start3A_89 = tpu.memref_slice %arg6[%dma_start3A_88] : memref<13312xi32, #tpu.memory_space<vmem>> -> memref<512xi32, #tpu.memory_space<vmem>>
    %dma_start3A_90 = tpu.memref_slice %arg2[%dma_start3A_83, %mul3A_2] : memref<26x16384xi32, #tpu.memory_space<hbm>> -> memref<1x512xi32, #tpu.memory_space<hbm>>
    %dma_start3A_91 = tpu.memref_squeeze %dma_start3A_90 : memref<1x512xi32, #tpu.memory_space<hbm>> -> memref<512xi32, #tpu.memory_space<hbm>>
    tpu.enqueue_dma source(%dma_start3A_91 : memref<512xi32, #tpu.memory_space<hbm>>) target(%dma_start3A_89 : memref<512xi32, #tpu.memory_space<vmem>>) target_semaphore(%arg10 : memref<!tpu.dma_semaphore, #tpu.memory_space<semaphore_mem>>)
    %dma_start3A_92 = arith.constant 10 : i32
    %dma_start3A_93 = arith.constant 5120 : i32
    %dma_start3A_94 = tpu.memref_slice %arg6[%dma_start3A_93] : memref<13312xi32, #tpu.memory_space<vmem>> -> memref<512xi32, #tpu.memory_space<vmem>>
    %dma_start3A_95 = tpu.memref_slice %arg2[%dma_start3A_92, %mul3A_2] : memref<26x16384xi32, #tpu.memory_space<hbm>> -> memref<1x512xi32, #tpu.memory_space<hbm>>
    %dma_start3A_96 = tpu.memref_squeeze %dma_start3A_95 : memref<1x512xi32, #tpu.memory_space<hbm>> -> memref<512xi32, #tpu.memory_space<hbm>>
    %dma_start3A_97 = arith.constant 5120 : i32
    %dma_start3A_98 = tpu.memref_slice %arg6[%dma_start3A_97] : memref<13312xi32, #tpu.memory_space<vmem>> -> memref<512xi32, #tpu.memory_space<vmem>>
    %dma_start3A_99 = tpu.memref_slice %arg2[%dma_start3A_92, %mul3A_2] : memref<26x16384xi32, #tpu.memory_space<hbm>> -> memref<1x512xi32, #tpu.memory_space<hbm>>
    %dma_start3A_100 = tpu.memref_squeeze %dma_start3A_99 : memref<1x512xi32, #tpu.memory_space<hbm>> -> memref<512xi32, #tpu.memory_space<hbm>>
    tpu.enqueue_dma source(%dma_start3A_100 : memref<512xi32, #tpu.memory_space<hbm>>) target(%dma_start3A_98 : memref<512xi32, #tpu.memory_space<vmem>>) target_semaphore(%arg10 : memref<!tpu.dma_semaphore, #tpu.memory_space<semaphore_mem>>)
    %dma_start3A_101 = arith.constant 11 : i32
    %dma_start3A_102 = arith.constant 5632 : i32
    %dma_start3A_103 = tpu.memref_slice %arg6[%dma_start3A_102] : memref<13312xi32, #tpu.memory_space<vmem>> -> memref<512xi32, #tpu.memory_space<vmem>>
    %dma_start3A_104 = tpu.memref_slice %arg2[%dma_start3A_101, %mul3A_2] : memref<26x16384xi32, #tpu.memory_space<hbm>> -> memref<1x512xi32, #tpu.memory_space<hbm>>
    %dma_start3A_105 = tpu.memref_squeeze %dma_start3A_104 : memref<1x512xi32, #tpu.memory_space<hbm>> -> memref<512xi32, #tpu.memory_space<hbm>>
    %dma_start3A_106 = arith.constant 5632 : i32
    %dma_start3A_107 = tpu.memref_slice %arg6[%dma_start3A_106] : memref<13312xi32, #tpu.memory_space<vmem>> -> memref<512xi32, #tpu.memory_space<vmem>>
    %dma_start3A_108 = tpu.memref_slice %arg2[%dma_start3A_101, %mul3A_2] : memref<26x16384xi32, #tpu.memory_space<hbm>> -> memref<1x512xi32, #tpu.memory_space<hbm>>
    %dma_start3A_109 = tpu.memref_squeeze %dma_start3A_108 : memref<1x512xi32, #tpu.memory_space<hbm>> -> memref<512xi32, #tpu.memory_space<hbm>>
    tpu.enqueue_dma source(%dma_start3A_109 : memref<512xi32, #tpu.memory_space<hbm>>) target(%dma_start3A_107 : memref<512xi32, #tpu.memory_space<vmem>>) target_semaphore(%arg10 : memref<!tpu.dma_semaphore, #tpu.memory_space<semaphore_mem>>)
    %dma_start3A_110 = arith.constant 12 : i32
    %dma_start3A_111 = arith.constant 6144 : i32
    %dma_start3A_112 = tpu.memref_slice %arg6[%dma_start3A_111] : memref<13312xi32, #tpu.memory_space<vmem>> -> memref<512xi32, #tpu.memory_space<vmem>>
    %dma_start3A_113 = tpu.memref_slice %arg2[%dma_start3A_110, %mul3A_2] : memref<26x16384xi32, #tpu.memory_space<hbm>> -> memref<1x512xi32, #tpu.memory_space<hbm>>
    %dma_start3A_114 = tpu.memref_squeeze %dma_start3A_113 : memref<1x512xi32, #tpu.memory_space<hbm>> -> memref<512xi32, #tpu.memory_space<hbm>>
    %dma_start3A_115 = arith.constant 6144 : i32
    %dma_start3A_116 = tpu.memref_slice %arg6[%dma_start3A_115] : memref<13312xi32, #tpu.memory_space<vmem>> -> memref<512xi32, #tpu.memory_space<vmem>>
    %dma_start3A_117 = tpu.memref_slice %arg2[%dma_start3A_110, %mul3A_2] : memref<26x16384xi32, #tpu.memory_space<hbm>> -> memref<1x512xi32, #tpu.memory_space<hbm>>
    %dma_start3A_118 = tpu.memref_squeeze %dma_start3A_117 : memref<1x512xi32, #tpu.memory_space<hbm>> -> memref<512xi32, #tpu.memory_space<hbm>>
    tpu.enqueue_dma source(%dma_start3A_118 : memref<512xi32, #tpu.memory_space<hbm>>) target(%dma_start3A_116 : memref<512xi32, #tpu.memory_space<vmem>>) target_semaphore(%arg10 : memref<!tpu.dma_semaphore, #tpu.memory_space<semaphore_mem>>)
    %dma_start3A_119 = arith.constant 13 : i32
    %dma_start3A_120 = arith.constant 6656 : i32
    %dma_start3A_121 = tpu.memref_slice %arg6[%dma_start3A_120] : memref<13312xi32, #tpu.memory_space<vmem>> -> memref<512xi32, #tpu.memory_space<vmem>>
    %dma_start3A_122 = tpu.memref_slice %arg2[%dma_start3A_119, %mul3A_2] : memref<26x16384xi32, #tpu.memory_space<hbm>> -> memref<1x512xi32, #tpu.memory_space<hbm>>
    %dma_start3A_123 = tpu.memref_squeeze %dma_start3A_122 : memref<1x512xi32, #tpu.memory_space<hbm>> -> memref<512xi32, #tpu.memory_space<hbm>>
    %dma_start3A_124 = arith.constant 6656 : i32
    %dma_start3A_125 = tpu.memref_slice %arg6[%dma_start3A_124] : memref<13312xi32, #tpu.memory_space<vmem>> -> memref<512xi32, #tpu.memory_space<vmem>>
    %dma_start3A_126 = tpu.memref_slice %arg2[%dma_start3A_119, %mul3A_2] : memref<26x16384xi32, #tpu.memory_space<hbm>> -> memref<1x512xi32, #tpu.memory_space<hbm>>
    %dma_start3A_127 = tpu.memref_squeeze %dma_start3A_126 : memref<1x512xi32, #tpu.memory_space<hbm>> -> memref<512xi32, #tpu.memory_space<hbm>>
    tpu.enqueue_dma source(%dma_start3A_127 : memref<512xi32, #tpu.memory_space<hbm>>) target(%dma_start3A_125 : memref<512xi32, #tpu.memory_space<vmem>>) target_semaphore(%arg10 : memref<!tpu.dma_semaphore, #tpu.memory_space<semaphore_mem>>)
    %dma_start3A_128 = arith.constant 14 : i32
    %dma_start3A_129 = arith.constant 7168 : i32
    %dma_start3A_130 = tpu.memref_slice %arg6[%dma_start3A_129] : memref<13312xi32, #tpu.memory_space<vmem>> -> memref<512xi32, #tpu.memory_space<vmem>>
    %dma_start3A_131 = tpu.memref_slice %arg2[%dma_start3A_128, %mul3A_2] : memref<26x16384xi32, #tpu.memory_space<hbm>> -> memref<1x512xi32, #tpu.memory_space<hbm>>
    %dma_start3A_132 = tpu.memref_squeeze %dma_start3A_131 : memref<1x512xi32, #tpu.memory_space<hbm>> -> memref<512xi32, #tpu.memory_space<hbm>>
    %dma_start3A_133 = arith.constant 7168 : i32
    %dma_start3A_134 = tpu.memref_slice %arg6[%dma_start3A_133] : memref<13312xi32, #tpu.memory_space<vmem>> -> memref<512xi32, #tpu.memory_space<vmem>>
    %dma_start3A_135 = tpu.memref_slice %arg2[%dma_start3A_128, %mul3A_2] : memref<26x16384xi32, #tpu.memory_space<hbm>> -> memref<1x512xi32, #tpu.memory_space<hbm>>
    %dma_start3A_136 = tpu.memref_squeeze %dma_start3A_135 : memref<1x512xi32, #tpu.memory_space<hbm>> -> memref<512xi32, #tpu.memory_space<hbm>>
    tpu.enqueue_dma source(%dma_start3A_136 : memref<512xi32, #tpu.memory_space<hbm>>) target(%dma_start3A_134 : memref<512xi32, #tpu.memory_space<vmem>>) target_semaphore(%arg10 : memref<!tpu.dma_semaphore, #tpu.memory_space<semaphore_mem>>)
    %dma_start3A_137 = arith.constant 15 : i32
    %dma_start3A_138 = arith.constant 7680 : i32
    %dma_start3A_139 = tpu.memref_slice %arg6[%dma_start3A_138] : memref<13312xi32, #tpu.memory_space<vmem>> -> memref<512xi32, #tpu.memory_space<vmem>>
    %dma_start3A_140 = tpu.memref_slice %arg2[%dma_start3A_137, %mul3A_2] : memref<26x16384xi32, #tpu.memory_space<hbm>> -> memref<1x512xi32, #tpu.memory_space<hbm>>
    %dma_start3A_141 = tpu.memref_squeeze %dma_start3A_140 : memref<1x512xi32, #tpu.memory_space<hbm>> -> memref<512xi32, #tpu.memory_space<hbm>>
    %dma_start3A_142 = arith.constant 7680 : i32
    %dma_start3A_143 = tpu.memref_slice %arg6[%dma_start3A_142] : memref<13312xi32, #tpu.memory_space<vmem>> -> memref<512xi32, #tpu.memory_space<vmem>>
    %dma_start3A_144 = tpu.memref_slice %arg2[%dma_start3A_137, %mul3A_2] : memref<26x16384xi32, #tpu.memory_space<hbm>> -> memref<1x512xi32, #tpu.memory_space<hbm>>
    %dma_start3A_145 = tpu.memref_squeeze %dma_start3A_144 : memref<1x512xi32, #tpu.memory_space<hbm>> -> memref<512xi32, #tpu.memory_space<hbm>>
    tpu.enqueue_dma source(%dma_start3A_145 : memref<512xi32, #tpu.memory_space<hbm>>) target(%dma_start3A_143 : memref<512xi32, #tpu.memory_space<vmem>>) target_semaphore(%arg10 : memref<!tpu.dma_semaphore, #tpu.memory_space<semaphore_mem>>)
    %dma_start3A_146 = arith.constant 16 : i32
    %dma_start3A_147 = arith.constant 8192 : i32
    %dma_start3A_148 = tpu.memref_slice %arg6[%dma_start3A_147] : memref<13312xi32, #tpu.memory_space<vmem>> -> memref<512xi32, #tpu.memory_space<vmem>>
    %dma_start3A_149 = tpu.memref_slice %arg2[%dma_start3A_146, %mul3A_2] : memref<26x16384xi32, #tpu.memory_space<hbm>> -> memref<1x512xi32, #tpu.memory_space<hbm>>
    %dma_start3A_150 = tpu.memref_squeeze %dma_start3A_149 : memref<1x512xi32, #tpu.memory_space<hbm>> -> memref<512xi32, #tpu.memory_space<hbm>>
    %dma_start3A_151 = arith.constant 8192 : i32
    %dma_start3A_152 = tpu.memref_slice %arg6[%dma_start3A_151] : memref<13312xi32, #tpu.memory_space<vmem>> -> memref<512xi32, #tpu.memory_space<vmem>>
    %dma_start3A_153 = tpu.memref_slice %arg2[%dma_start3A_146, %mul3A_2] : memref<26x16384xi32, #tpu.memory_space<hbm>> -> memref<1x512xi32, #tpu.memory_space<hbm>>
    %dma_start3A_154 = tpu.memref_squeeze %dma_start3A_153 : memref<1x512xi32, #tpu.memory_space<hbm>> -> memref<512xi32, #tpu.memory_space<hbm>>
    tpu.enqueue_dma source(%dma_start3A_154 : memref<512xi32, #tpu.memory_space<hbm>>) target(%dma_start3A_152 : memref<512xi32, #tpu.memory_space<vmem>>) target_semaphore(%arg10 : memref<!tpu.dma_semaphore, #tpu.memory_space<semaphore_mem>>)
    %dma_start3A_155 = arith.constant 17 : i32
    %dma_start3A_156 = arith.constant 8704 : i32
    %dma_start3A_157 = tpu.memref_slice %arg6[%dma_start3A_156] : memref<13312xi32, #tpu.memory_space<vmem>> -> memref<512xi32, #tpu.memory_space<vmem>>
    %dma_start3A_158 = tpu.memref_slice %arg2[%dma_start3A_155, %mul3A_2] : memref<26x16384xi32, #tpu.memory_space<hbm>> -> memref<1x512xi32, #tpu.memory_space<hbm>>
    %dma_start3A_159 = tpu.memref_squeeze %dma_start3A_158 : memref<1x512xi32, #tpu.memory_space<hbm>> -> memref<512xi32, #tpu.memory_space<hbm>>
    %dma_start3A_160 = arith.constant 8704 : i32
    %dma_start3A_161 = tpu.memref_slice %arg6[%dma_start3A_160] : memref<13312xi32, #tpu.memory_space<vmem>> -> memref<512xi32, #tpu.memory_space<vmem>>
    %dma_start3A_162 = tpu.memref_slice %arg2[%dma_start3A_155, %mul3A_2] : memref<26x16384xi32, #tpu.memory_space<hbm>> -> memref<1x512xi32, #tpu.memory_space<hbm>>
    %dma_start3A_163 = tpu.memref_squeeze %dma_start3A_162 : memref<1x512xi32, #tpu.memory_space<hbm>> -> memref<512xi32, #tpu.memory_space<hbm>>
    tpu.enqueue_dma source(%dma_start3A_163 : memref<512xi32, #tpu.memory_space<hbm>>) target(%dma_start3A_161 : memref<512xi32, #tpu.memory_space<vmem>>) target_semaphore(%arg10 : memref<!tpu.dma_semaphore, #tpu.memory_space<semaphore_mem>>)
    %dma_start3A_164 = arith.constant 18 : i32
    %dma_start3A_165 = arith.constant 9216 : i32
    %dma_start3A_166 = tpu.memref_slice %arg6[%dma_start3A_165] : memref<13312xi32, #tpu.memory_space<vmem>> -> memref<512xi32, #tpu.memory_space<vmem>>
    %dma_start3A_167 = tpu.memref_slice %arg2[%dma_start3A_164, %mul3A_2] : memref<26x16384xi32, #tpu.memory_space<hbm>> -> memref<1x512xi32, #tpu.memory_space<hbm>>
    %dma_start3A_168 = tpu.memref_squeeze %dma_start3A_167 : memref<1x512xi32, #tpu.memory_space<hbm>> -> memref<512xi32, #tpu.memory_space<hbm>>
    %dma_start3A_169 = arith.constant 9216 : i32
    %dma_start3A_170 = tpu.memref_slice %arg6[%dma_start3A_169] : memref<13312xi32, #tpu.memory_space<vmem>> -> memref<512xi32, #tpu.memory_space<vmem>>
    %dma_start3A_171 = tpu.memref_slice %arg2[%dma_start3A_164, %mul3A_2] : memref<26x16384xi32, #tpu.memory_space<hbm>> -> memref<1x512xi32, #tpu.memory_space<hbm>>
    %dma_start3A_172 = tpu.memref_squeeze %dma_start3A_171 : memref<1x512xi32, #tpu.memory_space<hbm>> -> memref<512xi32, #tpu.memory_space<hbm>>
    tpu.enqueue_dma source(%dma_start3A_172 : memref<512xi32, #tpu.memory_space<hbm>>) target(%dma_start3A_170 : memref<512xi32, #tpu.memory_space<vmem>>) target_semaphore(%arg10 : memref<!tpu.dma_semaphore, #tpu.memory_space<semaphore_mem>>)
    %dma_start3A_173 = arith.constant 19 : i32
    %dma_start3A_174 = arith.constant 9728 : i32
    %dma_start3A_175 = tpu.memref_slice %arg6[%dma_start3A_174] : memref<13312xi32, #tpu.memory_space<vmem>> -> memref<512xi32, #tpu.memory_space<vmem>>
    %dma_start3A_176 = tpu.memref_slice %arg2[%dma_start3A_173, %mul3A_2] : memref<26x16384xi32, #tpu.memory_space<hbm>> -> memref<1x512xi32, #tpu.memory_space<hbm>>
    %dma_start3A_177 = tpu.memref_squeeze %dma_start3A_176 : memref<1x512xi32, #tpu.memory_space<hbm>> -> memref<512xi32, #tpu.memory_space<hbm>>
    %dma_start3A_178 = arith.constant 9728 : i32
    %dma_start3A_179 = tpu.memref_slice %arg6[%dma_start3A_178] : memref<13312xi32, #tpu.memory_space<vmem>> -> memref<512xi32, #tpu.memory_space<vmem>>
    %dma_start3A_180 = tpu.memref_slice %arg2[%dma_start3A_173, %mul3A_2] : memref<26x16384xi32, #tpu.memory_space<hbm>> -> memref<1x512xi32, #tpu.memory_space<hbm>>
    %dma_start3A_181 = tpu.memref_squeeze %dma_start3A_180 : memref<1x512xi32, #tpu.memory_space<hbm>> -> memref<512xi32, #tpu.memory_space<hbm>>
    tpu.enqueue_dma source(%dma_start3A_181 : memref<512xi32, #tpu.memory_space<hbm>>) target(%dma_start3A_179 : memref<512xi32, #tpu.memory_space<vmem>>) target_semaphore(%arg10 : memref<!tpu.dma_semaphore, #tpu.memory_space<semaphore_mem>>)
    %dma_start3A_182 = arith.constant 20 : i32
    %dma_start3A_183 = arith.constant 10240 : i32
    %dma_start3A_184 = tpu.memref_slice %arg6[%dma_start3A_183] : memref<13312xi32, #tpu.memory_space<vmem>> -> memref<512xi32, #tpu.memory_space<vmem>>
    %dma_start3A_185 = tpu.memref_slice %arg2[%dma_start3A_182, %mul3A_2] : memref<26x16384xi32, #tpu.memory_space<hbm>> -> memref<1x512xi32, #tpu.memory_space<hbm>>
    %dma_start3A_186 = tpu.memref_squeeze %dma_start3A_185 : memref<1x512xi32, #tpu.memory_space<hbm>> -> memref<512xi32, #tpu.memory_space<hbm>>
    %dma_start3A_187 = arith.constant 10240 : i32
    %dma_start3A_188 = tpu.memref_slice %arg6[%dma_start3A_187] : memref<13312xi32, #tpu.memory_space<vmem>> -> memref<512xi32, #tpu.memory_space<vmem>>
    %dma_start3A_189 = tpu.memref_slice %arg2[%dma_start3A_182, %mul3A_2] : memref<26x16384xi32, #tpu.memory_space<hbm>> -> memref<1x512xi32, #tpu.memory_space<hbm>>
    %dma_start3A_190 = tpu.memref_squeeze %dma_start3A_189 : memref<1x512xi32, #tpu.memory_space<hbm>> -> memref<512xi32, #tpu.memory_space<hbm>>
    tpu.enqueue_dma source(%dma_start3A_190 : memref<512xi32, #tpu.memory_space<hbm>>) target(%dma_start3A_188 : memref<512xi32, #tpu.memory_space<vmem>>) target_semaphore(%arg10 : memref<!tpu.dma_semaphore, #tpu.memory_space<semaphore_mem>>)
    %dma_start3A_191 = arith.constant 21 : i32
    %dma_start3A_192 = arith.constant 10752 : i32
    %dma_start3A_193 = tpu.memref_slice %arg6[%dma_start3A_192] : memref<13312xi32, #tpu.memory_space<vmem>> -> memref<512xi32, #tpu.memory_space<vmem>>
    %dma_start3A_194 = tpu.memref_slice %arg2[%dma_start3A_191, %mul3A_2] : memref<26x16384xi32, #tpu.memory_space<hbm>> -> memref<1x512xi32, #tpu.memory_space<hbm>>
    %dma_start3A_195 = tpu.memref_squeeze %dma_start3A_194 : memref<1x512xi32, #tpu.memory_space<hbm>> -> memref<512xi32, #tpu.memory_space<hbm>>
    %dma_start3A_196 = arith.constant 10752 : i32
    %dma_start3A_197 = tpu.memref_slice %arg6[%dma_start3A_196] : memref<13312xi32, #tpu.memory_space<vmem>> -> memref<512xi32, #tpu.memory_space<vmem>>
    %dma_start3A_198 = tpu.memref_slice %arg2[%dma_start3A_191, %mul3A_2] : memref<26x16384xi32, #tpu.memory_space<hbm>> -> memref<1x512xi32, #tpu.memory_space<hbm>>
    %dma_start3A_199 = tpu.memref_squeeze %dma_start3A_198 : memref<1x512xi32, #tpu.memory_space<hbm>> -> memref<512xi32, #tpu.memory_space<hbm>>
    tpu.enqueue_dma source(%dma_start3A_199 : memref<512xi32, #tpu.memory_space<hbm>>) target(%dma_start3A_197 : memref<512xi32, #tpu.memory_space<vmem>>) target_semaphore(%arg10 : memref<!tpu.dma_semaphore, #tpu.memory_space<semaphore_mem>>)
    %dma_start3A_200 = arith.constant 22 : i32
    %dma_start3A_201 = arith.constant 11264 : i32
    %dma_start3A_202 = tpu.memref_slice %arg6[%dma_start3A_201] : memref<13312xi32, #tpu.memory_space<vmem>> -> memref<512xi32, #tpu.memory_space<vmem>>
    %dma_start3A_203 = tpu.memref_slice %arg2[%dma_start3A_200, %mul3A_2] : memref<26x16384xi32, #tpu.memory_space<hbm>> -> memref<1x512xi32, #tpu.memory_space<hbm>>
    %dma_start3A_204 = tpu.memref_squeeze %dma_start3A_203 : memref<1x512xi32, #tpu.memory_space<hbm>> -> memref<512xi32, #tpu.memory_space<hbm>>
    %dma_start3A_205 = arith.constant 11264 : i32
    %dma_start3A_206 = tpu.memref_slice %arg6[%dma_start3A_205] : memref<13312xi32, #tpu.memory_space<vmem>> -> memref<512xi32, #tpu.memory_space<vmem>>
    %dma_start3A_207 = tpu.memref_slice %arg2[%dma_start3A_200, %mul3A_2] : memref<26x16384xi32, #tpu.memory_space<hbm>> -> memref<1x512xi32, #tpu.memory_space<hbm>>
    %dma_start3A_208 = tpu.memref_squeeze %dma_start3A_207 : memref<1x512xi32, #tpu.memory_space<hbm>> -> memref<512xi32, #tpu.memory_space<hbm>>
    tpu.enqueue_dma source(%dma_start3A_208 : memref<512xi32, #tpu.memory_space<hbm>>) target(%dma_start3A_206 : memref<512xi32, #tpu.memory_space<vmem>>) target_semaphore(%arg10 : memref<!tpu.dma_semaphore, #tpu.memory_space<semaphore_mem>>)
    %dma_start3A_209 = arith.constant 23 : i32
    %dma_start3A_210 = arith.constant 11776 : i32
    %dma_start3A_211 = tpu.memref_slice %arg6[%dma_start3A_210] : memref<13312xi32, #tpu.memory_space<vmem>> -> memref<512xi32, #tpu.memory_space<vmem>>
    %dma_start3A_212 = tpu.memref_slice %arg2[%dma_start3A_209, %mul3A_2] : memref<26x16384xi32, #tpu.memory_space<hbm>> -> memref<1x512xi32, #tpu.memory_space<hbm>>
    %dma_start3A_213 = tpu.memref_squeeze %dma_start3A_212 : memref<1x512xi32, #tpu.memory_space<hbm>> -> memref<512xi32, #tpu.memory_space<hbm>>
    %dma_start3A_214 = arith.constant 11776 : i32
    %dma_start3A_215 = tpu.memref_slice %arg6[%dma_start3A_214] : memref<13312xi32, #tpu.memory_space<vmem>> -> memref<512xi32, #tpu.memory_space<vmem>>
    %dma_start3A_216 = tpu.memref_slice %arg2[%dma_start3A_209, %mul3A_2] : memref<26x16384xi32, #tpu.memory_space<hbm>> -> memref<1x512xi32, #tpu.memory_space<hbm>>
    %dma_start3A_217 = tpu.memref_squeeze %dma_start3A_216 : memref<1x512xi32, #tpu.memory_space<hbm>> -> memref<512xi32, #tpu.memory_space<hbm>>
    tpu.enqueue_dma source(%dma_start3A_217 : memref<512xi32, #tpu.memory_space<hbm>>) target(%dma_start3A_215 : memref<512xi32, #tpu.memory_space<vmem>>) target_semaphore(%arg10 : memref<!tpu.dma_semaphore, #tpu.memory_space<semaphore_mem>>)
    %dma_start3A_218 = arith.constant 24 : i32
    %dma_start3A_219 = arith.constant 12288 : i32
    %dma_start3A_220 = tpu.memref_slice %arg6[%dma_start3A_219] : memref<13312xi32, #tpu.memory_space<vmem>> -> memref<512xi32, #tpu.memory_space<vmem>>
    %dma_start3A_221 = tpu.memref_slice %arg2[%dma_start3A_218, %mul3A_2] : memref<26x16384xi32, #tpu.memory_space<hbm>> -> memref<1x512xi32, #tpu.memory_space<hbm>>
    %dma_start3A_222 = tpu.memref_squeeze %dma_start3A_221 : memref<1x512xi32, #tpu.memory_space<hbm>> -> memref<512xi32, #tpu.memory_space<hbm>>
    %dma_start3A_223 = arith.constant 12288 : i32
    %dma_start3A_224 = tpu.memref_slice %arg6[%dma_start3A_223] : memref<13312xi32, #tpu.memory_space<vmem>> -> memref<512xi32, #tpu.memory_space<vmem>>
    %dma_start3A_225 = tpu.memref_slice %arg2[%dma_start3A_218, %mul3A_2] : memref<26x16384xi32, #tpu.memory_space<hbm>> -> memref<1x512xi32, #tpu.memory_space<hbm>>
    %dma_start3A_226 = tpu.memref_squeeze %dma_start3A_225 : memref<1x512xi32, #tpu.memory_space<hbm>> -> memref<512xi32, #tpu.memory_space<hbm>>
    tpu.enqueue_dma source(%dma_start3A_226 : memref<512xi32, #tpu.memory_space<hbm>>) target(%dma_start3A_224 : memref<512xi32, #tpu.memory_space<vmem>>) target_semaphore(%arg10 : memref<!tpu.dma_semaphore, #tpu.memory_space<semaphore_mem>>)
    %dma_start3A_227 = arith.constant 25 : i32
    %dma_start3A_228 = arith.constant 12800 : i32
    %dma_start3A_229 = tpu.memref_slice %arg6[%dma_start3A_228] : memref<13312xi32, #tpu.memory_space<vmem>> -> memref<512xi32, #tpu.memory_space<vmem>>
    %dma_start3A_230 = tpu.memref_slice %arg2[%dma_start3A_227, %mul3A_2] : memref<26x16384xi32, #tpu.memory_space<hbm>> -> memref<1x512xi32, #tpu.memory_space<hbm>>
    %dma_start3A_231 = tpu.memref_squeeze %dma_start3A_230 : memref<1x512xi32, #tpu.memory_space<hbm>> -> memref<512xi32, #tpu.memory_space<hbm>>
    %dma_start3A_232 = arith.constant 12800 : i32
    %dma_start3A_233 = tpu.memref_slice %arg6[%dma_start3A_232] : memref<13312xi32, #tpu.memory_space<vmem>> -> memref<512xi32, #tpu.memory_space<vmem>>
    %dma_start3A_234 = tpu.memref_slice %arg2[%dma_start3A_227, %mul3A_2] : memref<26x16384xi32, #tpu.memory_space<hbm>> -> memref<1x512xi32, #tpu.memory_space<hbm>>
    %dma_start3A_235 = tpu.memref_squeeze %dma_start3A_234 : memref<1x512xi32, #tpu.memory_space<hbm>> -> memref<512xi32, #tpu.memory_space<hbm>>
    tpu.enqueue_dma source(%dma_start3A_235 : memref<512xi32, #tpu.memory_space<hbm>>) target(%dma_start3A_233 : memref<512xi32, #tpu.memory_space<vmem>>) target_semaphore(%arg10 : memref<!tpu.dma_semaphore, #tpu.memory_space<semaphore_mem>>)
    "tpu.region"() ({
      %run_scoped3A = tpu.sem_alloc : memref<!tpu.dma_semaphore, #tpu.memory_space<semaphore_mem>>
      tpu.enqueue_dma source(%arg4 : memref<16xf32, #tpu.memory_space<hbm>>) target(%arg9 : memref<16xf32, #tpu.memory_space<vmem>>) target_semaphore(%run_scoped3A : memref<!tpu.dma_semaphore, #tpu.memory_space<semaphore_mem>>)
      tpu.wait_dma2 semaphore(%run_scoped3A : memref<!tpu.dma_semaphore, #tpu.memory_space<semaphore_mem>>) src(%arg4 : memref<16xf32, #tpu.memory_space<hbm>>) dst(%arg9 : memref<16xf32, #tpu.memory_space<vmem>>)
      tpu.yield
    }) : () -> ()
    %scan3A = arith.constant 0 : i32
    %scan3A_236 = arith.constant 0 : i32
    %scan3A_237 = arith.constant 32 : i32
    %scan3A_238 = arith.addi %scan3A_236, %scan3A_237 : i32
    %scan3A_239 = arith.constant 1 : i32
    scf.for %scan3A_1254 = %scan3A_236 to %scan3A_238 step %scan3A_239  : i32 {
      %get3A = arith.constant 0 : index
      %get3A_1255 = tpu.vector_load %arg9[%get3A] {strides = array<i32>} : memref<16xf32, #tpu.memory_space<vmem>>, vector<16xf32>,
      %get3A_1256 = vector.shape_cast %get3A_1255 : vector<16xf32> to vector<16xf32>
      %mul3A_1257 = arith.constant 16 : i32
      %mul3A_1258 = arith.muli %scan3A_1254, %mul3A_1257 : i32
      %swap3A = arith.index_cast %mul3A_1258 : i32 to index
      %swap3A_1259 = tpu.vector_load %arg8[%swap3A] {strides = array<i32>} : memref<512xf32, #tpu.memory_space<vmem>>, vector<16xf32>,
      %swap3A_1260 = vector.shape_cast %swap3A_1259 : vector<16xf32> to vector<16xf32>
      %swap3A_1261 = vector.shape_cast %get3A_1256 : vector<16xf32> to vector<16xf32>
      tpu.vector_store %arg8[%swap3A], %swap3A_1261 {strides = array<i32>} : memref<512xf32, #tpu.memory_space<vmem>>, vector<16xf32>,
    }
    %scan3A_240 = arith.constant 32 : i32
    %dma_wait3A = arith.constant 0 : i32
    %dma_wait3A_241 = arith.constant 0 : i32
    %dma_wait3A_242 = tpu.memref_slice %arg6[%dma_wait3A_241] : memref<13312xi32, #tpu.memory_space<vmem>> -> memref<512xi32, #tpu.memory_space<vmem>>
    %dma_wait3A_243 = tpu.memref_slice %arg2[%dma_wait3A, %mul3A_2] : memref<26x16384xi32, #tpu.memory_space<hbm>> -> memref<1x512xi32, #tpu.memory_space<hbm>>
    %dma_wait3A_244 = tpu.memref_squeeze %dma_wait3A_243 : memref<1x512xi32, #tpu.memory_space<hbm>> -> memref<512xi32, #tpu.memory_space<hbm>>
    %dma_wait3A_245 = arith.constant 0 : i32
    %dma_wait3A_246 = tpu.memref_slice %arg6[%dma_wait3A_245] : memref<13312xi32, #tpu.memory_space<vmem>> -> memref<512xi32, #tpu.memory_space<vmem>>
    %dma_wait3A_247 = tpu.memref_slice %arg2[%dma_wait3A, %mul3A_2] : memref<26x16384xi32, #tpu.memory_space<hbm>> -> memref<1x512xi32, #tpu.memory_space<hbm>>
    %dma_wait3A_248 = tpu.memref_squeeze %dma_wait3A_247 : memref<1x512xi32, #tpu.memory_space<hbm>> -> memref<512xi32, #tpu.memory_space<hbm>>
    tpu.wait_dma2 semaphore(%arg10 : memref<!tpu.dma_semaphore, #tpu.memory_space<semaphore_mem>>) src(%dma_wait3A_248 : memref<512xi32, #tpu.memory_space<hbm>>) dst(%dma_wait3A_246 : memref<512xi32, #tpu.memory_space<vmem>>)
    %dma_start3A_249 = arith.constant 0 : i32
    %dma_start3A_250 = arith.constant 0 : i32
    %dma_start3A_251 = tpu.memref_slice %arg7[%dma_start3A_250] : memref<13312xf32, #tpu.memory_space<vmem>> -> memref<512xf32, #tpu.memory_space<vmem>>
    %dma_start3A_252 = arith.constant 0 : i32
    %dma_start3A_253 = tpu.memref_slice %arg6[%dma_start3A_252] : memref<13312xi32, #tpu.memory_space<vmem>> -> memref<512xi32, #tpu.memory_space<vmem>>
    %dma_start3A_254 = arith.constant 0 : i32
    %dma_start3A_255 = tpu.memref_slice %arg3[%dma_start3A_249, %dma_start3A_254] : memref<1x1040000xf32, #tpu.memory_space<hbm>> -> memref<1x1040000xf32, #tpu.memory_space<hbm>>
    %dma_start3A_256 = tpu.memref_squeeze %dma_start3A_255 : memref<1x1040000xf32, #tpu.memory_space<hbm>> -> memref<1040000xf32, #tpu.memory_space<hbm>>
    %dma_start3A_257 = arith.constant 0 : i32
    %dma_start3A_258 = tpu.memref_slice %dma_start3A_256[%dma_start3A_257] : memref<1040000xf32, #tpu.memory_space<hbm>> -> memref<40000xf32, #tpu.memory_space<hbm>>
    %dma_start3A_259 = arith.constant 0 : i32
    %dma_start3A_260 = tpu.memref_slice %dma_start3A_258[%dma_start3A_259] : memref<40000xf32, #tpu.memory_space<hbm>> -> memref<40000xf32, #tpu.memory_space<hbm>>
    tpu.enqueue_indirect_dma source(%dma_start3A_260 : memref<40000xf32, #tpu.memory_space<hbm>>) target(%dma_start3A_251 : memref<512xf32, #tpu.memory_space<vmem>>) offsets(%dma_start3A_253 : memref<512xi32, #tpu.memory_space<vmem>>) semaphore(%arg11 : memref<!tpu.dma_semaphore, #tpu.memory_space<semaphore_mem>>)
    %dma_wait3A_261 = arith.constant 1 : i32
    %dma_wait3A_262 = arith.constant 512 : i32
    %dma_wait3A_263 = tpu.memref_slice %arg6[%dma_wait3A_262] : memref<13312xi32, #tpu.memory_space<vmem>> -> memref<512xi32, #tpu.memory_space<vmem>>
    %dma_wait3A_264 = tpu.memref_slice %arg2[%dma_wait3A_261, %mul3A_2] : memref<26x16384xi32, #tpu.memory_space<hbm>> -> memref<1x512xi32, #tpu.memory_space<hbm>>
    %dma_wait3A_265 = tpu.memref_squeeze %dma_wait3A_264 : memref<1x512xi32, #tpu.memory_space<hbm>> -> memref<512xi32, #tpu.memory_space<hbm>>
    %dma_wait3A_266 = arith.constant 512 : i32
    %dma_wait3A_267 = tpu.memref_slice %arg6[%dma_wait3A_266] : memref<13312xi32, #tpu.memory_space<vmem>> -> memref<512xi32, #tpu.memory_space<vmem>>
    %dma_wait3A_268 = tpu.memref_slice %arg2[%dma_wait3A_261, %mul3A_2] : memref<26x16384xi32, #tpu.memory_space<hbm>> -> memref<1x512xi32, #tpu.memory_space<hbm>>
    %dma_wait3A_269 = tpu.memref_squeeze %dma_wait3A_268 : memref<1x512xi32, #tpu.memory_space<hbm>> -> memref<512xi32, #tpu.memory_space<hbm>>
    tpu.wait_dma2 semaphore(%arg10 : memref<!tpu.dma_semaphore, #tpu.memory_space<semaphore_mem>>) src(%dma_wait3A_269 : memref<512xi32, #tpu.memory_space<hbm>>) dst(%dma_wait3A_267 : memref<512xi32, #tpu.memory_space<vmem>>)
    %dma_start3A_270 = arith.constant 0 : i32
    %dma_start3A_271 = arith.constant 512 : i32
    %dma_start3A_272 = tpu.memref_slice %arg7[%dma_start3A_271] : memref<13312xf32, #tpu.memory_space<vmem>> -> memref<512xf32, #tpu.memory_space<vmem>>
    %dma_start3A_273 = arith.constant 512 : i32
    %dma_start3A_274 = tpu.memref_slice %arg6[%dma_start3A_273] : memref<13312xi32, #tpu.memory_space<vmem>> -> memref<512xi32, #tpu.memory_space<vmem>>
    %dma_start3A_275 = arith.constant 0 : i32
    %dma_start3A_276 = tpu.memref_slice %arg3[%dma_start3A_270, %dma_start3A_275] : memref<1x1040000xf32, #tpu.memory_space<hbm>> -> memref<1x1040000xf32, #tpu.memory_space<hbm>>
    %dma_start3A_277 = tpu.memref_squeeze %dma_start3A_276 : memref<1x1040000xf32, #tpu.memory_space<hbm>> -> memref<1040000xf32, #tpu.memory_space<hbm>>
    %dma_start3A_278 = arith.constant 40000 : i32
    %dma_start3A_279 = tpu.memref_slice %dma_start3A_277[%dma_start3A_278] : memref<1040000xf32, #tpu.memory_space<hbm>> -> memref<40000xf32, #tpu.memory_space<hbm>>
    %dma_start3A_280 = arith.constant 0 : i32
    %dma_start3A_281 = tpu.memref_slice %dma_start3A_279[%dma_start3A_280] : memref<40000xf32, #tpu.memory_space<hbm>> -> memref<40000xf32, #tpu.memory_space<hbm>>
    tpu.enqueue_indirect_dma source(%dma_start3A_281 : memref<40000xf32, #tpu.memory_space<hbm>>) target(%dma_start3A_272 : memref<512xf32, #tpu.memory_space<vmem>>) offsets(%dma_start3A_274 : memref<512xi32, #tpu.memory_space<vmem>>) semaphore(%arg11 : memref<!tpu.dma_semaphore, #tpu.memory_space<semaphore_mem>>)
    %dma_wait3A_282 = arith.constant 2 : i32
    %dma_wait3A_283 = arith.constant 1024 : i32
    %dma_wait3A_284 = tpu.memref_slice %arg6[%dma_wait3A_283] : memref<13312xi32, #tpu.memory_space<vmem>> -> memref<512xi32, #tpu.memory_space<vmem>>
    %dma_wait3A_285 = tpu.memref_slice %arg2[%dma_wait3A_282, %mul3A_2] : memref<26x16384xi32, #tpu.memory_space<hbm>> -> memref<1x512xi32, #tpu.memory_space<hbm>>
    %dma_wait3A_286 = tpu.memref_squeeze %dma_wait3A_285 : memref<1x512xi32, #tpu.memory_space<hbm>> -> memref<512xi32, #tpu.memory_space<hbm>>
    %dma_wait3A_287 = arith.constant 1024 : i32
    %dma_wait3A_288 = tpu.memref_slice %arg6[%dma_wait3A_287] : memref<13312xi32, #tpu.memory_space<vmem>> -> memref<512xi32, #tpu.memory_space<vmem>>
    %dma_wait3A_289 = tpu.memref_slice %arg2[%dma_wait3A_282, %mul3A_2] : memref<26x16384xi32, #tpu.memory_space<hbm>> -> memref<1x512xi32, #tpu.memory_space<hbm>>
    %dma_wait3A_290 = tpu.memref_squeeze %dma_wait3A_289 : memref<1x512xi32, #tpu.memory_space<hbm>> -> memref<512xi32, #tpu.memory_space<hbm>>
    tpu.wait_dma2 semaphore(%arg10 : memref<!tpu.dma_semaphore, #tpu.memory_space<semaphore_mem>>) src(%dma_wait3A_290 : memref<512xi32, #tpu.memory_space<hbm>>) dst(%dma_wait3A_288 : memref<512xi32, #tpu.memory_space<vmem>>)
    %dma_start3A_291 = arith.constant 0 : i32
    %dma_start3A_292 = arith.constant 1024 : i32
    %dma_start3A_293 = tpu.memref_slice %arg7[%dma_start3A_292] : memref<13312xf32, #tpu.memory_space<vmem>> -> memref<512xf32, #tpu.memory_space<vmem>>
    %dma_start3A_294 = arith.constant 1024 : i32
    %dma_start3A_295 = tpu.memref_slice %arg6[%dma_start3A_294] : memref<13312xi32, #tpu.memory_space<vmem>> -> memref<512xi32, #tpu.memory_space<vmem>>
    %dma_start3A_296 = arith.constant 0 : i32
    %dma_start3A_297 = tpu.memref_slice %arg3[%dma_start3A_291, %dma_start3A_296] : memref<1x1040000xf32, #tpu.memory_space<hbm>> -> memref<1x1040000xf32, #tpu.memory_space<hbm>>
    %dma_start3A_298 = tpu.memref_squeeze %dma_start3A_297 : memref<1x1040000xf32, #tpu.memory_space<hbm>> -> memref<1040000xf32, #tpu.memory_space<hbm>>
    %dma_start3A_299 = arith.constant 80000 : i32
    %dma_start3A_300 = tpu.memref_slice %dma_start3A_298[%dma_start3A_299] : memref<1040000xf32, #tpu.memory_space<hbm>> -> memref<40000xf32, #tpu.memory_space<hbm>>
    %dma_start3A_301 = arith.constant 0 : i32
    %dma_start3A_302 = tpu.memref_slice %dma_start3A_300[%dma_start3A_301] : memref<40000xf32, #tpu.memory_space<hbm>> -> memref<40000xf32, #tpu.memory_space<hbm>>
    tpu.enqueue_indirect_dma source(%dma_start3A_302 : memref<40000xf32, #tpu.memory_space<hbm>>) target(%dma_start3A_293 : memref<512xf32, #tpu.memory_space<vmem>>) offsets(%dma_start3A_295 : memref<512xi32, #tpu.memory_space<vmem>>) semaphore(%arg11 : memref<!tpu.dma_semaphore, #tpu.memory_space<semaphore_mem>>)
    %dma_wait3A_303 = arith.constant 3 : i32
    %dma_wait3A_304 = arith.constant 1536 : i32
    %dma_wait3A_305 = tpu.memref_slice %arg6[%dma_wait3A_304] : memref<13312xi32, #tpu.memory_space<vmem>> -> memref<512xi32, #tpu.memory_space<vmem>>
    %dma_wait3A_306 = tpu.memref_slice %arg2[%dma_wait3A_303, %mul3A_2] : memref<26x16384xi32, #tpu.memory_space<hbm>> -> memref<1x512xi32, #tpu.memory_space<hbm>>
    %dma_wait3A_307 = tpu.memref_squeeze %dma_wait3A_306 : memref<1x512xi32, #tpu.memory_space<hbm>> -> memref<512xi32, #tpu.memory_space<hbm>>
    %dma_wait3A_308 = arith.constant 1536 : i32
    %dma_wait3A_309 = tpu.memref_slice %arg6[%dma_wait3A_308] : memref<13312xi32, #tpu.memory_space<vmem>> -> memref<512xi32, #tpu.memory_space<vmem>>
    %dma_wait3A_310 = tpu.memref_slice %arg2[%dma_wait3A_303, %mul3A_2] : memref<26x16384xi32, #tpu.memory_space<hbm>> -> memref<1x512xi32, #tpu.memory_space<hbm>>
    %dma_wait3A_311 = tpu.memref_squeeze %dma_wait3A_310 : memref<1x512xi32, #tpu.memory_space<hbm>> -> memref<512xi32, #tpu.memory_space<hbm>>
    tpu.wait_dma2 semaphore(%arg10 : memref<!tpu.dma_semaphore, #tpu.memory_space<semaphore_mem>>) src(%dma_wait3A_311 : memref<512xi32, #tpu.memory_space<hbm>>) dst(%dma_wait3A_309 : memref<512xi32, #tpu.memory_space<vmem>>)
    %dma_start3A_312 = arith.constant 0 : i32
    %dma_start3A_313 = arith.constant 1536 : i32
    %dma_start3A_314 = tpu.memref_slice %arg7[%dma_start3A_313] : memref<13312xf32, #tpu.memory_space<vmem>> -> memref<512xf32, #tpu.memory_space<vmem>>
    %dma_start3A_315 = arith.constant 1536 : i32
    %dma_start3A_316 = tpu.memref_slice %arg6[%dma_start3A_315] : memref<13312xi32, #tpu.memory_space<vmem>> -> memref<512xi32, #tpu.memory_space<vmem>>
    %dma_start3A_317 = arith.constant 0 : i32
    %dma_start3A_318 = tpu.memref_slice %arg3[%dma_start3A_312, %dma_start3A_317] : memref<1x1040000xf32, #tpu.memory_space<hbm>> -> memref<1x1040000xf32, #tpu.memory_space<hbm>>
    %dma_start3A_319 = tpu.memref_squeeze %dma_start3A_318 : memref<1x1040000xf32, #tpu.memory_space<hbm>> -> memref<1040000xf32, #tpu.memory_space<hbm>>
    %dma_start3A_320 = arith.constant 120000 : i32
    %dma_start3A_321 = tpu.memref_slice %dma_start3A_319[%dma_start3A_320] : memref<1040000xf32, #tpu.memory_space<hbm>> -> memref<40000xf32, #tpu.memory_space<hbm>>
    %dma_start3A_322 = arith.constant 0 : i32
    %dma_start3A_323 = tpu.memref_slice %dma_start3A_321[%dma_start3A_322] : memref<40000xf32, #tpu.memory_space<hbm>> -> memref<40000xf32, #tpu.memory_space<hbm>>
    tpu.enqueue_indirect_dma source(%dma_start3A_323 : memref<40000xf32, #tpu.memory_space<hbm>>) target(%dma_start3A_314 : memref<512xf32, #tpu.memory_space<vmem>>) offsets(%dma_start3A_316 : memref<512xi32, #tpu.memory_space<vmem>>) semaphore(%arg11 : memref<!tpu.dma_semaphore, #tpu.memory_space<semaphore_mem>>)
    %dma_wait3A_324 = arith.constant 4 : i32
    %dma_wait3A_325 = arith.constant 2048 : i32
    %dma_wait3A_326 = tpu.memref_slice %arg6[%dma_wait3A_325] : memref<13312xi32, #tpu.memory_space<vmem>> -> memref<512xi32, #tpu.memory_space<vmem>>
    %dma_wait3A_327 = tpu.memref_slice %arg2[%dma_wait3A_324, %mul3A_2] : memref<26x16384xi32, #tpu.memory_space<hbm>> -> memref<1x512xi32, #tpu.memory_space<hbm>>
    %dma_wait3A_328 = tpu.memref_squeeze %dma_wait3A_327 : memref<1x512xi32, #tpu.memory_space<hbm>> -> memref<512xi32, #tpu.memory_space<hbm>>
    %dma_wait3A_329 = arith.constant 2048 : i32
    %dma_wait3A_330 = tpu.memref_slice %arg6[%dma_wait3A_329] : memref<13312xi32, #tpu.memory_space<vmem>> -> memref<512xi32, #tpu.memory_space<vmem>>
    %dma_wait3A_331 = tpu.memref_slice %arg2[%dma_wait3A_324, %mul3A_2] : memref<26x16384xi32, #tpu.memory_space<hbm>> -> memref<1x512xi32, #tpu.memory_space<hbm>>
    %dma_wait3A_332 = tpu.memref_squeeze %dma_wait3A_331 : memref<1x512xi32, #tpu.memory_space<hbm>> -> memref<512xi32, #tpu.memory_space<hbm>>
    tpu.wait_dma2 semaphore(%arg10 : memref<!tpu.dma_semaphore, #tpu.memory_space<semaphore_mem>>) src(%dma_wait3A_332 : memref<512xi32, #tpu.memory_space<hbm>>) dst(%dma_wait3A_330 : memref<512xi32, #tpu.memory_space<vmem>>)
    %dma_start3A_333 = arith.constant 0 : i32
    %dma_start3A_334 = arith.constant 2048 : i32
    %dma_start3A_335 = tpu.memref_slice %arg7[%dma_start3A_334] : memref<13312xf32, #tpu.memory_space<vmem>> -> memref<512xf32, #tpu.memory_space<vmem>>
    %dma_start3A_336 = arith.constant 2048 : i32
    %dma_start3A_337 = tpu.memref_slice %arg6[%dma_start3A_336] : memref<13312xi32, #tpu.memory_space<vmem>> -> memref<512xi32, #tpu.memory_space<vmem>>
    %dma_start3A_338 = arith.constant 0 : i32
    %dma_start3A_339 = tpu.memref_slice %arg3[%dma_start3A_333, %dma_start3A_338] : memref<1x1040000xf32, #tpu.memory_space<hbm>> -> memref<1x1040000xf32, #tpu.memory_space<hbm>>
    %dma_start3A_340 = tpu.memref_squeeze %dma_start3A_339 : memref<1x1040000xf32, #tpu.memory_space<hbm>> -> memref<1040000xf32, #tpu.memory_space<hbm>>
    %dma_start3A_341 = arith.constant 160000 : i32
    %dma_start3A_342 = tpu.memref_slice %dma_start3A_340[%dma_start3A_341] : memref<1040000xf32, #tpu.memory_space<hbm>> -> memref<40000xf32, #tpu.memory_space<hbm>>
    %dma_start3A_343 = arith.constant 0 : i32
    %dma_start3A_344 = tpu.memref_slice %dma_start3A_342[%dma_start3A_343] : memref<40000xf32, #tpu.memory_space<hbm>> -> memref<40000xf32, #tpu.memory_space<hbm>>
    tpu.enqueue_indirect_dma source(%dma_start3A_344 : memref<40000xf32, #tpu.memory_space<hbm>>) target(%dma_start3A_335 : memref<512xf32, #tpu.memory_space<vmem>>) offsets(%dma_start3A_337 : memref<512xi32, #tpu.memory_space<vmem>>) semaphore(%arg11 : memref<!tpu.dma_semaphore, #tpu.memory_space<semaphore_mem>>)
    %dma_wait3A_345 = arith.constant 5 : i32
    %dma_wait3A_346 = arith.constant 2560 : i32
    %dma_wait3A_347 = tpu.memref_slice %arg6[%dma_wait3A_346] : memref<13312xi32, #tpu.memory_space<vmem>> -> memref<512xi32, #tpu.memory_space<vmem>>
    %dma_wait3A_348 = tpu.memref_slice %arg2[%dma_wait3A_345, %mul3A_2] : memref<26x16384xi32, #tpu.memory_space<hbm>> -> memref<1x512xi32, #tpu.memory_space<hbm>>
    %dma_wait3A_349 = tpu.memref_squeeze %dma_wait3A_348 : memref<1x512xi32, #tpu.memory_space<hbm>> -> memref<512xi32, #tpu.memory_space<hbm>>
    %dma_wait3A_350 = arith.constant 2560 : i32
    %dma_wait3A_351 = tpu.memref_slice %arg6[%dma_wait3A_350] : memref<13312xi32, #tpu.memory_space<vmem>> -> memref<512xi32, #tpu.memory_space<vmem>>
    %dma_wait3A_352 = tpu.memref_slice %arg2[%dma_wait3A_345, %mul3A_2] : memref<26x16384xi32, #tpu.memory_space<hbm>> -> memref<1x512xi32, #tpu.memory_space<hbm>>
    %dma_wait3A_353 = tpu.memref_squeeze %dma_wait3A_352 : memref<1x512xi32, #tpu.memory_space<hbm>> -> memref<512xi32, #tpu.memory_space<hbm>>
    tpu.wait_dma2 semaphore(%arg10 : memref<!tpu.dma_semaphore, #tpu.memory_space<semaphore_mem>>) src(%dma_wait3A_353 : memref<512xi32, #tpu.memory_space<hbm>>) dst(%dma_wait3A_351 : memref<512xi32, #tpu.memory_space<vmem>>)
    %dma_start3A_354 = arith.constant 0 : i32
    %dma_start3A_355 = arith.constant 2560 : i32
    %dma_start3A_356 = tpu.memref_slice %arg7[%dma_start3A_355] : memref<13312xf32, #tpu.memory_space<vmem>> -> memref<512xf32, #tpu.memory_space<vmem>>
    %dma_start3A_357 = arith.constant 2560 : i32
    %dma_start3A_358 = tpu.memref_slice %arg6[%dma_start3A_357] : memref<13312xi32, #tpu.memory_space<vmem>> -> memref<512xi32, #tpu.memory_space<vmem>>
    %dma_start3A_359 = arith.constant 0 : i32
    %dma_start3A_360 = tpu.memref_slice %arg3[%dma_start3A_354, %dma_start3A_359] : memref<1x1040000xf32, #tpu.memory_space<hbm>> -> memref<1x1040000xf32, #tpu.memory_space<hbm>>
    %dma_start3A_361 = tpu.memref_squeeze %dma_start3A_360 : memref<1x1040000xf32, #tpu.memory_space<hbm>> -> memref<1040000xf32, #tpu.memory_space<hbm>>
    %dma_start3A_362 = arith.constant 200000 : i32
    %dma_start3A_363 = tpu.memref_slice %dma_start3A_361[%dma_start3A_362] : memref<1040000xf32, #tpu.memory_space<hbm>> -> memref<40000xf32, #tpu.memory_space<hbm>>
    %dma_start3A_364 = arith.constant 0 : i32
    %dma_start3A_365 = tpu.memref_slice %dma_start3A_363[%dma_start3A_364] : memref<40000xf32, #tpu.memory_space<hbm>> -> memref<40000xf32, #tpu.memory_space<hbm>>
    tpu.enqueue_indirect_dma source(%dma_start3A_365 : memref<40000xf32, #tpu.memory_space<hbm>>) target(%dma_start3A_356 : memref<512xf32, #tpu.memory_space<vmem>>) offsets(%dma_start3A_358 : memref<512xi32, #tpu.memory_space<vmem>>) semaphore(%arg11 : memref<!tpu.dma_semaphore, #tpu.memory_space<semaphore_mem>>)
    %dma_wait3A_366 = arith.constant 6 : i32
    %dma_wait3A_367 = arith.constant 3072 : i32
    %dma_wait3A_368 = tpu.memref_slice %arg6[%dma_wait3A_367] : memref<13312xi32, #tpu.memory_space<vmem>> -> memref<512xi32, #tpu.memory_space<vmem>>
    %dma_wait3A_369 = tpu.memref_slice %arg2[%dma_wait3A_366, %mul3A_2] : memref<26x16384xi32, #tpu.memory_space<hbm>> -> memref<1x512xi32, #tpu.memory_space<hbm>>
    %dma_wait3A_370 = tpu.memref_squeeze %dma_wait3A_369 : memref<1x512xi32, #tpu.memory_space<hbm>> -> memref<512xi32, #tpu.memory_space<hbm>>
    %dma_wait3A_371 = arith.constant 3072 : i32
    %dma_wait3A_372 = tpu.memref_slice %arg6[%dma_wait3A_371] : memref<13312xi32, #tpu.memory_space<vmem>> -> memref<512xi32, #tpu.memory_space<vmem>>
    %dma_wait3A_373 = tpu.memref_slice %arg2[%dma_wait3A_366, %mul3A_2] : memref<26x16384xi32, #tpu.memory_space<hbm>> -> memref<1x512xi32, #tpu.memory_space<hbm>>
    %dma_wait3A_374 = tpu.memref_squeeze %dma_wait3A_373 : memref<1x512xi32, #tpu.memory_space<hbm>> -> memref<512xi32, #tpu.memory_space<hbm>>
    tpu.wait_dma2 semaphore(%arg10 : memref<!tpu.dma_semaphore, #tpu.memory_space<semaphore_mem>>) src(%dma_wait3A_374 : memref<512xi32, #tpu.memory_space<hbm>>) dst(%dma_wait3A_372 : memref<512xi32, #tpu.memory_space<vmem>>)
    %dma_start3A_375 = arith.constant 0 : i32
    %dma_start3A_376 = arith.constant 3072 : i32
    %dma_start3A_377 = tpu.memref_slice %arg7[%dma_start3A_376] : memref<13312xf32, #tpu.memory_space<vmem>> -> memref<512xf32, #tpu.memory_space<vmem>>
    %dma_start3A_378 = arith.constant 3072 : i32
    %dma_start3A_379 = tpu.memref_slice %arg6[%dma_start3A_378] : memref<13312xi32, #tpu.memory_space<vmem>> -> memref<512xi32, #tpu.memory_space<vmem>>
    %dma_start3A_380 = arith.constant 0 : i32
    %dma_start3A_381 = tpu.memref_slice %arg3[%dma_start3A_375, %dma_start3A_380] : memref<1x1040000xf32, #tpu.memory_space<hbm>> -> memref<1x1040000xf32, #tpu.memory_space<hbm>>
    %dma_start3A_382 = tpu.memref_squeeze %dma_start3A_381 : memref<1x1040000xf32, #tpu.memory_space<hbm>> -> memref<1040000xf32, #tpu.memory_space<hbm>>
    %dma_start3A_383 = arith.constant 240000 : i32
    %dma_start3A_384 = tpu.memref_slice %dma_start3A_382[%dma_start3A_383] : memref<1040000xf32, #tpu.memory_space<hbm>> -> memref<40000xf32, #tpu.memory_space<hbm>>
    %dma_start3A_385 = arith.constant 0 : i32
    %dma_start3A_386 = tpu.memref_slice %dma_start3A_384[%dma_start3A_385] : memref<40000xf32, #tpu.memory_space<hbm>> -> memref<40000xf32, #tpu.memory_space<hbm>>
    tpu.enqueue_indirect_dma source(%dma_start3A_386 : memref<40000xf32, #tpu.memory_space<hbm>>) target(%dma_start3A_377 : memref<512xf32, #tpu.memory_space<vmem>>) offsets(%dma_start3A_379 : memref<512xi32, #tpu.memory_space<vmem>>) semaphore(%arg11 : memref<!tpu.dma_semaphore, #tpu.memory_space<semaphore_mem>>)
    %dma_wait3A_387 = arith.constant 7 : i32
    %dma_wait3A_388 = arith.constant 3584 : i32
    %dma_wait3A_389 = tpu.memref_slice %arg6[%dma_wait3A_388] : memref<13312xi32, #tpu.memory_space<vmem>> -> memref<512xi32, #tpu.memory_space<vmem>>
    %dma_wait3A_390 = tpu.memref_slice %arg2[%dma_wait3A_387, %mul3A_2] : memref<26x16384xi32, #tpu.memory_space<hbm>> -> memref<1x512xi32, #tpu.memory_space<hbm>>
    %dma_wait3A_391 = tpu.memref_squeeze %dma_wait3A_390 : memref<1x512xi32, #tpu.memory_space<hbm>> -> memref<512xi32, #tpu.memory_space<hbm>>
    %dma_wait3A_392 = arith.constant 3584 : i32
    %dma_wait3A_393 = tpu.memref_slice %arg6[%dma_wait3A_392] : memref<13312xi32, #tpu.memory_space<vmem>> -> memref<512xi32, #tpu.memory_space<vmem>>
    %dma_wait3A_394 = tpu.memref_slice %arg2[%dma_wait3A_387, %mul3A_2] : memref<26x16384xi32, #tpu.memory_space<hbm>> -> memref<1x512xi32, #tpu.memory_space<hbm>>
    %dma_wait3A_395 = tpu.memref_squeeze %dma_wait3A_394 : memref<1x512xi32, #tpu.memory_space<hbm>> -> memref<512xi32, #tpu.memory_space<hbm>>
    tpu.wait_dma2 semaphore(%arg10 : memref<!tpu.dma_semaphore, #tpu.memory_space<semaphore_mem>>) src(%dma_wait3A_395 : memref<512xi32, #tpu.memory_space<hbm>>) dst(%dma_wait3A_393 : memref<512xi32, #tpu.memory_space<vmem>>)
    %dma_start3A_396 = arith.constant 0 : i32
    %dma_start3A_397 = arith.constant 3584 : i32
    %dma_start3A_398 = tpu.memref_slice %arg7[%dma_start3A_397] : memref<13312xf32, #tpu.memory_space<vmem>> -> memref<512xf32, #tpu.memory_space<vmem>>
    %dma_start3A_399 = arith.constant 3584 : i32
    %dma_start3A_400 = tpu.memref_slice %arg6[%dma_start3A_399] : memref<13312xi32, #tpu.memory_space<vmem>> -> memref<512xi32, #tpu.memory_space<vmem>>
    %dma_start3A_401 = arith.constant 0 : i32
    %dma_start3A_402 = tpu.memref_slice %arg3[%dma_start3A_396, %dma_start3A_401] : memref<1x1040000xf32, #tpu.memory_space<hbm>> -> memref<1x1040000xf32, #tpu.memory_space<hbm>>
    %dma_start3A_403 = tpu.memref_squeeze %dma_start3A_402 : memref<1x1040000xf32, #tpu.memory_space<hbm>> -> memref<1040000xf32, #tpu.memory_space<hbm>>
    %dma_start3A_404 = arith.constant 280000 : i32
    %dma_start3A_405 = tpu.memref_slice %dma_start3A_403[%dma_start3A_404] : memref<1040000xf32, #tpu.memory_space<hbm>> -> memref<40000xf32, #tpu.memory_space<hbm>>
    %dma_start3A_406 = arith.constant 0 : i32
    %dma_start3A_407 = tpu.memref_slice %dma_start3A_405[%dma_start3A_406] : memref<40000xf32, #tpu.memory_space<hbm>> -> memref<40000xf32, #tpu.memory_space<hbm>>
    tpu.enqueue_indirect_dma source(%dma_start3A_407 : memref<40000xf32, #tpu.memory_space<hbm>>) target(%dma_start3A_398 : memref<512xf32, #tpu.memory_space<vmem>>) offsets(%dma_start3A_400 : memref<512xi32, #tpu.memory_space<vmem>>) semaphore(%arg11 : memref<!tpu.dma_semaphore, #tpu.memory_space<semaphore_mem>>)
    %dma_wait3A_408 = arith.constant 8 : i32
    %dma_wait3A_409 = arith.constant 4096 : i32
    %dma_wait3A_410 = tpu.memref_slice %arg6[%dma_wait3A_409] : memref<13312xi32, #tpu.memory_space<vmem>> -> memref<512xi32, #tpu.memory_space<vmem>>
    %dma_wait3A_411 = tpu.memref_slice %arg2[%dma_wait3A_408, %mul3A_2] : memref<26x16384xi32, #tpu.memory_space<hbm>> -> memref<1x512xi32, #tpu.memory_space<hbm>>
    %dma_wait3A_412 = tpu.memref_squeeze %dma_wait3A_411 : memref<1x512xi32, #tpu.memory_space<hbm>> -> memref<512xi32, #tpu.memory_space<hbm>>
    %dma_wait3A_413 = arith.constant 4096 : i32
    %dma_wait3A_414 = tpu.memref_slice %arg6[%dma_wait3A_413] : memref<13312xi32, #tpu.memory_space<vmem>> -> memref<512xi32, #tpu.memory_space<vmem>>
    %dma_wait3A_415 = tpu.memref_slice %arg2[%dma_wait3A_408, %mul3A_2] : memref<26x16384xi32, #tpu.memory_space<hbm>> -> memref<1x512xi32, #tpu.memory_space<hbm>>
    %dma_wait3A_416 = tpu.memref_squeeze %dma_wait3A_415 : memref<1x512xi32, #tpu.memory_space<hbm>> -> memref<512xi32, #tpu.memory_space<hbm>>
    tpu.wait_dma2 semaphore(%arg10 : memref<!tpu.dma_semaphore, #tpu.memory_space<semaphore_mem>>) src(%dma_wait3A_416 : memref<512xi32, #tpu.memory_space<hbm>>) dst(%dma_wait3A_414 : memref<512xi32, #tpu.memory_space<vmem>>)
    %dma_start3A_417 = arith.constant 0 : i32
    %dma_start3A_418 = arith.constant 4096 : i32
    %dma_start3A_419 = tpu.memref_slice %arg7[%dma_start3A_418] : memref<13312xf32, #tpu.memory_space<vmem>> -> memref<512xf32, #tpu.memory_space<vmem>>
    %dma_start3A_420 = arith.constant 4096 : i32
    %dma_start3A_421 = tpu.memref_slice %arg6[%dma_start3A_420] : memref<13312xi32, #tpu.memory_space<vmem>> -> memref<512xi32, #tpu.memory_space<vmem>>
    %dma_start3A_422 = arith.constant 0 : i32
    %dma_start3A_423 = tpu.memref_slice %arg3[%dma_start3A_417, %dma_start3A_422] : memref<1x1040000xf32, #tpu.memory_space<hbm>> -> memref<1x1040000xf32, #tpu.memory_space<hbm>>
    %dma_start3A_424 = tpu.memref_squeeze %dma_start3A_423 : memref<1x1040000xf32, #tpu.memory_space<hbm>> -> memref<1040000xf32, #tpu.memory_space<hbm>>
    %dma_start3A_425 = arith.constant 320000 : i32
    %dma_start3A_426 = tpu.memref_slice %dma_start3A_424[%dma_start3A_425] : memref<1040000xf32, #tpu.memory_space<hbm>> -> memref<40000xf32, #tpu.memory_space<hbm>>
    %dma_start3A_427 = arith.constant 0 : i32
    %dma_start3A_428 = tpu.memref_slice %dma_start3A_426[%dma_start3A_427] : memref<40000xf32, #tpu.memory_space<hbm>> -> memref<40000xf32, #tpu.memory_space<hbm>>
    tpu.enqueue_indirect_dma source(%dma_start3A_428 : memref<40000xf32, #tpu.memory_space<hbm>>) target(%dma_start3A_419 : memref<512xf32, #tpu.memory_space<vmem>>) offsets(%dma_start3A_421 : memref<512xi32, #tpu.memory_space<vmem>>) semaphore(%arg11 : memref<!tpu.dma_semaphore, #tpu.memory_space<semaphore_mem>>)
    %dma_wait3A_429 = arith.constant 9 : i32
    %dma_wait3A_430 = arith.constant 4608 : i32
    %dma_wait3A_431 = tpu.memref_slice %arg6[%dma_wait3A_430] : memref<13312xi32, #tpu.memory_space<vmem>> -> memref<512xi32, #tpu.memory_space<vmem>>
    %dma_wait3A_432 = tpu.memref_slice %arg2[%dma_wait3A_429, %mul3A_2] : memref<26x16384xi32, #tpu.memory_space<hbm>> -> memref<1x512xi32, #tpu.memory_space<hbm>>
    %dma_wait3A_433 = tpu.memref_squeeze %dma_wait3A_432 : memref<1x512xi32, #tpu.memory_space<hbm>> -> memref<512xi32, #tpu.memory_space<hbm>>
    %dma_wait3A_434 = arith.constant 4608 : i32
    %dma_wait3A_435 = tpu.memref_slice %arg6[%dma_wait3A_434] : memref<13312xi32, #tpu.memory_space<vmem>> -> memref<512xi32, #tpu.memory_space<vmem>>
    %dma_wait3A_436 = tpu.memref_slice %arg2[%dma_wait3A_429, %mul3A_2] : memref<26x16384xi32, #tpu.memory_space<hbm>> -> memref<1x512xi32, #tpu.memory_space<hbm>>
    %dma_wait3A_437 = tpu.memref_squeeze %dma_wait3A_436 : memref<1x512xi32, #tpu.memory_space<hbm>> -> memref<512xi32, #tpu.memory_space<hbm>>
    tpu.wait_dma2 semaphore(%arg10 : memref<!tpu.dma_semaphore, #tpu.memory_space<semaphore_mem>>) src(%dma_wait3A_437 : memref<512xi32, #tpu.memory_space<hbm>>) dst(%dma_wait3A_435 : memref<512xi32, #tpu.memory_space<vmem>>)
    %dma_start3A_438 = arith.constant 0 : i32
    %dma_start3A_439 = arith.constant 4608 : i32
    %dma_start3A_440 = tpu.memref_slice %arg7[%dma_start3A_439] : memref<13312xf32, #tpu.memory_space<vmem>> -> memref<512xf32, #tpu.memory_space<vmem>>
    %dma_start3A_441 = arith.constant 4608 : i32
    %dma_start3A_442 = tpu.memref_slice %arg6[%dma_start3A_441] : memref<13312xi32, #tpu.memory_space<vmem>> -> memref<512xi32, #tpu.memory_space<vmem>>
    %dma_start3A_443 = arith.constant 0 : i32
    %dma_start3A_444 = tpu.memref_slice %arg3[%dma_start3A_438, %dma_start3A_443] : memref<1x1040000xf32, #tpu.memory_space<hbm>> -> memref<1x1040000xf32, #tpu.memory_space<hbm>>
    %dma_start3A_445 = tpu.memref_squeeze %dma_start3A_444 : memref<1x1040000xf32, #tpu.memory_space<hbm>> -> memref<1040000xf32, #tpu.memory_space<hbm>>
    %dma_start3A_446 = arith.constant 360000 : i32
    %dma_start3A_447 = tpu.memref_slice %dma_start3A_445[%dma_start3A_446] : memref<1040000xf32, #tpu.memory_space<hbm>> -> memref<40000xf32, #tpu.memory_space<hbm>>
    %dma_start3A_448 = arith.constant 0 : i32
    %dma_start3A_449 = tpu.memref_slice %dma_start3A_447[%dma_start3A_448] : memref<40000xf32, #tpu.memory_space<hbm>> -> memref<40000xf32, #tpu.memory_space<hbm>>
    tpu.enqueue_indirect_dma source(%dma_start3A_449 : memref<40000xf32, #tpu.memory_space<hbm>>) target(%dma_start3A_440 : memref<512xf32, #tpu.memory_space<vmem>>) offsets(%dma_start3A_442 : memref<512xi32, #tpu.memory_space<vmem>>) semaphore(%arg11 : memref<!tpu.dma_semaphore, #tpu.memory_space<semaphore_mem>>)
    %dma_wait3A_450 = arith.constant 10 : i32
    %dma_wait3A_451 = arith.constant 5120 : i32
    %dma_wait3A_452 = tpu.memref_slice %arg6[%dma_wait3A_451] : memref<13312xi32, #tpu.memory_space<vmem>> -> memref<512xi32, #tpu.memory_space<vmem>>
    %dma_wait3A_453 = tpu.memref_slice %arg2[%dma_wait3A_450, %mul3A_2] : memref<26x16384xi32, #tpu.memory_space<hbm>> -> memref<1x512xi32, #tpu.memory_space<hbm>>
    %dma_wait3A_454 = tpu.memref_squeeze %dma_wait3A_453 : memref<1x512xi32, #tpu.memory_space<hbm>> -> memref<512xi32, #tpu.memory_space<hbm>>
    %dma_wait3A_455 = arith.constant 5120 : i32
    %dma_wait3A_456 = tpu.memref_slice %arg6[%dma_wait3A_455] : memref<13312xi32, #tpu.memory_space<vmem>> -> memref<512xi32, #tpu.memory_space<vmem>>
    %dma_wait3A_457 = tpu.memref_slice %arg2[%dma_wait3A_450, %mul3A_2] : memref<26x16384xi32, #tpu.memory_space<hbm>> -> memref<1x512xi32, #tpu.memory_space<hbm>>
    %dma_wait3A_458 = tpu.memref_squeeze %dma_wait3A_457 : memref<1x512xi32, #tpu.memory_space<hbm>> -> memref<512xi32, #tpu.memory_space<hbm>>
    tpu.wait_dma2 semaphore(%arg10 : memref<!tpu.dma_semaphore, #tpu.memory_space<semaphore_mem>>) src(%dma_wait3A_458 : memref<512xi32, #tpu.memory_space<hbm>>) dst(%dma_wait3A_456 : memref<512xi32, #tpu.memory_space<vmem>>)
    %dma_start3A_459 = arith.constant 0 : i32
    %dma_start3A_460 = arith.constant 5120 : i32
    %dma_start3A_461 = tpu.memref_slice %arg7[%dma_start3A_460] : memref<13312xf32, #tpu.memory_space<vmem>> -> memref<512xf32, #tpu.memory_space<vmem>>
    %dma_start3A_462 = arith.constant 5120 : i32
    %dma_start3A_463 = tpu.memref_slice %arg6[%dma_start3A_462] : memref<13312xi32, #tpu.memory_space<vmem>> -> memref<512xi32, #tpu.memory_space<vmem>>
    %dma_start3A_464 = arith.constant 0 : i32
    %dma_start3A_465 = tpu.memref_slice %arg3[%dma_start3A_459, %dma_start3A_464] : memref<1x1040000xf32, #tpu.memory_space<hbm>> -> memref<1x1040000xf32, #tpu.memory_space<hbm>>
    %dma_start3A_466 = tpu.memref_squeeze %dma_start3A_465 : memref<1x1040000xf32, #tpu.memory_space<hbm>> -> memref<1040000xf32, #tpu.memory_space<hbm>>
    %dma_start3A_467 = arith.constant 400000 : i32
    %dma_start3A_468 = tpu.memref_slice %dma_start3A_466[%dma_start3A_467] : memref<1040000xf32, #tpu.memory_space<hbm>> -> memref<40000xf32, #tpu.memory_space<hbm>>
    %dma_start3A_469 = arith.constant 0 : i32
    %dma_start3A_470 = tpu.memref_slice %dma_start3A_468[%dma_start3A_469] : memref<40000xf32, #tpu.memory_space<hbm>> -> memref<40000xf32, #tpu.memory_space<hbm>>
    tpu.enqueue_indirect_dma source(%dma_start3A_470 : memref<40000xf32, #tpu.memory_space<hbm>>) target(%dma_start3A_461 : memref<512xf32, #tpu.memory_space<vmem>>) offsets(%dma_start3A_463 : memref<512xi32, #tpu.memory_space<vmem>>) semaphore(%arg11 : memref<!tpu.dma_semaphore, #tpu.memory_space<semaphore_mem>>)
    %dma_wait3A_471 = arith.constant 11 : i32
    %dma_wait3A_472 = arith.constant 5632 : i32
    %dma_wait3A_473 = tpu.memref_slice %arg6[%dma_wait3A_472] : memref<13312xi32, #tpu.memory_space<vmem>> -> memref<512xi32, #tpu.memory_space<vmem>>
    %dma_wait3A_474 = tpu.memref_slice %arg2[%dma_wait3A_471, %mul3A_2] : memref<26x16384xi32, #tpu.memory_space<hbm>> -> memref<1x512xi32, #tpu.memory_space<hbm>>
    %dma_wait3A_475 = tpu.memref_squeeze %dma_wait3A_474 : memref<1x512xi32, #tpu.memory_space<hbm>> -> memref<512xi32, #tpu.memory_space<hbm>>
    %dma_wait3A_476 = arith.constant 5632 : i32
    %dma_wait3A_477 = tpu.memref_slice %arg6[%dma_wait3A_476] : memref<13312xi32, #tpu.memory_space<vmem>> -> memref<512xi32, #tpu.memory_space<vmem>>
    %dma_wait3A_478 = tpu.memref_slice %arg2[%dma_wait3A_471, %mul3A_2] : memref<26x16384xi32, #tpu.memory_space<hbm>> -> memref<1x512xi32, #tpu.memory_space<hbm>>
    %dma_wait3A_479 = tpu.memref_squeeze %dma_wait3A_478 : memref<1x512xi32, #tpu.memory_space<hbm>> -> memref<512xi32, #tpu.memory_space<hbm>>
    tpu.wait_dma2 semaphore(%arg10 : memref<!tpu.dma_semaphore, #tpu.memory_space<semaphore_mem>>) src(%dma_wait3A_479 : memref<512xi32, #tpu.memory_space<hbm>>) dst(%dma_wait3A_477 : memref<512xi32, #tpu.memory_space<vmem>>)
    %dma_start3A_480 = arith.constant 0 : i32
    %dma_start3A_481 = arith.constant 5632 : i32
    %dma_start3A_482 = tpu.memref_slice %arg7[%dma_start3A_481] : memref<13312xf32, #tpu.memory_space<vmem>> -> memref<512xf32, #tpu.memory_space<vmem>>
    %dma_start3A_483 = arith.constant 5632 : i32
    %dma_start3A_484 = tpu.memref_slice %arg6[%dma_start3A_483] : memref<13312xi32, #tpu.memory_space<vmem>> -> memref<512xi32, #tpu.memory_space<vmem>>
    %dma_start3A_485 = arith.constant 0 : i32
    %dma_start3A_486 = tpu.memref_slice %arg3[%dma_start3A_480, %dma_start3A_485] : memref<1x1040000xf32, #tpu.memory_space<hbm>> -> memref<1x1040000xf32, #tpu.memory_space<hbm>>
    %dma_start3A_487 = tpu.memref_squeeze %dma_start3A_486 : memref<1x1040000xf32, #tpu.memory_space<hbm>> -> memref<1040000xf32, #tpu.memory_space<hbm>>
    %dma_start3A_488 = arith.constant 440000 : i32
    %dma_start3A_489 = tpu.memref_slice %dma_start3A_487[%dma_start3A_488] : memref<1040000xf32, #tpu.memory_space<hbm>> -> memref<40000xf32, #tpu.memory_space<hbm>>
    %dma_start3A_490 = arith.constant 0 : i32
    %dma_start3A_491 = tpu.memref_slice %dma_start3A_489[%dma_start3A_490] : memref<40000xf32, #tpu.memory_space<hbm>> -> memref<40000xf32, #tpu.memory_space<hbm>>
    tpu.enqueue_indirect_dma source(%dma_start3A_491 : memref<40000xf32, #tpu.memory_space<hbm>>) target(%dma_start3A_482 : memref<512xf32, #tpu.memory_space<vmem>>) offsets(%dma_start3A_484 : memref<512xi32, #tpu.memory_space<vmem>>) semaphore(%arg11 : memref<!tpu.dma_semaphore, #tpu.memory_space<semaphore_mem>>)
    %dma_wait3A_492 = arith.constant 12 : i32
    %dma_wait3A_493 = arith.constant 6144 : i32
    %dma_wait3A_494 = tpu.memref_slice %arg6[%dma_wait3A_493] : memref<13312xi32, #tpu.memory_space<vmem>> -> memref<512xi32, #tpu.memory_space<vmem>>
    %dma_wait3A_495 = tpu.memref_slice %arg2[%dma_wait3A_492, %mul3A_2] : memref<26x16384xi32, #tpu.memory_space<hbm>> -> memref<1x512xi32, #tpu.memory_space<hbm>>
    %dma_wait3A_496 = tpu.memref_squeeze %dma_wait3A_495 : memref<1x512xi32, #tpu.memory_space<hbm>> -> memref<512xi32, #tpu.memory_space<hbm>>
    %dma_wait3A_497 = arith.constant 6144 : i32
    %dma_wait3A_498 = tpu.memref_slice %arg6[%dma_wait3A_497] : memref<13312xi32, #tpu.memory_space<vmem>> -> memref<512xi32, #tpu.memory_space<vmem>>
    %dma_wait3A_499 = tpu.memref_slice %arg2[%dma_wait3A_492, %mul3A_2] : memref<26x16384xi32, #tpu.memory_space<hbm>> -> memref<1x512xi32, #tpu.memory_space<hbm>>
    %dma_wait3A_500 = tpu.memref_squeeze %dma_wait3A_499 : memref<1x512xi32, #tpu.memory_space<hbm>> -> memref<512xi32, #tpu.memory_space<hbm>>
    tpu.wait_dma2 semaphore(%arg10 : memref<!tpu.dma_semaphore, #tpu.memory_space<semaphore_mem>>) src(%dma_wait3A_500 : memref<512xi32, #tpu.memory_space<hbm>>) dst(%dma_wait3A_498 : memref<512xi32, #tpu.memory_space<vmem>>)
    %dma_start3A_501 = arith.constant 0 : i32
    %dma_start3A_502 = arith.constant 6144 : i32
    %dma_start3A_503 = tpu.memref_slice %arg7[%dma_start3A_502] : memref<13312xf32, #tpu.memory_space<vmem>> -> memref<512xf32, #tpu.memory_space<vmem>>
    %dma_start3A_504 = arith.constant 6144 : i32
    %dma_start3A_505 = tpu.memref_slice %arg6[%dma_start3A_504] : memref<13312xi32, #tpu.memory_space<vmem>> -> memref<512xi32, #tpu.memory_space<vmem>>
    %dma_start3A_506 = arith.constant 0 : i32
    %dma_start3A_507 = tpu.memref_slice %arg3[%dma_start3A_501, %dma_start3A_506] : memref<1x1040000xf32, #tpu.memory_space<hbm>> -> memref<1x1040000xf32, #tpu.memory_space<hbm>>
    %dma_start3A_508 = tpu.memref_squeeze %dma_start3A_507 : memref<1x1040000xf32, #tpu.memory_space<hbm>> -> memref<1040000xf32, #tpu.memory_space<hbm>>
    %dma_start3A_509 = arith.constant 480000 : i32
    %dma_start3A_510 = tpu.memref_slice %dma_start3A_508[%dma_start3A_509] : memref<1040000xf32, #tpu.memory_space<hbm>> -> memref<40000xf32, #tpu.memory_space<hbm>>
    %dma_start3A_511 = arith.constant 0 : i32
    %dma_start3A_512 = tpu.memref_slice %dma_start3A_510[%dma_start3A_511] : memref<40000xf32, #tpu.memory_space<hbm>> -> memref<40000xf32, #tpu.memory_space<hbm>>
    tpu.enqueue_indirect_dma source(%dma_start3A_512 : memref<40000xf32, #tpu.memory_space<hbm>>) target(%dma_start3A_503 : memref<512xf32, #tpu.memory_space<vmem>>) offsets(%dma_start3A_505 : memref<512xi32, #tpu.memory_space<vmem>>) semaphore(%arg11 : memref<!tpu.dma_semaphore, #tpu.memory_space<semaphore_mem>>)
    %dma_wait3A_513 = arith.constant 13 : i32
    %dma_wait3A_514 = arith.constant 6656 : i32
    %dma_wait3A_515 = tpu.memref_slice %arg6[%dma_wait3A_514] : memref<13312xi32, #tpu.memory_space<vmem>> -> memref<512xi32, #tpu.memory_space<vmem>>
    %dma_wait3A_516 = tpu.memref_slice %arg2[%dma_wait3A_513, %mul3A_2] : memref<26x16384xi32, #tpu.memory_space<hbm>> -> memref<1x512xi32, #tpu.memory_space<hbm>>
    %dma_wait3A_517 = tpu.memref_squeeze %dma_wait3A_516 : memref<1x512xi32, #tpu.memory_space<hbm>> -> memref<512xi32, #tpu.memory_space<hbm>>
    %dma_wait3A_518 = arith.constant 6656 : i32
    %dma_wait3A_519 = tpu.memref_slice %arg6[%dma_wait3A_518] : memref<13312xi32, #tpu.memory_space<vmem>> -> memref<512xi32, #tpu.memory_space<vmem>>
    %dma_wait3A_520 = tpu.memref_slice %arg2[%dma_wait3A_513, %mul3A_2] : memref<26x16384xi32, #tpu.memory_space<hbm>> -> memref<1x512xi32, #tpu.memory_space<hbm>>
    %dma_wait3A_521 = tpu.memref_squeeze %dma_wait3A_520 : memref<1x512xi32, #tpu.memory_space<hbm>> -> memref<512xi32, #tpu.memory_space<hbm>>
    tpu.wait_dma2 semaphore(%arg10 : memref<!tpu.dma_semaphore, #tpu.memory_space<semaphore_mem>>) src(%dma_wait3A_521 : memref<512xi32, #tpu.memory_space<hbm>>) dst(%dma_wait3A_519 : memref<512xi32, #tpu.memory_space<vmem>>)
    %dma_start3A_522 = arith.constant 0 : i32
    %dma_start3A_523 = arith.constant 6656 : i32
    %dma_start3A_524 = tpu.memref_slice %arg7[%dma_start3A_523] : memref<13312xf32, #tpu.memory_space<vmem>> -> memref<512xf32, #tpu.memory_space<vmem>>
    %dma_start3A_525 = arith.constant 6656 : i32
    %dma_start3A_526 = tpu.memref_slice %arg6[%dma_start3A_525] : memref<13312xi32, #tpu.memory_space<vmem>> -> memref<512xi32, #tpu.memory_space<vmem>>
    %dma_start3A_527 = arith.constant 0 : i32
    %dma_start3A_528 = tpu.memref_slice %arg3[%dma_start3A_522, %dma_start3A_527] : memref<1x1040000xf32, #tpu.memory_space<hbm>> -> memref<1x1040000xf32, #tpu.memory_space<hbm>>
    %dma_start3A_529 = tpu.memref_squeeze %dma_start3A_528 : memref<1x1040000xf32, #tpu.memory_space<hbm>> -> memref<1040000xf32, #tpu.memory_space<hbm>>
    %dma_start3A_530 = arith.constant 520000 : i32
    %dma_start3A_531 = tpu.memref_slice %dma_start3A_529[%dma_start3A_530] : memref<1040000xf32, #tpu.memory_space<hbm>> -> memref<40000xf32, #tpu.memory_space<hbm>>
    %dma_start3A_532 = arith.constant 0 : i32
    %dma_start3A_533 = tpu.memref_slice %dma_start3A_531[%dma_start3A_532] : memref<40000xf32, #tpu.memory_space<hbm>> -> memref<40000xf32, #tpu.memory_space<hbm>>
    tpu.enqueue_indirect_dma source(%dma_start3A_533 : memref<40000xf32, #tpu.memory_space<hbm>>) target(%dma_start3A_524 : memref<512xf32, #tpu.memory_space<vmem>>) offsets(%dma_start3A_526 : memref<512xi32, #tpu.memory_space<vmem>>) semaphore(%arg11 : memref<!tpu.dma_semaphore, #tpu.memory_space<semaphore_mem>>)
    %dma_wait3A_534 = arith.constant 14 : i32
    %dma_wait3A_535 = arith.constant 7168 : i32
    %dma_wait3A_536 = tpu.memref_slice %arg6[%dma_wait3A_535] : memref<13312xi32, #tpu.memory_space<vmem>> -> memref<512xi32, #tpu.memory_space<vmem>>
    %dma_wait3A_537 = tpu.memref_slice %arg2[%dma_wait3A_534, %mul3A_2] : memref<26x16384xi32, #tpu.memory_space<hbm>> -> memref<1x512xi32, #tpu.memory_space<hbm>>
    %dma_wait3A_538 = tpu.memref_squeeze %dma_wait3A_537 : memref<1x512xi32, #tpu.memory_space<hbm>> -> memref<512xi32, #tpu.memory_space<hbm>>
    %dma_wait3A_539 = arith.constant 7168 : i32
    %dma_wait3A_540 = tpu.memref_slice %arg6[%dma_wait3A_539] : memref<13312xi32, #tpu.memory_space<vmem>> -> memref<512xi32, #tpu.memory_space<vmem>>
    %dma_wait3A_541 = tpu.memref_slice %arg2[%dma_wait3A_534, %mul3A_2] : memref<26x16384xi32, #tpu.memory_space<hbm>> -> memref<1x512xi32, #tpu.memory_space<hbm>>
    %dma_wait3A_542 = tpu.memref_squeeze %dma_wait3A_541 : memref<1x512xi32, #tpu.memory_space<hbm>> -> memref<512xi32, #tpu.memory_space<hbm>>
    tpu.wait_dma2 semaphore(%arg10 : memref<!tpu.dma_semaphore, #tpu.memory_space<semaphore_mem>>) src(%dma_wait3A_542 : memref<512xi32, #tpu.memory_space<hbm>>) dst(%dma_wait3A_540 : memref<512xi32, #tpu.memory_space<vmem>>)
    %dma_start3A_543 = arith.constant 0 : i32
    %dma_start3A_544 = arith.constant 7168 : i32
    %dma_start3A_545 = tpu.memref_slice %arg7[%dma_start3A_544] : memref<13312xf32, #tpu.memory_space<vmem>> -> memref<512xf32, #tpu.memory_space<vmem>>
    %dma_start3A_546 = arith.constant 7168 : i32
    %dma_start3A_547 = tpu.memref_slice %arg6[%dma_start3A_546] : memref<13312xi32, #tpu.memory_space<vmem>> -> memref<512xi32, #tpu.memory_space<vmem>>
    %dma_start3A_548 = arith.constant 0 : i32
    %dma_start3A_549 = tpu.memref_slice %arg3[%dma_start3A_543, %dma_start3A_548] : memref<1x1040000xf32, #tpu.memory_space<hbm>> -> memref<1x1040000xf32, #tpu.memory_space<hbm>>
    %dma_start3A_550 = tpu.memref_squeeze %dma_start3A_549 : memref<1x1040000xf32, #tpu.memory_space<hbm>> -> memref<1040000xf32, #tpu.memory_space<hbm>>
    %dma_start3A_551 = arith.constant 560000 : i32
    %dma_start3A_552 = tpu.memref_slice %dma_start3A_550[%dma_start3A_551] : memref<1040000xf32, #tpu.memory_space<hbm>> -> memref<40000xf32, #tpu.memory_space<hbm>>
    %dma_start3A_553 = arith.constant 0 : i32
    %dma_start3A_554 = tpu.memref_slice %dma_start3A_552[%dma_start3A_553] : memref<40000xf32, #tpu.memory_space<hbm>> -> memref<40000xf32, #tpu.memory_space<hbm>>
    tpu.enqueue_indirect_dma source(%dma_start3A_554 : memref<40000xf32, #tpu.memory_space<hbm>>) target(%dma_start3A_545 : memref<512xf32, #tpu.memory_space<vmem>>) offsets(%dma_start3A_547 : memref<512xi32, #tpu.memory_space<vmem>>) semaphore(%arg11 : memref<!tpu.dma_semaphore, #tpu.memory_space<semaphore_mem>>)
    %dma_wait3A_555 = arith.constant 15 : i32
    %dma_wait3A_556 = arith.constant 7680 : i32
    %dma_wait3A_557 = tpu.memref_slice %arg6[%dma_wait3A_556] : memref<13312xi32, #tpu.memory_space<vmem>> -> memref<512xi32, #tpu.memory_space<vmem>>
    %dma_wait3A_558 = tpu.memref_slice %arg2[%dma_wait3A_555, %mul3A_2] : memref<26x16384xi32, #tpu.memory_space<hbm>> -> memref<1x512xi32, #tpu.memory_space<hbm>>
    %dma_wait3A_559 = tpu.memref_squeeze %dma_wait3A_558 : memref<1x512xi32, #tpu.memory_space<hbm>> -> memref<512xi32, #tpu.memory_space<hbm>>
    %dma_wait3A_560 = arith.constant 7680 : i32
    %dma_wait3A_561 = tpu.memref_slice %arg6[%dma_wait3A_560] : memref<13312xi32, #tpu.memory_space<vmem>> -> memref<512xi32, #tpu.memory_space<vmem>>
    %dma_wait3A_562 = tpu.memref_slice %arg2[%dma_wait3A_555, %mul3A_2] : memref<26x16384xi32, #tpu.memory_space<hbm>> -> memref<1x512xi32, #tpu.memory_space<hbm>>
    %dma_wait3A_563 = tpu.memref_squeeze %dma_wait3A_562 : memref<1x512xi32, #tpu.memory_space<hbm>> -> memref<512xi32, #tpu.memory_space<hbm>>
    tpu.wait_dma2 semaphore(%arg10 : memref<!tpu.dma_semaphore, #tpu.memory_space<semaphore_mem>>) src(%dma_wait3A_563 : memref<512xi32, #tpu.memory_space<hbm>>) dst(%dma_wait3A_561 : memref<512xi32, #tpu.memory_space<vmem>>)
    %dma_start3A_564 = arith.constant 0 : i32
    %dma_start3A_565 = arith.constant 7680 : i32
    %dma_start3A_566 = tpu.memref_slice %arg7[%dma_start3A_565] : memref<13312xf32, #tpu.memory_space<vmem>> -> memref<512xf32, #tpu.memory_space<vmem>>
    %dma_start3A_567 = arith.constant 7680 : i32
    %dma_start3A_568 = tpu.memref_slice %arg6[%dma_start3A_567] : memref<13312xi32, #tpu.memory_space<vmem>> -> memref<512xi32, #tpu.memory_space<vmem>>
    %dma_start3A_569 = arith.constant 0 : i32
    %dma_start3A_570 = tpu.memref_slice %arg3[%dma_start3A_564, %dma_start3A_569] : memref<1x1040000xf32, #tpu.memory_space<hbm>> -> memref<1x1040000xf32, #tpu.memory_space<hbm>>
    %dma_start3A_571 = tpu.memref_squeeze %dma_start3A_570 : memref<1x1040000xf32, #tpu.memory_space<hbm>> -> memref<1040000xf32, #tpu.memory_space<hbm>>
    %dma_start3A_572 = arith.constant 600000 : i32
    %dma_start3A_573 = tpu.memref_slice %dma_start3A_571[%dma_start3A_572] : memref<1040000xf32, #tpu.memory_space<hbm>> -> memref<40000xf32, #tpu.memory_space<hbm>>
    %dma_start3A_574 = arith.constant 0 : i32
    %dma_start3A_575 = tpu.memref_slice %dma_start3A_573[%dma_start3A_574] : memref<40000xf32, #tpu.memory_space<hbm>> -> memref<40000xf32, #tpu.memory_space<hbm>>
    tpu.enqueue_indirect_dma source(%dma_start3A_575 : memref<40000xf32, #tpu.memory_space<hbm>>) target(%dma_start3A_566 : memref<512xf32, #tpu.memory_space<vmem>>) offsets(%dma_start3A_568 : memref<512xi32, #tpu.memory_space<vmem>>) semaphore(%arg11 : memref<!tpu.dma_semaphore, #tpu.memory_space<semaphore_mem>>)
    %dma_wait3A_576 = arith.constant 16 : i32
    %dma_wait3A_577 = arith.constant 8192 : i32
    %dma_wait3A_578 = tpu.memref_slice %arg6[%dma_wait3A_577] : memref<13312xi32, #tpu.memory_space<vmem>> -> memref<512xi32, #tpu.memory_space<vmem>>
    %dma_wait3A_579 = tpu.memref_slice %arg2[%dma_wait3A_576, %mul3A_2] : memref<26x16384xi32, #tpu.memory_space<hbm>> -> memref<1x512xi32, #tpu.memory_space<hbm>>
    %dma_wait3A_580 = tpu.memref_squeeze %dma_wait3A_579 : memref<1x512xi32, #tpu.memory_space<hbm>> -> memref<512xi32, #tpu.memory_space<hbm>>
    %dma_wait3A_581 = arith.constant 8192 : i32
    %dma_wait3A_582 = tpu.memref_slice %arg6[%dma_wait3A_581] : memref<13312xi32, #tpu.memory_space<vmem>> -> memref<512xi32, #tpu.memory_space<vmem>>
    %dma_wait3A_583 = tpu.memref_slice %arg2[%dma_wait3A_576, %mul3A_2] : memref<26x16384xi32, #tpu.memory_space<hbm>> -> memref<1x512xi32, #tpu.memory_space<hbm>>
    %dma_wait3A_584 = tpu.memref_squeeze %dma_wait3A_583 : memref<1x512xi32, #tpu.memory_space<hbm>> -> memref<512xi32, #tpu.memory_space<hbm>>
    tpu.wait_dma2 semaphore(%arg10 : memref<!tpu.dma_semaphore, #tpu.memory_space<semaphore_mem>>) src(%dma_wait3A_584 : memref<512xi32, #tpu.memory_space<hbm>>) dst(%dma_wait3A_582 : memref<512xi32, #tpu.memory_space<vmem>>)
    %dma_start3A_585 = arith.constant 0 : i32
    %dma_start3A_586 = arith.constant 8192 : i32
    %dma_start3A_587 = tpu.memref_slice %arg7[%dma_start3A_586] : memref<13312xf32, #tpu.memory_space<vmem>> -> memref<512xf32, #tpu.memory_space<vmem>>
    %dma_start3A_588 = arith.constant 8192 : i32
    %dma_start3A_589 = tpu.memref_slice %arg6[%dma_start3A_588] : memref<13312xi32, #tpu.memory_space<vmem>> -> memref<512xi32, #tpu.memory_space<vmem>>
    %dma_start3A_590 = arith.constant 0 : i32
    %dma_start3A_591 = tpu.memref_slice %arg3[%dma_start3A_585, %dma_start3A_590] : memref<1x1040000xf32, #tpu.memory_space<hbm>> -> memref<1x1040000xf32, #tpu.memory_space<hbm>>
    %dma_start3A_592 = tpu.memref_squeeze %dma_start3A_591 : memref<1x1040000xf32, #tpu.memory_space<hbm>> -> memref<1040000xf32, #tpu.memory_space<hbm>>
    %dma_start3A_593 = arith.constant 640000 : i32
    %dma_start3A_594 = tpu.memref_slice %dma_start3A_592[%dma_start3A_593] : memref<1040000xf32, #tpu.memory_space<hbm>> -> memref<40000xf32, #tpu.memory_space<hbm>>
    %dma_start3A_595 = arith.constant 0 : i32
    %dma_start3A_596 = tpu.memref_slice %dma_start3A_594[%dma_start3A_595] : memref<40000xf32, #tpu.memory_space<hbm>> -> memref<40000xf32, #tpu.memory_space<hbm>>
    tpu.enqueue_indirect_dma source(%dma_start3A_596 : memref<40000xf32, #tpu.memory_space<hbm>>) target(%dma_start3A_587 : memref<512xf32, #tpu.memory_space<vmem>>) offsets(%dma_start3A_589 : memref<512xi32, #tpu.memory_space<vmem>>) semaphore(%arg11 : memref<!tpu.dma_semaphore, #tpu.memory_space<semaphore_mem>>)
    %dma_wait3A_597 = arith.constant 17 : i32
    %dma_wait3A_598 = arith.constant 8704 : i32
    %dma_wait3A_599 = tpu.memref_slice %arg6[%dma_wait3A_598] : memref<13312xi32, #tpu.memory_space<vmem>> -> memref<512xi32, #tpu.memory_space<vmem>>
    %dma_wait3A_600 = tpu.memref_slice %arg2[%dma_wait3A_597, %mul3A_2] : memref<26x16384xi32, #tpu.memory_space<hbm>> -> memref<1x512xi32, #tpu.memory_space<hbm>>
    %dma_wait3A_601 = tpu.memref_squeeze %dma_wait3A_600 : memref<1x512xi32, #tpu.memory_space<hbm>> -> memref<512xi32, #tpu.memory_space<hbm>>
    %dma_wait3A_602 = arith.constant 8704 : i32
    %dma_wait3A_603 = tpu.memref_slice %arg6[%dma_wait3A_602] : memref<13312xi32, #tpu.memory_space<vmem>> -> memref<512xi32, #tpu.memory_space<vmem>>
    %dma_wait3A_604 = tpu.memref_slice %arg2[%dma_wait3A_597, %mul3A_2] : memref<26x16384xi32, #tpu.memory_space<hbm>> -> memref<1x512xi32, #tpu.memory_space<hbm>>
    %dma_wait3A_605 = tpu.memref_squeeze %dma_wait3A_604 : memref<1x512xi32, #tpu.memory_space<hbm>> -> memref<512xi32, #tpu.memory_space<hbm>>
    tpu.wait_dma2 semaphore(%arg10 : memref<!tpu.dma_semaphore, #tpu.memory_space<semaphore_mem>>) src(%dma_wait3A_605 : memref<512xi32, #tpu.memory_space<hbm>>) dst(%dma_wait3A_603 : memref<512xi32, #tpu.memory_space<vmem>>)
    %dma_start3A_606 = arith.constant 0 : i32
    %dma_start3A_607 = arith.constant 8704 : i32
    %dma_start3A_608 = tpu.memref_slice %arg7[%dma_start3A_607] : memref<13312xf32, #tpu.memory_space<vmem>> -> memref<512xf32, #tpu.memory_space<vmem>>
    %dma_start3A_609 = arith.constant 8704 : i32
    %dma_start3A_610 = tpu.memref_slice %arg6[%dma_start3A_609] : memref<13312xi32, #tpu.memory_space<vmem>> -> memref<512xi32, #tpu.memory_space<vmem>>
    %dma_start3A_611 = arith.constant 0 : i32
    %dma_start3A_612 = tpu.memref_slice %arg3[%dma_start3A_606, %dma_start3A_611] : memref<1x1040000xf32, #tpu.memory_space<hbm>> -> memref<1x1040000xf32, #tpu.memory_space<hbm>>
    %dma_start3A_613 = tpu.memref_squeeze %dma_start3A_612 : memref<1x1040000xf32, #tpu.memory_space<hbm>> -> memref<1040000xf32, #tpu.memory_space<hbm>>
    %dma_start3A_614 = arith.constant 680000 : i32
    %dma_start3A_615 = tpu.memref_slice %dma_start3A_613[%dma_start3A_614] : memref<1040000xf32, #tpu.memory_space<hbm>> -> memref<40000xf32, #tpu.memory_space<hbm>>
    %dma_start3A_616 = arith.constant 0 : i32
    %dma_start3A_617 = tpu.memref_slice %dma_start3A_615[%dma_start3A_616] : memref<40000xf32, #tpu.memory_space<hbm>> -> memref<40000xf32, #tpu.memory_space<hbm>>
    tpu.enqueue_indirect_dma source(%dma_start3A_617 : memref<40000xf32, #tpu.memory_space<hbm>>) target(%dma_start3A_608 : memref<512xf32, #tpu.memory_space<vmem>>) offsets(%dma_start3A_610 : memref<512xi32, #tpu.memory_space<vmem>>) semaphore(%arg11 : memref<!tpu.dma_semaphore, #tpu.memory_space<semaphore_mem>>)
    %dma_wait3A_618 = arith.constant 18 : i32
    %dma_wait3A_619 = arith.constant 9216 : i32
    %dma_wait3A_620 = tpu.memref_slice %arg6[%dma_wait3A_619] : memref<13312xi32, #tpu.memory_space<vmem>> -> memref<512xi32, #tpu.memory_space<vmem>>
    %dma_wait3A_621 = tpu.memref_slice %arg2[%dma_wait3A_618, %mul3A_2] : memref<26x16384xi32, #tpu.memory_space<hbm>> -> memref<1x512xi32, #tpu.memory_space<hbm>>
    %dma_wait3A_622 = tpu.memref_squeeze %dma_wait3A_621 : memref<1x512xi32, #tpu.memory_space<hbm>> -> memref<512xi32, #tpu.memory_space<hbm>>
    %dma_wait3A_623 = arith.constant 9216 : i32
    %dma_wait3A_624 = tpu.memref_slice %arg6[%dma_wait3A_623] : memref<13312xi32, #tpu.memory_space<vmem>> -> memref<512xi32, #tpu.memory_space<vmem>>
    %dma_wait3A_625 = tpu.memref_slice %arg2[%dma_wait3A_618, %mul3A_2] : memref<26x16384xi32, #tpu.memory_space<hbm>> -> memref<1x512xi32, #tpu.memory_space<hbm>>
    %dma_wait3A_626 = tpu.memref_squeeze %dma_wait3A_625 : memref<1x512xi32, #tpu.memory_space<hbm>> -> memref<512xi32, #tpu.memory_space<hbm>>
    tpu.wait_dma2 semaphore(%arg10 : memref<!tpu.dma_semaphore, #tpu.memory_space<semaphore_mem>>) src(%dma_wait3A_626 : memref<512xi32, #tpu.memory_space<hbm>>) dst(%dma_wait3A_624 : memref<512xi32, #tpu.memory_space<vmem>>)
    %dma_start3A_627 = arith.constant 0 : i32
    %dma_start3A_628 = arith.constant 9216 : i32
    %dma_start3A_629 = tpu.memref_slice %arg7[%dma_start3A_628] : memref<13312xf32, #tpu.memory_space<vmem>> -> memref<512xf32, #tpu.memory_space<vmem>>
    %dma_start3A_630 = arith.constant 9216 : i32
    %dma_start3A_631 = tpu.memref_slice %arg6[%dma_start3A_630] : memref<13312xi32, #tpu.memory_space<vmem>> -> memref<512xi32, #tpu.memory_space<vmem>>
    %dma_start3A_632 = arith.constant 0 : i32
    %dma_start3A_633 = tpu.memref_slice %arg3[%dma_start3A_627, %dma_start3A_632] : memref<1x1040000xf32, #tpu.memory_space<hbm>> -> memref<1x1040000xf32, #tpu.memory_space<hbm>>
    %dma_start3A_634 = tpu.memref_squeeze %dma_start3A_633 : memref<1x1040000xf32, #tpu.memory_space<hbm>> -> memref<1040000xf32, #tpu.memory_space<hbm>>
    %dma_start3A_635 = arith.constant 720000 : i32
    %dma_start3A_636 = tpu.memref_slice %dma_start3A_634[%dma_start3A_635] : memref<1040000xf32, #tpu.memory_space<hbm>> -> memref<40000xf32, #tpu.memory_space<hbm>>
    %dma_start3A_637 = arith.constant 0 : i32
    %dma_start3A_638 = tpu.memref_slice %dma_start3A_636[%dma_start3A_637] : memref<40000xf32, #tpu.memory_space<hbm>> -> memref<40000xf32, #tpu.memory_space<hbm>>
    tpu.enqueue_indirect_dma source(%dma_start3A_638 : memref<40000xf32, #tpu.memory_space<hbm>>) target(%dma_start3A_629 : memref<512xf32, #tpu.memory_space<vmem>>) offsets(%dma_start3A_631 : memref<512xi32, #tpu.memory_space<vmem>>) semaphore(%arg11 : memref<!tpu.dma_semaphore, #tpu.memory_space<semaphore_mem>>)
    %dma_wait3A_639 = arith.constant 19 : i32
    %dma_wait3A_640 = arith.constant 9728 : i32
    %dma_wait3A_641 = tpu.memref_slice %arg6[%dma_wait3A_640] : memref<13312xi32, #tpu.memory_space<vmem>> -> memref<512xi32, #tpu.memory_space<vmem>>
    %dma_wait3A_642 = tpu.memref_slice %arg2[%dma_wait3A_639, %mul3A_2] : memref<26x16384xi32, #tpu.memory_space<hbm>> -> memref<1x512xi32, #tpu.memory_space<hbm>>
    %dma_wait3A_643 = tpu.memref_squeeze %dma_wait3A_642 : memref<1x512xi32, #tpu.memory_space<hbm>> -> memref<512xi32, #tpu.memory_space<hbm>>
    %dma_wait3A_644 = arith.constant 9728 : i32
    %dma_wait3A_645 = tpu.memref_slice %arg6[%dma_wait3A_644] : memref<13312xi32, #tpu.memory_space<vmem>> -> memref<512xi32, #tpu.memory_space<vmem>>
    %dma_wait3A_646 = tpu.memref_slice %arg2[%dma_wait3A_639, %mul3A_2] : memref<26x16384xi32, #tpu.memory_space<hbm>> -> memref<1x512xi32, #tpu.memory_space<hbm>>
    %dma_wait3A_647 = tpu.memref_squeeze %dma_wait3A_646 : memref<1x512xi32, #tpu.memory_space<hbm>> -> memref<512xi32, #tpu.memory_space<hbm>>
    tpu.wait_dma2 semaphore(%arg10 : memref<!tpu.dma_semaphore, #tpu.memory_space<semaphore_mem>>) src(%dma_wait3A_647 : memref<512xi32, #tpu.memory_space<hbm>>) dst(%dma_wait3A_645 : memref<512xi32, #tpu.memory_space<vmem>>)
    %dma_start3A_648 = arith.constant 0 : i32
    %dma_start3A_649 = arith.constant 9728 : i32
    %dma_start3A_650 = tpu.memref_slice %arg7[%dma_start3A_649] : memref<13312xf32, #tpu.memory_space<vmem>> -> memref<512xf32, #tpu.memory_space<vmem>>
    %dma_start3A_651 = arith.constant 9728 : i32
    %dma_start3A_652 = tpu.memref_slice %arg6[%dma_start3A_651] : memref<13312xi32, #tpu.memory_space<vmem>> -> memref<512xi32, #tpu.memory_space<vmem>>
    %dma_start3A_653 = arith.constant 0 : i32
    %dma_start3A_654 = tpu.memref_slice %arg3[%dma_start3A_648, %dma_start3A_653] : memref<1x1040000xf32, #tpu.memory_space<hbm>> -> memref<1x1040000xf32, #tpu.memory_space<hbm>>
    %dma_start3A_655 = tpu.memref_squeeze %dma_start3A_654 : memref<1x1040000xf32, #tpu.memory_space<hbm>> -> memref<1040000xf32, #tpu.memory_space<hbm>>
    %dma_start3A_656 = arith.constant 760000 : i32
    %dma_start3A_657 = tpu.memref_slice %dma_start3A_655[%dma_start3A_656] : memref<1040000xf32, #tpu.memory_space<hbm>> -> memref<40000xf32, #tpu.memory_space<hbm>>
    %dma_start3A_658 = arith.constant 0 : i32
    %dma_start3A_659 = tpu.memref_slice %dma_start3A_657[%dma_start3A_658] : memref<40000xf32, #tpu.memory_space<hbm>> -> memref<40000xf32, #tpu.memory_space<hbm>>
    tpu.enqueue_indirect_dma source(%dma_start3A_659 : memref<40000xf32, #tpu.memory_space<hbm>>) target(%dma_start3A_650 : memref<512xf32, #tpu.memory_space<vmem>>) offsets(%dma_start3A_652 : memref<512xi32, #tpu.memory_space<vmem>>) semaphore(%arg11 : memref<!tpu.dma_semaphore, #tpu.memory_space<semaphore_mem>>)
    %dma_wait3A_660 = arith.constant 20 : i32
    %dma_wait3A_661 = arith.constant 10240 : i32
    %dma_wait3A_662 = tpu.memref_slice %arg6[%dma_wait3A_661] : memref<13312xi32, #tpu.memory_space<vmem>> -> memref<512xi32, #tpu.memory_space<vmem>>
    %dma_wait3A_663 = tpu.memref_slice %arg2[%dma_wait3A_660, %mul3A_2] : memref<26x16384xi32, #tpu.memory_space<hbm>> -> memref<1x512xi32, #tpu.memory_space<hbm>>
    %dma_wait3A_664 = tpu.memref_squeeze %dma_wait3A_663 : memref<1x512xi32, #tpu.memory_space<hbm>> -> memref<512xi32, #tpu.memory_space<hbm>>
    %dma_wait3A_665 = arith.constant 10240 : i32
    %dma_wait3A_666 = tpu.memref_slice %arg6[%dma_wait3A_665] : memref<13312xi32, #tpu.memory_space<vmem>> -> memref<512xi32, #tpu.memory_space<vmem>>
    %dma_wait3A_667 = tpu.memref_slice %arg2[%dma_wait3A_660, %mul3A_2] : memref<26x16384xi32, #tpu.memory_space<hbm>> -> memref<1x512xi32, #tpu.memory_space<hbm>>
    %dma_wait3A_668 = tpu.memref_squeeze %dma_wait3A_667 : memref<1x512xi32, #tpu.memory_space<hbm>> -> memref<512xi32, #tpu.memory_space<hbm>>
    tpu.wait_dma2 semaphore(%arg10 : memref<!tpu.dma_semaphore, #tpu.memory_space<semaphore_mem>>) src(%dma_wait3A_668 : memref<512xi32, #tpu.memory_space<hbm>>) dst(%dma_wait3A_666 : memref<512xi32, #tpu.memory_space<vmem>>)
    %dma_start3A_669 = arith.constant 0 : i32
    %dma_start3A_670 = arith.constant 10240 : i32
    %dma_start3A_671 = tpu.memref_slice %arg7[%dma_start3A_670] : memref<13312xf32, #tpu.memory_space<vmem>> -> memref<512xf32, #tpu.memory_space<vmem>>
    %dma_start3A_672 = arith.constant 10240 : i32
    %dma_start3A_673 = tpu.memref_slice %arg6[%dma_start3A_672] : memref<13312xi32, #tpu.memory_space<vmem>> -> memref<512xi32, #tpu.memory_space<vmem>>
    %dma_start3A_674 = arith.constant 0 : i32
    %dma_start3A_675 = tpu.memref_slice %arg3[%dma_start3A_669, %dma_start3A_674] : memref<1x1040000xf32, #tpu.memory_space<hbm>> -> memref<1x1040000xf32, #tpu.memory_space<hbm>>
    %dma_start3A_676 = tpu.memref_squeeze %dma_start3A_675 : memref<1x1040000xf32, #tpu.memory_space<hbm>> -> memref<1040000xf32, #tpu.memory_space<hbm>>
    %dma_start3A_677 = arith.constant 800000 : i32
    %dma_start3A_678 = tpu.memref_slice %dma_start3A_676[%dma_start3A_677] : memref<1040000xf32, #tpu.memory_space<hbm>> -> memref<40000xf32, #tpu.memory_space<hbm>>
    %dma_start3A_679 = arith.constant 0 : i32
    %dma_start3A_680 = tpu.memref_slice %dma_start3A_678[%dma_start3A_679] : memref<40000xf32, #tpu.memory_space<hbm>> -> memref<40000xf32, #tpu.memory_space<hbm>>
    tpu.enqueue_indirect_dma source(%dma_start3A_680 : memref<40000xf32, #tpu.memory_space<hbm>>) target(%dma_start3A_671 : memref<512xf32, #tpu.memory_space<vmem>>) offsets(%dma_start3A_673 : memref<512xi32, #tpu.memory_space<vmem>>) semaphore(%arg11 : memref<!tpu.dma_semaphore, #tpu.memory_space<semaphore_mem>>)
    %dma_wait3A_681 = arith.constant 21 : i32
    %dma_wait3A_682 = arith.constant 10752 : i32
    %dma_wait3A_683 = tpu.memref_slice %arg6[%dma_wait3A_682] : memref<13312xi32, #tpu.memory_space<vmem>> -> memref<512xi32, #tpu.memory_space<vmem>>
    %dma_wait3A_684 = tpu.memref_slice %arg2[%dma_wait3A_681, %mul3A_2] : memref<26x16384xi32, #tpu.memory_space<hbm>> -> memref<1x512xi32, #tpu.memory_space<hbm>>
    %dma_wait3A_685 = tpu.memref_squeeze %dma_wait3A_684 : memref<1x512xi32, #tpu.memory_space<hbm>> -> memref<512xi32, #tpu.memory_space<hbm>>
    %dma_wait3A_686 = arith.constant 10752 : i32
    %dma_wait3A_687 = tpu.memref_slice %arg6[%dma_wait3A_686] : memref<13312xi32, #tpu.memory_space<vmem>> -> memref<512xi32, #tpu.memory_space<vmem>>
    %dma_wait3A_688 = tpu.memref_slice %arg2[%dma_wait3A_681, %mul3A_2] : memref<26x16384xi32, #tpu.memory_space<hbm>> -> memref<1x512xi32, #tpu.memory_space<hbm>>
    %dma_wait3A_689 = tpu.memref_squeeze %dma_wait3A_688 : memref<1x512xi32, #tpu.memory_space<hbm>> -> memref<512xi32, #tpu.memory_space<hbm>>
    tpu.wait_dma2 semaphore(%arg10 : memref<!tpu.dma_semaphore, #tpu.memory_space<semaphore_mem>>) src(%dma_wait3A_689 : memref<512xi32, #tpu.memory_space<hbm>>) dst(%dma_wait3A_687 : memref<512xi32, #tpu.memory_space<vmem>>)
    %dma_start3A_690 = arith.constant 0 : i32
    %dma_start3A_691 = arith.constant 10752 : i32
    %dma_start3A_692 = tpu.memref_slice %arg7[%dma_start3A_691] : memref<13312xf32, #tpu.memory_space<vmem>> -> memref<512xf32, #tpu.memory_space<vmem>>
    %dma_start3A_693 = arith.constant 10752 : i32
    %dma_start3A_694 = tpu.memref_slice %arg6[%dma_start3A_693] : memref<13312xi32, #tpu.memory_space<vmem>> -> memref<512xi32, #tpu.memory_space<vmem>>
    %dma_start3A_695 = arith.constant 0 : i32
    %dma_start3A_696 = tpu.memref_slice %arg3[%dma_start3A_690, %dma_start3A_695] : memref<1x1040000xf32, #tpu.memory_space<hbm>> -> memref<1x1040000xf32, #tpu.memory_space<hbm>>
    %dma_start3A_697 = tpu.memref_squeeze %dma_start3A_696 : memref<1x1040000xf32, #tpu.memory_space<hbm>> -> memref<1040000xf32, #tpu.memory_space<hbm>>
    %dma_start3A_698 = arith.constant 840000 : i32
    %dma_start3A_699 = tpu.memref_slice %dma_start3A_697[%dma_start3A_698] : memref<1040000xf32, #tpu.memory_space<hbm>> -> memref<40000xf32, #tpu.memory_space<hbm>>
    %dma_start3A_700 = arith.constant 0 : i32
    %dma_start3A_701 = tpu.memref_slice %dma_start3A_699[%dma_start3A_700] : memref<40000xf32, #tpu.memory_space<hbm>> -> memref<40000xf32, #tpu.memory_space<hbm>>
    tpu.enqueue_indirect_dma source(%dma_start3A_701 : memref<40000xf32, #tpu.memory_space<hbm>>) target(%dma_start3A_692 : memref<512xf32, #tpu.memory_space<vmem>>) offsets(%dma_start3A_694 : memref<512xi32, #tpu.memory_space<vmem>>) semaphore(%arg11 : memref<!tpu.dma_semaphore, #tpu.memory_space<semaphore_mem>>)
    %dma_wait3A_702 = arith.constant 22 : i32
    %dma_wait3A_703 = arith.constant 11264 : i32
    %dma_wait3A_704 = tpu.memref_slice %arg6[%dma_wait3A_703] : memref<13312xi32, #tpu.memory_space<vmem>> -> memref<512xi32, #tpu.memory_space<vmem>>
    %dma_wait3A_705 = tpu.memref_slice %arg2[%dma_wait3A_702, %mul3A_2] : memref<26x16384xi32, #tpu.memory_space<hbm>> -> memref<1x512xi32, #tpu.memory_space<hbm>>
    %dma_wait3A_706 = tpu.memref_squeeze %dma_wait3A_705 : memref<1x512xi32, #tpu.memory_space<hbm>> -> memref<512xi32, #tpu.memory_space<hbm>>
    %dma_wait3A_707 = arith.constant 11264 : i32
    %dma_wait3A_708 = tpu.memref_slice %arg6[%dma_wait3A_707] : memref<13312xi32, #tpu.memory_space<vmem>> -> memref<512xi32, #tpu.memory_space<vmem>>
    %dma_wait3A_709 = tpu.memref_slice %arg2[%dma_wait3A_702, %mul3A_2] : memref<26x16384xi32, #tpu.memory_space<hbm>> -> memref<1x512xi32, #tpu.memory_space<hbm>>
    %dma_wait3A_710 = tpu.memref_squeeze %dma_wait3A_709 : memref<1x512xi32, #tpu.memory_space<hbm>> -> memref<512xi32, #tpu.memory_space<hbm>>
    tpu.wait_dma2 semaphore(%arg10 : memref<!tpu.dma_semaphore, #tpu.memory_space<semaphore_mem>>) src(%dma_wait3A_710 : memref<512xi32, #tpu.memory_space<hbm>>) dst(%dma_wait3A_708 : memref<512xi32, #tpu.memory_space<vmem>>)
    %dma_start3A_711 = arith.constant 0 : i32
    %dma_start3A_712 = arith.constant 11264 : i32
    %dma_start3A_713 = tpu.memref_slice %arg7[%dma_start3A_712] : memref<13312xf32, #tpu.memory_space<vmem>> -> memref<512xf32, #tpu.memory_space<vmem>>
    %dma_start3A_714 = arith.constant 11264 : i32
    %dma_start3A_715 = tpu.memref_slice %arg6[%dma_start3A_714] : memref<13312xi32, #tpu.memory_space<vmem>> -> memref<512xi32, #tpu.memory_space<vmem>>
    %dma_start3A_716 = arith.constant 0 : i32
    %dma_start3A_717 = tpu.memref_slice %arg3[%dma_start3A_711, %dma_start3A_716] : memref<1x1040000xf32, #tpu.memory_space<hbm>> -> memref<1x1040000xf32, #tpu.memory_space<hbm>>
    %dma_start3A_718 = tpu.memref_squeeze %dma_start3A_717 : memref<1x1040000xf32, #tpu.memory_space<hbm>> -> memref<1040000xf32, #tpu.memory_space<hbm>>
    %dma_start3A_719 = arith.constant 880000 : i32
    %dma_start3A_720 = tpu.memref_slice %dma_start3A_718[%dma_start3A_719] : memref<1040000xf32, #tpu.memory_space<hbm>> -> memref<40000xf32, #tpu.memory_space<hbm>>
    %dma_start3A_721 = arith.constant 0 : i32
    %dma_start3A_722 = tpu.memref_slice %dma_start3A_720[%dma_start3A_721] : memref<40000xf32, #tpu.memory_space<hbm>> -> memref<40000xf32, #tpu.memory_space<hbm>>
    tpu.enqueue_indirect_dma source(%dma_start3A_722 : memref<40000xf32, #tpu.memory_space<hbm>>) target(%dma_start3A_713 : memref<512xf32, #tpu.memory_space<vmem>>) offsets(%dma_start3A_715 : memref<512xi32, #tpu.memory_space<vmem>>) semaphore(%arg11 : memref<!tpu.dma_semaphore, #tpu.memory_space<semaphore_mem>>)
    %dma_wait3A_723 = arith.constant 23 : i32
    %dma_wait3A_724 = arith.constant 11776 : i32
    %dma_wait3A_725 = tpu.memref_slice %arg6[%dma_wait3A_724] : memref<13312xi32, #tpu.memory_space<vmem>> -> memref<512xi32, #tpu.memory_space<vmem>>
    %dma_wait3A_726 = tpu.memref_slice %arg2[%dma_wait3A_723, %mul3A_2] : memref<26x16384xi32, #tpu.memory_space<hbm>> -> memref<1x512xi32, #tpu.memory_space<hbm>>
    %dma_wait3A_727 = tpu.memref_squeeze %dma_wait3A_726 : memref<1x512xi32, #tpu.memory_space<hbm>> -> memref<512xi32, #tpu.memory_space<hbm>>
    %dma_wait3A_728 = arith.constant 11776 : i32
    %dma_wait3A_729 = tpu.memref_slice %arg6[%dma_wait3A_728] : memref<13312xi32, #tpu.memory_space<vmem>> -> memref<512xi32, #tpu.memory_space<vmem>>
    %dma_wait3A_730 = tpu.memref_slice %arg2[%dma_wait3A_723, %mul3A_2] : memref<26x16384xi32, #tpu.memory_space<hbm>> -> memref<1x512xi32, #tpu.memory_space<hbm>>
    %dma_wait3A_731 = tpu.memref_squeeze %dma_wait3A_730 : memref<1x512xi32, #tpu.memory_space<hbm>> -> memref<512xi32, #tpu.memory_space<hbm>>
    tpu.wait_dma2 semaphore(%arg10 : memref<!tpu.dma_semaphore, #tpu.memory_space<semaphore_mem>>) src(%dma_wait3A_731 : memref<512xi32, #tpu.memory_space<hbm>>) dst(%dma_wait3A_729 : memref<512xi32, #tpu.memory_space<vmem>>)
    %dma_start3A_732 = arith.constant 0 : i32
    %dma_start3A_733 = arith.constant 11776 : i32
    %dma_start3A_734 = tpu.memref_slice %arg7[%dma_start3A_733] : memref<13312xf32, #tpu.memory_space<vmem>> -> memref<512xf32, #tpu.memory_space<vmem>>
    %dma_start3A_735 = arith.constant 11776 : i32
    %dma_start3A_736 = tpu.memref_slice %arg6[%dma_start3A_735] : memref<13312xi32, #tpu.memory_space<vmem>> -> memref<512xi32, #tpu.memory_space<vmem>>
    %dma_start3A_737 = arith.constant 0 : i32
    %dma_start3A_738 = tpu.memref_slice %arg3[%dma_start3A_732, %dma_start3A_737] : memref<1x1040000xf32, #tpu.memory_space<hbm>> -> memref<1x1040000xf32, #tpu.memory_space<hbm>>
    %dma_start3A_739 = tpu.memref_squeeze %dma_start3A_738 : memref<1x1040000xf32, #tpu.memory_space<hbm>> -> memref<1040000xf32, #tpu.memory_space<hbm>>
    %dma_start3A_740 = arith.constant 920000 : i32
    %dma_start3A_741 = tpu.memref_slice %dma_start3A_739[%dma_start3A_740] : memref<1040000xf32, #tpu.memory_space<hbm>> -> memref<40000xf32, #tpu.memory_space<hbm>>
    %dma_start3A_742 = arith.constant 0 : i32
    %dma_start3A_743 = tpu.memref_slice %dma_start3A_741[%dma_start3A_742] : memref<40000xf32, #tpu.memory_space<hbm>> -> memref<40000xf32, #tpu.memory_space<hbm>>
    tpu.enqueue_indirect_dma source(%dma_start3A_743 : memref<40000xf32, #tpu.memory_space<hbm>>) target(%dma_start3A_734 : memref<512xf32, #tpu.memory_space<vmem>>) offsets(%dma_start3A_736 : memref<512xi32, #tpu.memory_space<vmem>>) semaphore(%arg11 : memref<!tpu.dma_semaphore, #tpu.memory_space<semaphore_mem>>)
    %dma_wait3A_744 = arith.constant 24 : i32
    %dma_wait3A_745 = arith.constant 12288 : i32
    %dma_wait3A_746 = tpu.memref_slice %arg6[%dma_wait3A_745] : memref<13312xi32, #tpu.memory_space<vmem>> -> memref<512xi32, #tpu.memory_space<vmem>>
    %dma_wait3A_747 = tpu.memref_slice %arg2[%dma_wait3A_744, %mul3A_2] : memref<26x16384xi32, #tpu.memory_space<hbm>> -> memref<1x512xi32, #tpu.memory_space<hbm>>
    %dma_wait3A_748 = tpu.memref_squeeze %dma_wait3A_747 : memref<1x512xi32, #tpu.memory_space<hbm>> -> memref<512xi32, #tpu.memory_space<hbm>>
    %dma_wait3A_749 = arith.constant 12288 : i32
    %dma_wait3A_750 = tpu.memref_slice %arg6[%dma_wait3A_749] : memref<13312xi32, #tpu.memory_space<vmem>> -> memref<512xi32, #tpu.memory_space<vmem>>
    %dma_wait3A_751 = tpu.memref_slice %arg2[%dma_wait3A_744, %mul3A_2] : memref<26x16384xi32, #tpu.memory_space<hbm>> -> memref<1x512xi32, #tpu.memory_space<hbm>>
    %dma_wait3A_752 = tpu.memref_squeeze %dma_wait3A_751 : memref<1x512xi32, #tpu.memory_space<hbm>> -> memref<512xi32, #tpu.memory_space<hbm>>
    tpu.wait_dma2 semaphore(%arg10 : memref<!tpu.dma_semaphore, #tpu.memory_space<semaphore_mem>>) src(%dma_wait3A_752 : memref<512xi32, #tpu.memory_space<hbm>>) dst(%dma_wait3A_750 : memref<512xi32, #tpu.memory_space<vmem>>)
    %dma_start3A_753 = arith.constant 0 : i32
    %dma_start3A_754 = arith.constant 12288 : i32
    %dma_start3A_755 = tpu.memref_slice %arg7[%dma_start3A_754] : memref<13312xf32, #tpu.memory_space<vmem>> -> memref<512xf32, #tpu.memory_space<vmem>>
    %dma_start3A_756 = arith.constant 12288 : i32
    %dma_start3A_757 = tpu.memref_slice %arg6[%dma_start3A_756] : memref<13312xi32, #tpu.memory_space<vmem>> -> memref<512xi32, #tpu.memory_space<vmem>>
    %dma_start3A_758 = arith.constant 0 : i32
    %dma_start3A_759 = tpu.memref_slice %arg3[%dma_start3A_753, %dma_start3A_758] : memref<1x1040000xf32, #tpu.memory_space<hbm>> -> memref<1x1040000xf32, #tpu.memory_space<hbm>>
    %dma_start3A_760 = tpu.memref_squeeze %dma_start3A_759 : memref<1x1040000xf32, #tpu.memory_space<hbm>> -> memref<1040000xf32, #tpu.memory_space<hbm>>
    %dma_start3A_761 = arith.constant 960000 : i32
    %dma_start3A_762 = tpu.memref_slice %dma_start3A_760[%dma_start3A_761] : memref<1040000xf32, #tpu.memory_space<hbm>> -> memref<40000xf32, #tpu.memory_space<hbm>>
    %dma_start3A_763 = arith.constant 0 : i32
    %dma_start3A_764 = tpu.memref_slice %dma_start3A_762[%dma_start3A_763] : memref<40000xf32, #tpu.memory_space<hbm>> -> memref<40000xf32, #tpu.memory_space<hbm>>
    tpu.enqueue_indirect_dma source(%dma_start3A_764 : memref<40000xf32, #tpu.memory_space<hbm>>) target(%dma_start3A_755 : memref<512xf32, #tpu.memory_space<vmem>>) offsets(%dma_start3A_757 : memref<512xi32, #tpu.memory_space<vmem>>) semaphore(%arg11 : memref<!tpu.dma_semaphore, #tpu.memory_space<semaphore_mem>>)
    %dma_wait3A_765 = arith.constant 25 : i32
    %dma_wait3A_766 = arith.constant 12800 : i32
    %dma_wait3A_767 = tpu.memref_slice %arg6[%dma_wait3A_766] : memref<13312xi32, #tpu.memory_space<vmem>> -> memref<512xi32, #tpu.memory_space<vmem>>
    %dma_wait3A_768 = tpu.memref_slice %arg2[%dma_wait3A_765, %mul3A_2] : memref<26x16384xi32, #tpu.memory_space<hbm>> -> memref<1x512xi32, #tpu.memory_space<hbm>>
    %dma_wait3A_769 = tpu.memref_squeeze %dma_wait3A_768 : memref<1x512xi32, #tpu.memory_space<hbm>> -> memref<512xi32, #tpu.memory_space<hbm>>
    %dma_wait3A_770 = arith.constant 12800 : i32
    %dma_wait3A_771 = tpu.memref_slice %arg6[%dma_wait3A_770] : memref<13312xi32, #tpu.memory_space<vmem>> -> memref<512xi32, #tpu.memory_space<vmem>>
    %dma_wait3A_772 = tpu.memref_slice %arg2[%dma_wait3A_765, %mul3A_2] : memref<26x16384xi32, #tpu.memory_space<hbm>> -> memref<1x512xi32, #tpu.memory_space<hbm>>
    %dma_wait3A_773 = tpu.memref_squeeze %dma_wait3A_772 : memref<1x512xi32, #tpu.memory_space<hbm>> -> memref<512xi32, #tpu.memory_space<hbm>>
    tpu.wait_dma2 semaphore(%arg10 : memref<!tpu.dma_semaphore, #tpu.memory_space<semaphore_mem>>) src(%dma_wait3A_773 : memref<512xi32, #tpu.memory_space<hbm>>) dst(%dma_wait3A_771 : memref<512xi32, #tpu.memory_space<vmem>>)
    %dma_start3A_774 = arith.constant 0 : i32
    %dma_start3A_775 = arith.constant 12800 : i32
    %dma_start3A_776 = tpu.memref_slice %arg7[%dma_start3A_775] : memref<13312xf32, #tpu.memory_space<vmem>> -> memref<512xf32, #tpu.memory_space<vmem>>
    %dma_start3A_777 = arith.constant 12800 : i32
    %dma_start3A_778 = tpu.memref_slice %arg6[%dma_start3A_777] : memref<13312xi32, #tpu.memory_space<vmem>> -> memref<512xi32, #tpu.memory_space<vmem>>
    %dma_start3A_779 = arith.constant 0 : i32
    %dma_start3A_780 = tpu.memref_slice %arg3[%dma_start3A_774, %dma_start3A_779] : memref<1x1040000xf32, #tpu.memory_space<hbm>> -> memref<1x1040000xf32, #tpu.memory_space<hbm>>
    %dma_start3A_781 = tpu.memref_squeeze %dma_start3A_780 : memref<1x1040000xf32, #tpu.memory_space<hbm>> -> memref<1040000xf32, #tpu.memory_space<hbm>>
    %dma_start3A_782 = arith.constant 1000000 : i32
    %dma_start3A_783 = tpu.memref_slice %dma_start3A_781[%dma_start3A_782] : memref<1040000xf32, #tpu.memory_space<hbm>> -> memref<40000xf32, #tpu.memory_space<hbm>>
    %dma_start3A_784 = arith.constant 0 : i32
    %dma_start3A_785 = tpu.memref_slice %dma_start3A_783[%dma_start3A_784] : memref<40000xf32, #tpu.memory_space<hbm>> -> memref<40000xf32, #tpu.memory_space<hbm>>
    tpu.enqueue_indirect_dma source(%dma_start3A_785 : memref<40000xf32, #tpu.memory_space<hbm>>) target(%dma_start3A_776 : memref<512xf32, #tpu.memory_space<vmem>>) offsets(%dma_start3A_778 : memref<512xi32, #tpu.memory_space<vmem>>) semaphore(%arg11 : memref<!tpu.dma_semaphore, #tpu.memory_space<semaphore_mem>>)
    %dma_wait3A_786 = arith.constant 0 : i32
    %dma_wait3A_787 = arith.constant 0 : i32
    %dma_wait3A_788 = tpu.memref_slice %arg7[%dma_wait3A_787] : memref<13312xf32, #tpu.memory_space<vmem>> -> memref<512xf32, #tpu.memory_space<vmem>>
    %dma_wait3A_789 = arith.constant 0 : i32
    %dma_wait3A_790 = tpu.memref_slice %arg6[%dma_wait3A_789] : memref<13312xi32, #tpu.memory_space<vmem>> -> memref<512xi32, #tpu.memory_space<vmem>>
    %dma_wait3A_791 = arith.constant 0 : i32
    %dma_wait3A_792 = tpu.memref_slice %arg3[%dma_wait3A_786, %dma_wait3A_791] : memref<1x1040000xf32, #tpu.memory_space<hbm>> -> memref<1x1040000xf32, #tpu.memory_space<hbm>>
    %dma_wait3A_793 = tpu.memref_squeeze %dma_wait3A_792 : memref<1x1040000xf32, #tpu.memory_space<hbm>> -> memref<1040000xf32, #tpu.memory_space<hbm>>
    %dma_wait3A_794 = arith.constant 0 : i32
    %dma_wait3A_795 = tpu.memref_slice %dma_wait3A_793[%dma_wait3A_794] : memref<1040000xf32, #tpu.memory_space<hbm>> -> memref<40000xf32, #tpu.memory_space<hbm>>
    %dma_wait3A_796 = arith.constant 0 : i32
    %dma_wait3A_797 = tpu.memref_slice %dma_wait3A_795[%dma_wait3A_796] : memref<40000xf32, #tpu.memory_space<hbm>> -> memref<40000xf32, #tpu.memory_space<hbm>>
    tpu.wait_indirect_dma semaphore(%arg11 : memref<!tpu.dma_semaphore, #tpu.memory_space<semaphore_mem>>) src(%dma_wait3A_797 : memref<40000xf32, #tpu.memory_space<hbm>>) dst(%dma_wait3A_788 : memref<512xf32, #tpu.memory_space<vmem>>)
    %scan3A_798 = arith.constant 0 : i32
    %scan3A_799 = arith.constant 0 : i32
    %scan3A_800 = arith.constant 32 : i32
    %scan3A_801 = arith.addi %scan3A_799, %scan3A_800 : i32
    %scan3A_802 = arith.constant 1 : i32
    scf.for %scan3A_1254 = %scan3A_799 to %scan3A_801 step %scan3A_802  : i32 {
      %mul3A_1255 = arith.constant 16 : i32
      %mul3A_1256 = arith.muli %scan3A_1254, %mul3A_1255 : i32
      %get3A = arith.index_cast %mul3A_1256 : i32 to index
      %get3A_1257 = tpu.vector_load %arg8[%get3A] {strides = array<i32>} : memref<512xf32, #tpu.memory_space<vmem>>, vector<16xf32>,
      %get3A_1258 = vector.shape_cast %get3A_1257 : vector<16xf32> to vector<16xf32>
      %mul3A_1259 = arith.constant 16 : i32
      %mul3A_1260 = arith.muli %scan3A_1254, %mul3A_1259 : i32
      %add3A_1261 = arith.constant 0 : i32
      %add3A_1262 = arith.addi %add3A_1261, %mul3A_1260 : i32
      %get3A_1263 = arith.index_cast %add3A_1262 : i32 to index
      %get3A_1264 = tpu.vector_load %arg7[%get3A_1263] {strides = array<i32>} : memref<13312xf32, #tpu.memory_space<vmem>>, vector<16xf32>,
      %get3A_1265 = vector.shape_cast %get3A_1264 : vector<16xf32> to vector<16xf32>
      %add3A_1266 = arith.addf %get3A_1258, %get3A_1265 : vector<16xf32>
      %swap3A = arith.index_cast %mul3A_1256 : i32 to index
      %swap3A_1267 = tpu.vector_load %arg8[%swap3A] {strides = array<i32>} : memref<512xf32, #tpu.memory_space<vmem>>, vector<16xf32>,
      %swap3A_1268 = vector.shape_cast %swap3A_1267 : vector<16xf32> to vector<16xf32>
      %swap3A_1269 = vector.shape_cast %add3A_1266 : vector<16xf32> to vector<16xf32>
      tpu.vector_store %arg8[%swap3A], %swap3A_1269 {strides = array<i32>} : memref<512xf32, #tpu.memory_space<vmem>>, vector<16xf32>,
    }
    %scan3A_803 = arith.constant 32 : i32
    %dma_wait3A_804 = arith.constant 0 : i32
    %dma_wait3A_805 = arith.constant 512 : i32
    %dma_wait3A_806 = tpu.memref_slice %arg7[%dma_wait3A_805] : memref<13312xf32, #tpu.memory_space<vmem>> -> memref<512xf32, #tpu.memory_space<vmem>>
    %dma_wait3A_807 = arith.constant 512 : i32
    %dma_wait3A_808 = tpu.memref_slice %arg6[%dma_wait3A_807] : memref<13312xi32, #tpu.memory_space<vmem>> -> memref<512xi32, #tpu.memory_space<vmem>>
    %dma_wait3A_809 = arith.constant 0 : i32
    %dma_wait3A_810 = tpu.memref_slice %arg3[%dma_wait3A_804, %dma_wait3A_809] : memref<1x1040000xf32, #tpu.memory_space<hbm>> -> memref<1x1040000xf32, #tpu.memory_space<hbm>>
    %dma_wait3A_811 = tpu.memref_squeeze %dma_wait3A_810 : memref<1x1040000xf32, #tpu.memory_space<hbm>> -> memref<1040000xf32, #tpu.memory_space<hbm>>
    %dma_wait3A_812 = arith.constant 40000 : i32
    %dma_wait3A_813 = tpu.memref_slice %dma_wait3A_811[%dma_wait3A_812] : memref<1040000xf32, #tpu.memory_space<hbm>> -> memref<40000xf32, #tpu.memory_space<hbm>>
    %dma_wait3A_814 = arith.constant 0 : i32
    %dma_wait3A_815 = tpu.memref_slice %dma_wait3A_813[%dma_wait3A_814] : memref<40000xf32, #tpu.memory_space<hbm>> -> memref<40000xf32, #tpu.memory_space<hbm>>
    tpu.wait_indirect_dma semaphore(%arg11 : memref<!tpu.dma_semaphore, #tpu.memory_space<semaphore_mem>>) src(%dma_wait3A_815 : memref<40000xf32, #tpu.memory_space<hbm>>) dst(%dma_wait3A_806 : memref<512xf32, #tpu.memory_space<vmem>>)
    %scan3A_816 = arith.constant 0 : i32
    %scan3A_817 = arith.constant 0 : i32
    %scan3A_818 = arith.constant 32 : i32
    %scan3A_819 = arith.addi %scan3A_817, %scan3A_818 : i32
    %scan3A_820 = arith.constant 1 : i32
    scf.for %scan3A_1254 = %scan3A_817 to %scan3A_819 step %scan3A_820  : i32 {
      %mul3A_1255 = arith.constant 16 : i32
      %mul3A_1256 = arith.muli %scan3A_1254, %mul3A_1255 : i32
      %get3A = arith.index_cast %mul3A_1256 : i32 to index
      %get3A_1257 = tpu.vector_load %arg8[%get3A] {strides = array<i32>} : memref<512xf32, #tpu.memory_space<vmem>>, vector<16xf32>,
      %get3A_1258 = vector.shape_cast %get3A_1257 : vector<16xf32> to vector<16xf32>
      %mul3A_1259 = arith.constant 16 : i32
      %mul3A_1260 = arith.muli %scan3A_1254, %mul3A_1259 : i32
      %add3A_1261 = arith.constant 512 : i32
      %add3A_1262 = arith.addi %add3A_1261, %mul3A_1260 : i32
      %get3A_1263 = arith.index_cast %add3A_1262 : i32 to index
      %get3A_1264 = tpu.vector_load %arg7[%get3A_1263] {strides = array<i32>} : memref<13312xf32, #tpu.memory_space<vmem>>, vector<16xf32>,
      %get3A_1265 = vector.shape_cast %get3A_1264 : vector<16xf32> to vector<16xf32>
      %add3A_1266 = arith.addf %get3A_1258, %get3A_1265 : vector<16xf32>
      %swap3A = arith.index_cast %mul3A_1256 : i32 to index
      %swap3A_1267 = tpu.vector_load %arg8[%swap3A] {strides = array<i32>} : memref<512xf32, #tpu.memory_space<vmem>>, vector<16xf32>,
      %swap3A_1268 = vector.shape_cast %swap3A_1267 : vector<16xf32> to vector<16xf32>
      %swap3A_1269 = vector.shape_cast %add3A_1266 : vector<16xf32> to vector<16xf32>
      tpu.vector_store %arg8[%swap3A], %swap3A_1269 {strides = array<i32>} : memref<512xf32, #tpu.memory_space<vmem>>, vector<16xf32>,
    }
    %scan3A_821 = arith.constant 32 : i32
    %dma_wait3A_822 = arith.constant 0 : i32
    %dma_wait3A_823 = arith.constant 1024 : i32
    %dma_wait3A_824 = tpu.memref_slice %arg7[%dma_wait3A_823] : memref<13312xf32, #tpu.memory_space<vmem>> -> memref<512xf32, #tpu.memory_space<vmem>>
    %dma_wait3A_825 = arith.constant 1024 : i32
    %dma_wait3A_826 = tpu.memref_slice %arg6[%dma_wait3A_825] : memref<13312xi32, #tpu.memory_space<vmem>> -> memref<512xi32, #tpu.memory_space<vmem>>
    %dma_wait3A_827 = arith.constant 0 : i32
    %dma_wait3A_828 = tpu.memref_slice %arg3[%dma_wait3A_822, %dma_wait3A_827] : memref<1x1040000xf32, #tpu.memory_space<hbm>> -> memref<1x1040000xf32, #tpu.memory_space<hbm>>
    %dma_wait3A_829 = tpu.memref_squeeze %dma_wait3A_828 : memref<1x1040000xf32, #tpu.memory_space<hbm>> -> memref<1040000xf32, #tpu.memory_space<hbm>>
    %dma_wait3A_830 = arith.constant 80000 : i32
    %dma_wait3A_831 = tpu.memref_slice %dma_wait3A_829[%dma_wait3A_830] : memref<1040000xf32, #tpu.memory_space<hbm>> -> memref<40000xf32, #tpu.memory_space<hbm>>
    %dma_wait3A_832 = arith.constant 0 : i32
    %dma_wait3A_833 = tpu.memref_slice %dma_wait3A_831[%dma_wait3A_832] : memref<40000xf32, #tpu.memory_space<hbm>> -> memref<40000xf32, #tpu.memory_space<hbm>>
    tpu.wait_indirect_dma semaphore(%arg11 : memref<!tpu.dma_semaphore, #tpu.memory_space<semaphore_mem>>) src(%dma_wait3A_833 : memref<40000xf32, #tpu.memory_space<hbm>>) dst(%dma_wait3A_824 : memref<512xf32, #tpu.memory_space<vmem>>)
    %scan3A_834 = arith.constant 0 : i32
    %scan3A_835 = arith.constant 0 : i32
    %scan3A_836 = arith.constant 32 : i32
    %scan3A_837 = arith.addi %scan3A_835, %scan3A_836 : i32
    %scan3A_838 = arith.constant 1 : i32
    scf.for %scan3A_1254 = %scan3A_835 to %scan3A_837 step %scan3A_838  : i32 {
      %mul3A_1255 = arith.constant 16 : i32
      %mul3A_1256 = arith.muli %scan3A_1254, %mul3A_1255 : i32
      %get3A = arith.index_cast %mul3A_1256 : i32 to index
      %get3A_1257 = tpu.vector_load %arg8[%get3A] {strides = array<i32>} : memref<512xf32, #tpu.memory_space<vmem>>, vector<16xf32>,
      %get3A_1258 = vector.shape_cast %get3A_1257 : vector<16xf32> to vector<16xf32>
      %mul3A_1259 = arith.constant 16 : i32
      %mul3A_1260 = arith.muli %scan3A_1254, %mul3A_1259 : i32
      %add3A_1261 = arith.constant 1024 : i32
      %add3A_1262 = arith.addi %add3A_1261, %mul3A_1260 : i32
      %get3A_1263 = arith.index_cast %add3A_1262 : i32 to index
      %get3A_1264 = tpu.vector_load %arg7[%get3A_1263] {strides = array<i32>} : memref<13312xf32, #tpu.memory_space<vmem>>, vector<16xf32>,
      %get3A_1265 = vector.shape_cast %get3A_1264 : vector<16xf32> to vector<16xf32>
      %add3A_1266 = arith.addf %get3A_1258, %get3A_1265 : vector<16xf32>
      %swap3A = arith.index_cast %mul3A_1256 : i32 to index
      %swap3A_1267 = tpu.vector_load %arg8[%swap3A] {strides = array<i32>} : memref<512xf32, #tpu.memory_space<vmem>>, vector<16xf32>,
      %swap3A_1268 = vector.shape_cast %swap3A_1267 : vector<16xf32> to vector<16xf32>
      %swap3A_1269 = vector.shape_cast %add3A_1266 : vector<16xf32> to vector<16xf32>
      tpu.vector_store %arg8[%swap3A], %swap3A_1269 {strides = array<i32>} : memref<512xf32, #tpu.memory_space<vmem>>, vector<16xf32>,
    }
    %scan3A_839 = arith.constant 32 : i32
    %dma_wait3A_840 = arith.constant 0 : i32
    %dma_wait3A_841 = arith.constant 1536 : i32
    %dma_wait3A_842 = tpu.memref_slice %arg7[%dma_wait3A_841] : memref<13312xf32, #tpu.memory_space<vmem>> -> memref<512xf32, #tpu.memory_space<vmem>>
    %dma_wait3A_843 = arith.constant 1536 : i32
    %dma_wait3A_844 = tpu.memref_slice %arg6[%dma_wait3A_843] : memref<13312xi32, #tpu.memory_space<vmem>> -> memref<512xi32, #tpu.memory_space<vmem>>
    %dma_wait3A_845 = arith.constant 0 : i32
    %dma_wait3A_846 = tpu.memref_slice %arg3[%dma_wait3A_840, %dma_wait3A_845] : memref<1x1040000xf32, #tpu.memory_space<hbm>> -> memref<1x1040000xf32, #tpu.memory_space<hbm>>
    %dma_wait3A_847 = tpu.memref_squeeze %dma_wait3A_846 : memref<1x1040000xf32, #tpu.memory_space<hbm>> -> memref<1040000xf32, #tpu.memory_space<hbm>>
    %dma_wait3A_848 = arith.constant 120000 : i32
    %dma_wait3A_849 = tpu.memref_slice %dma_wait3A_847[%dma_wait3A_848] : memref<1040000xf32, #tpu.memory_space<hbm>> -> memref<40000xf32, #tpu.memory_space<hbm>>
    %dma_wait3A_850 = arith.constant 0 : i32
    %dma_wait3A_851 = tpu.memref_slice %dma_wait3A_849[%dma_wait3A_850] : memref<40000xf32, #tpu.memory_space<hbm>> -> memref<40000xf32, #tpu.memory_space<hbm>>
    tpu.wait_indirect_dma semaphore(%arg11 : memref<!tpu.dma_semaphore, #tpu.memory_space<semaphore_mem>>) src(%dma_wait3A_851 : memref<40000xf32, #tpu.memory_space<hbm>>) dst(%dma_wait3A_842 : memref<512xf32, #tpu.memory_space<vmem>>)
    %scan3A_852 = arith.constant 0 : i32
    %scan3A_853 = arith.constant 0 : i32
    %scan3A_854 = arith.constant 32 : i32
    %scan3A_855 = arith.addi %scan3A_853, %scan3A_854 : i32
    %scan3A_856 = arith.constant 1 : i32
    scf.for %scan3A_1254 = %scan3A_853 to %scan3A_855 step %scan3A_856  : i32 {
      %mul3A_1255 = arith.constant 16 : i32
      %mul3A_1256 = arith.muli %scan3A_1254, %mul3A_1255 : i32
      %get3A = arith.index_cast %mul3A_1256 : i32 to index
      %get3A_1257 = tpu.vector_load %arg8[%get3A] {strides = array<i32>} : memref<512xf32, #tpu.memory_space<vmem>>, vector<16xf32>,
      %get3A_1258 = vector.shape_cast %get3A_1257 : vector<16xf32> to vector<16xf32>
      %mul3A_1259 = arith.constant 16 : i32
      %mul3A_1260 = arith.muli %scan3A_1254, %mul3A_1259 : i32
      %add3A_1261 = arith.constant 1536 : i32
      %add3A_1262 = arith.addi %add3A_1261, %mul3A_1260 : i32
      %get3A_1263 = arith.index_cast %add3A_1262 : i32 to index
      %get3A_1264 = tpu.vector_load %arg7[%get3A_1263] {strides = array<i32>} : memref<13312xf32, #tpu.memory_space<vmem>>, vector<16xf32>,
      %get3A_1265 = vector.shape_cast %get3A_1264 : vector<16xf32> to vector<16xf32>
      %add3A_1266 = arith.addf %get3A_1258, %get3A_1265 : vector<16xf32>
      %swap3A = arith.index_cast %mul3A_1256 : i32 to index
      %swap3A_1267 = tpu.vector_load %arg8[%swap3A] {strides = array<i32>} : memref<512xf32, #tpu.memory_space<vmem>>, vector<16xf32>,
      %swap3A_1268 = vector.shape_cast %swap3A_1267 : vector<16xf32> to vector<16xf32>
      %swap3A_1269 = vector.shape_cast %add3A_1266 : vector<16xf32> to vector<16xf32>
      tpu.vector_store %arg8[%swap3A], %swap3A_1269 {strides = array<i32>} : memref<512xf32, #tpu.memory_space<vmem>>, vector<16xf32>,
    }
    %scan3A_857 = arith.constant 32 : i32
    %dma_wait3A_858 = arith.constant 0 : i32
    %dma_wait3A_859 = arith.constant 2048 : i32
    %dma_wait3A_860 = tpu.memref_slice %arg7[%dma_wait3A_859] : memref<13312xf32, #tpu.memory_space<vmem>> -> memref<512xf32, #tpu.memory_space<vmem>>
    %dma_wait3A_861 = arith.constant 2048 : i32
    %dma_wait3A_862 = tpu.memref_slice %arg6[%dma_wait3A_861] : memref<13312xi32, #tpu.memory_space<vmem>> -> memref<512xi32, #tpu.memory_space<vmem>>
    %dma_wait3A_863 = arith.constant 0 : i32
    %dma_wait3A_864 = tpu.memref_slice %arg3[%dma_wait3A_858, %dma_wait3A_863] : memref<1x1040000xf32, #tpu.memory_space<hbm>> -> memref<1x1040000xf32, #tpu.memory_space<hbm>>
    %dma_wait3A_865 = tpu.memref_squeeze %dma_wait3A_864 : memref<1x1040000xf32, #tpu.memory_space<hbm>> -> memref<1040000xf32, #tpu.memory_space<hbm>>
    %dma_wait3A_866 = arith.constant 160000 : i32
    %dma_wait3A_867 = tpu.memref_slice %dma_wait3A_865[%dma_wait3A_866] : memref<1040000xf32, #tpu.memory_space<hbm>> -> memref<40000xf32, #tpu.memory_space<hbm>>
    %dma_wait3A_868 = arith.constant 0 : i32
    %dma_wait3A_869 = tpu.memref_slice %dma_wait3A_867[%dma_wait3A_868] : memref<40000xf32, #tpu.memory_space<hbm>> -> memref<40000xf32, #tpu.memory_space<hbm>>
    tpu.wait_indirect_dma semaphore(%arg11 : memref<!tpu.dma_semaphore, #tpu.memory_space<semaphore_mem>>) src(%dma_wait3A_869 : memref<40000xf32, #tpu.memory_space<hbm>>) dst(%dma_wait3A_860 : memref<512xf32, #tpu.memory_space<vmem>>)
    %scan3A_870 = arith.constant 0 : i32
    %scan3A_871 = arith.constant 0 : i32
    %scan3A_872 = arith.constant 32 : i32
    %scan3A_873 = arith.addi %scan3A_871, %scan3A_872 : i32
    %scan3A_874 = arith.constant 1 : i32
    scf.for %scan3A_1254 = %scan3A_871 to %scan3A_873 step %scan3A_874  : i32 {
      %mul3A_1255 = arith.constant 16 : i32
      %mul3A_1256 = arith.muli %scan3A_1254, %mul3A_1255 : i32
      %get3A = arith.index_cast %mul3A_1256 : i32 to index
      %get3A_1257 = tpu.vector_load %arg8[%get3A] {strides = array<i32>} : memref<512xf32, #tpu.memory_space<vmem>>, vector<16xf32>,
      %get3A_1258 = vector.shape_cast %get3A_1257 : vector<16xf32> to vector<16xf32>
      %mul3A_1259 = arith.constant 16 : i32
      %mul3A_1260 = arith.muli %scan3A_1254, %mul3A_1259 : i32
      %add3A_1261 = arith.constant 2048 : i32
      %add3A_1262 = arith.addi %add3A_1261, %mul3A_1260 : i32
      %get3A_1263 = arith.index_cast %add3A_1262 : i32 to index
      %get3A_1264 = tpu.vector_load %arg7[%get3A_1263] {strides = array<i32>} : memref<13312xf32, #tpu.memory_space<vmem>>, vector<16xf32>,
      %get3A_1265 = vector.shape_cast %get3A_1264 : vector<16xf32> to vector<16xf32>
      %add3A_1266 = arith.addf %get3A_1258, %get3A_1265 : vector<16xf32>
      %swap3A = arith.index_cast %mul3A_1256 : i32 to index
      %swap3A_1267 = tpu.vector_load %arg8[%swap3A] {strides = array<i32>} : memref<512xf32, #tpu.memory_space<vmem>>, vector<16xf32>,
      %swap3A_1268 = vector.shape_cast %swap3A_1267 : vector<16xf32> to vector<16xf32>
      %swap3A_1269 = vector.shape_cast %add3A_1266 : vector<16xf32> to vector<16xf32>
      tpu.vector_store %arg8[%swap3A], %swap3A_1269 {strides = array<i32>} : memref<512xf32, #tpu.memory_space<vmem>>, vector<16xf32>,
    }
    %scan3A_875 = arith.constant 32 : i32
    %dma_wait3A_876 = arith.constant 0 : i32
    %dma_wait3A_877 = arith.constant 2560 : i32
    %dma_wait3A_878 = tpu.memref_slice %arg7[%dma_wait3A_877] : memref<13312xf32, #tpu.memory_space<vmem>> -> memref<512xf32, #tpu.memory_space<vmem>>
    %dma_wait3A_879 = arith.constant 2560 : i32
    %dma_wait3A_880 = tpu.memref_slice %arg6[%dma_wait3A_879] : memref<13312xi32, #tpu.memory_space<vmem>> -> memref<512xi32, #tpu.memory_space<vmem>>
    %dma_wait3A_881 = arith.constant 0 : i32
    %dma_wait3A_882 = tpu.memref_slice %arg3[%dma_wait3A_876, %dma_wait3A_881] : memref<1x1040000xf32, #tpu.memory_space<hbm>> -> memref<1x1040000xf32, #tpu.memory_space<hbm>>
    %dma_wait3A_883 = tpu.memref_squeeze %dma_wait3A_882 : memref<1x1040000xf32, #tpu.memory_space<hbm>> -> memref<1040000xf32, #tpu.memory_space<hbm>>
    %dma_wait3A_884 = arith.constant 200000 : i32
    %dma_wait3A_885 = tpu.memref_slice %dma_wait3A_883[%dma_wait3A_884] : memref<1040000xf32, #tpu.memory_space<hbm>> -> memref<40000xf32, #tpu.memory_space<hbm>>
    %dma_wait3A_886 = arith.constant 0 : i32
    %dma_wait3A_887 = tpu.memref_slice %dma_wait3A_885[%dma_wait3A_886] : memref<40000xf32, #tpu.memory_space<hbm>> -> memref<40000xf32, #tpu.memory_space<hbm>>
    tpu.wait_indirect_dma semaphore(%arg11 : memref<!tpu.dma_semaphore, #tpu.memory_space<semaphore_mem>>) src(%dma_wait3A_887 : memref<40000xf32, #tpu.memory_space<hbm>>) dst(%dma_wait3A_878 : memref<512xf32, #tpu.memory_space<vmem>>)
    %scan3A_888 = arith.constant 0 : i32
    %scan3A_889 = arith.constant 0 : i32
    %scan3A_890 = arith.constant 32 : i32
    %scan3A_891 = arith.addi %scan3A_889, %scan3A_890 : i32
    %scan3A_892 = arith.constant 1 : i32
    scf.for %scan3A_1254 = %scan3A_889 to %scan3A_891 step %scan3A_892  : i32 {
      %mul3A_1255 = arith.constant 16 : i32
      %mul3A_1256 = arith.muli %scan3A_1254, %mul3A_1255 : i32
      %get3A = arith.index_cast %mul3A_1256 : i32 to index
      %get3A_1257 = tpu.vector_load %arg8[%get3A] {strides = array<i32>} : memref<512xf32, #tpu.memory_space<vmem>>, vector<16xf32>,
      %get3A_1258 = vector.shape_cast %get3A_1257 : vector<16xf32> to vector<16xf32>
      %mul3A_1259 = arith.constant 16 : i32
      %mul3A_1260 = arith.muli %scan3A_1254, %mul3A_1259 : i32
      %add3A_1261 = arith.constant 2560 : i32
      %add3A_1262 = arith.addi %add3A_1261, %mul3A_1260 : i32
      %get3A_1263 = arith.index_cast %add3A_1262 : i32 to index
      %get3A_1264 = tpu.vector_load %arg7[%get3A_1263] {strides = array<i32>} : memref<13312xf32, #tpu.memory_space<vmem>>, vector<16xf32>,
      %get3A_1265 = vector.shape_cast %get3A_1264 : vector<16xf32> to vector<16xf32>
      %add3A_1266 = arith.addf %get3A_1258, %get3A_1265 : vector<16xf32>
      %swap3A = arith.index_cast %mul3A_1256 : i32 to index
      %swap3A_1267 = tpu.vector_load %arg8[%swap3A] {strides = array<i32>} : memref<512xf32, #tpu.memory_space<vmem>>, vector<16xf32>,
      %swap3A_1268 = vector.shape_cast %swap3A_1267 : vector<16xf32> to vector<16xf32>
      %swap3A_1269 = vector.shape_cast %add3A_1266 : vector<16xf32> to vector<16xf32>
      tpu.vector_store %arg8[%swap3A], %swap3A_1269 {strides = array<i32>} : memref<512xf32, #tpu.memory_space<vmem>>, vector<16xf32>,
    }
    %scan3A_893 = arith.constant 32 : i32
    %dma_wait3A_894 = arith.constant 0 : i32
    %dma_wait3A_895 = arith.constant 3072 : i32
    %dma_wait3A_896 = tpu.memref_slice %arg7[%dma_wait3A_895] : memref<13312xf32, #tpu.memory_space<vmem>> -> memref<512xf32, #tpu.memory_space<vmem>>
    %dma_wait3A_897 = arith.constant 3072 : i32
    %dma_wait3A_898 = tpu.memref_slice %arg6[%dma_wait3A_897] : memref<13312xi32, #tpu.memory_space<vmem>> -> memref<512xi32, #tpu.memory_space<vmem>>
    %dma_wait3A_899 = arith.constant 0 : i32
    %dma_wait3A_900 = tpu.memref_slice %arg3[%dma_wait3A_894, %dma_wait3A_899] : memref<1x1040000xf32, #tpu.memory_space<hbm>> -> memref<1x1040000xf32, #tpu.memory_space<hbm>>
    %dma_wait3A_901 = tpu.memref_squeeze %dma_wait3A_900 : memref<1x1040000xf32, #tpu.memory_space<hbm>> -> memref<1040000xf32, #tpu.memory_space<hbm>>
    %dma_wait3A_902 = arith.constant 240000 : i32
    %dma_wait3A_903 = tpu.memref_slice %dma_wait3A_901[%dma_wait3A_902] : memref<1040000xf32, #tpu.memory_space<hbm>> -> memref<40000xf32, #tpu.memory_space<hbm>>
    %dma_wait3A_904 = arith.constant 0 : i32
    %dma_wait3A_905 = tpu.memref_slice %dma_wait3A_903[%dma_wait3A_904] : memref<40000xf32, #tpu.memory_space<hbm>> -> memref<40000xf32, #tpu.memory_space<hbm>>
    tpu.wait_indirect_dma semaphore(%arg11 : memref<!tpu.dma_semaphore, #tpu.memory_space<semaphore_mem>>) src(%dma_wait3A_905 : memref<40000xf32, #tpu.memory_space<hbm>>) dst(%dma_wait3A_896 : memref<512xf32, #tpu.memory_space<vmem>>)
    %scan3A_906 = arith.constant 0 : i32
    %scan3A_907 = arith.constant 0 : i32
    %scan3A_908 = arith.constant 32 : i32
    %scan3A_909 = arith.addi %scan3A_907, %scan3A_908 : i32
    %scan3A_910 = arith.constant 1 : i32
    scf.for %scan3A_1254 = %scan3A_907 to %scan3A_909 step %scan3A_910  : i32 {
      %mul3A_1255 = arith.constant 16 : i32
      %mul3A_1256 = arith.muli %scan3A_1254, %mul3A_1255 : i32
      %get3A = arith.index_cast %mul3A_1256 : i32 to index
      %get3A_1257 = tpu.vector_load %arg8[%get3A] {strides = array<i32>} : memref<512xf32, #tpu.memory_space<vmem>>, vector<16xf32>,
      %get3A_1258 = vector.shape_cast %get3A_1257 : vector<16xf32> to vector<16xf32>
      %mul3A_1259 = arith.constant 16 : i32
      %mul3A_1260 = arith.muli %scan3A_1254, %mul3A_1259 : i32
      %add3A_1261 = arith.constant 3072 : i32
      %add3A_1262 = arith.addi %add3A_1261, %mul3A_1260 : i32
      %get3A_1263 = arith.index_cast %add3A_1262 : i32 to index
      %get3A_1264 = tpu.vector_load %arg7[%get3A_1263] {strides = array<i32>} : memref<13312xf32, #tpu.memory_space<vmem>>, vector<16xf32>,
      %get3A_1265 = vector.shape_cast %get3A_1264 : vector<16xf32> to vector<16xf32>
      %add3A_1266 = arith.addf %get3A_1258, %get3A_1265 : vector<16xf32>
      %swap3A = arith.index_cast %mul3A_1256 : i32 to index
      %swap3A_1267 = tpu.vector_load %arg8[%swap3A] {strides = array<i32>} : memref<512xf32, #tpu.memory_space<vmem>>, vector<16xf32>,
      %swap3A_1268 = vector.shape_cast %swap3A_1267 : vector<16xf32> to vector<16xf32>
      %swap3A_1269 = vector.shape_cast %add3A_1266 : vector<16xf32> to vector<16xf32>
      tpu.vector_store %arg8[%swap3A], %swap3A_1269 {strides = array<i32>} : memref<512xf32, #tpu.memory_space<vmem>>, vector<16xf32>,
    }
    %scan3A_911 = arith.constant 32 : i32
    %dma_wait3A_912 = arith.constant 0 : i32
    %dma_wait3A_913 = arith.constant 3584 : i32
    %dma_wait3A_914 = tpu.memref_slice %arg7[%dma_wait3A_913] : memref<13312xf32, #tpu.memory_space<vmem>> -> memref<512xf32, #tpu.memory_space<vmem>>
    %dma_wait3A_915 = arith.constant 3584 : i32
    %dma_wait3A_916 = tpu.memref_slice %arg6[%dma_wait3A_915] : memref<13312xi32, #tpu.memory_space<vmem>> -> memref<512xi32, #tpu.memory_space<vmem>>
    %dma_wait3A_917 = arith.constant 0 : i32
    %dma_wait3A_918 = tpu.memref_slice %arg3[%dma_wait3A_912, %dma_wait3A_917] : memref<1x1040000xf32, #tpu.memory_space<hbm>> -> memref<1x1040000xf32, #tpu.memory_space<hbm>>
    %dma_wait3A_919 = tpu.memref_squeeze %dma_wait3A_918 : memref<1x1040000xf32, #tpu.memory_space<hbm>> -> memref<1040000xf32, #tpu.memory_space<hbm>>
    %dma_wait3A_920 = arith.constant 280000 : i32
    %dma_wait3A_921 = tpu.memref_slice %dma_wait3A_919[%dma_wait3A_920] : memref<1040000xf32, #tpu.memory_space<hbm>> -> memref<40000xf32, #tpu.memory_space<hbm>>
    %dma_wait3A_922 = arith.constant 0 : i32
    %dma_wait3A_923 = tpu.memref_slice %dma_wait3A_921[%dma_wait3A_922] : memref<40000xf32, #tpu.memory_space<hbm>> -> memref<40000xf32, #tpu.memory_space<hbm>>
    tpu.wait_indirect_dma semaphore(%arg11 : memref<!tpu.dma_semaphore, #tpu.memory_space<semaphore_mem>>) src(%dma_wait3A_923 : memref<40000xf32, #tpu.memory_space<hbm>>) dst(%dma_wait3A_914 : memref<512xf32, #tpu.memory_space<vmem>>)
    %scan3A_924 = arith.constant 0 : i32
    %scan3A_925 = arith.constant 0 : i32
    %scan3A_926 = arith.constant 32 : i32
    %scan3A_927 = arith.addi %scan3A_925, %scan3A_926 : i32
    %scan3A_928 = arith.constant 1 : i32
    scf.for %scan3A_1254 = %scan3A_925 to %scan3A_927 step %scan3A_928  : i32 {
      %mul3A_1255 = arith.constant 16 : i32
      %mul3A_1256 = arith.muli %scan3A_1254, %mul3A_1255 : i32
      %get3A = arith.index_cast %mul3A_1256 : i32 to index
      %get3A_1257 = tpu.vector_load %arg8[%get3A] {strides = array<i32>} : memref<512xf32, #tpu.memory_space<vmem>>, vector<16xf32>,
      %get3A_1258 = vector.shape_cast %get3A_1257 : vector<16xf32> to vector<16xf32>
      %mul3A_1259 = arith.constant 16 : i32
      %mul3A_1260 = arith.muli %scan3A_1254, %mul3A_1259 : i32
      %add3A_1261 = arith.constant 3584 : i32
      %add3A_1262 = arith.addi %add3A_1261, %mul3A_1260 : i32
      %get3A_1263 = arith.index_cast %add3A_1262 : i32 to index
      %get3A_1264 = tpu.vector_load %arg7[%get3A_1263] {strides = array<i32>} : memref<13312xf32, #tpu.memory_space<vmem>>, vector<16xf32>,
      %get3A_1265 = vector.shape_cast %get3A_1264 : vector<16xf32> to vector<16xf32>
      %add3A_1266 = arith.addf %get3A_1258, %get3A_1265 : vector<16xf32>
      %swap3A = arith.index_cast %mul3A_1256 : i32 to index
      %swap3A_1267 = tpu.vector_load %arg8[%swap3A] {strides = array<i32>} : memref<512xf32, #tpu.memory_space<vmem>>, vector<16xf32>,
      %swap3A_1268 = vector.shape_cast %swap3A_1267 : vector<16xf32> to vector<16xf32>
      %swap3A_1269 = vector.shape_cast %add3A_1266 : vector<16xf32> to vector<16xf32>
      tpu.vector_store %arg8[%swap3A], %swap3A_1269 {strides = array<i32>} : memref<512xf32, #tpu.memory_space<vmem>>, vector<16xf32>,
    }
    %scan3A_929 = arith.constant 32 : i32
    %dma_wait3A_930 = arith.constant 0 : i32
    %dma_wait3A_931 = arith.constant 4096 : i32
    %dma_wait3A_932 = tpu.memref_slice %arg7[%dma_wait3A_931] : memref<13312xf32, #tpu.memory_space<vmem>> -> memref<512xf32, #tpu.memory_space<vmem>>
    %dma_wait3A_933 = arith.constant 4096 : i32
    %dma_wait3A_934 = tpu.memref_slice %arg6[%dma_wait3A_933] : memref<13312xi32, #tpu.memory_space<vmem>> -> memref<512xi32, #tpu.memory_space<vmem>>
    %dma_wait3A_935 = arith.constant 0 : i32
    %dma_wait3A_936 = tpu.memref_slice %arg3[%dma_wait3A_930, %dma_wait3A_935] : memref<1x1040000xf32, #tpu.memory_space<hbm>> -> memref<1x1040000xf32, #tpu.memory_space<hbm>>
    %dma_wait3A_937 = tpu.memref_squeeze %dma_wait3A_936 : memref<1x1040000xf32, #tpu.memory_space<hbm>> -> memref<1040000xf32, #tpu.memory_space<hbm>>
    %dma_wait3A_938 = arith.constant 320000 : i32
    %dma_wait3A_939 = tpu.memref_slice %dma_wait3A_937[%dma_wait3A_938] : memref<1040000xf32, #tpu.memory_space<hbm>> -> memref<40000xf32, #tpu.memory_space<hbm>>
    %dma_wait3A_940 = arith.constant 0 : i32
    %dma_wait3A_941 = tpu.memref_slice %dma_wait3A_939[%dma_wait3A_940] : memref<40000xf32, #tpu.memory_space<hbm>> -> memref<40000xf32, #tpu.memory_space<hbm>>
    tpu.wait_indirect_dma semaphore(%arg11 : memref<!tpu.dma_semaphore, #tpu.memory_space<semaphore_mem>>) src(%dma_wait3A_941 : memref<40000xf32, #tpu.memory_space<hbm>>) dst(%dma_wait3A_932 : memref<512xf32, #tpu.memory_space<vmem>>)
    %scan3A_942 = arith.constant 0 : i32
    %scan3A_943 = arith.constant 0 : i32
    %scan3A_944 = arith.constant 32 : i32
    %scan3A_945 = arith.addi %scan3A_943, %scan3A_944 : i32
    %scan3A_946 = arith.constant 1 : i32
    scf.for %scan3A_1254 = %scan3A_943 to %scan3A_945 step %scan3A_946  : i32 {
      %mul3A_1255 = arith.constant 16 : i32
      %mul3A_1256 = arith.muli %scan3A_1254, %mul3A_1255 : i32
      %get3A = arith.index_cast %mul3A_1256 : i32 to index
      %get3A_1257 = tpu.vector_load %arg8[%get3A] {strides = array<i32>} : memref<512xf32, #tpu.memory_space<vmem>>, vector<16xf32>,
      %get3A_1258 = vector.shape_cast %get3A_1257 : vector<16xf32> to vector<16xf32>
      %mul3A_1259 = arith.constant 16 : i32
      %mul3A_1260 = arith.muli %scan3A_1254, %mul3A_1259 : i32
      %add3A_1261 = arith.constant 4096 : i32
      %add3A_1262 = arith.addi %add3A_1261, %mul3A_1260 : i32
      %get3A_1263 = arith.index_cast %add3A_1262 : i32 to index
      %get3A_1264 = tpu.vector_load %arg7[%get3A_1263] {strides = array<i32>} : memref<13312xf32, #tpu.memory_space<vmem>>, vector<16xf32>,
      %get3A_1265 = vector.shape_cast %get3A_1264 : vector<16xf32> to vector<16xf32>
      %add3A_1266 = arith.addf %get3A_1258, %get3A_1265 : vector<16xf32>
      %swap3A = arith.index_cast %mul3A_1256 : i32 to index
      %swap3A_1267 = tpu.vector_load %arg8[%swap3A] {strides = array<i32>} : memref<512xf32, #tpu.memory_space<vmem>>, vector<16xf32>,
      %swap3A_1268 = vector.shape_cast %swap3A_1267 : vector<16xf32> to vector<16xf32>
      %swap3A_1269 = vector.shape_cast %add3A_1266 : vector<16xf32> to vector<16xf32>
      tpu.vector_store %arg8[%swap3A], %swap3A_1269 {strides = array<i32>} : memref<512xf32, #tpu.memory_space<vmem>>, vector<16xf32>,
    }
    %scan3A_947 = arith.constant 32 : i32
    %dma_wait3A_948 = arith.constant 0 : i32
    %dma_wait3A_949 = arith.constant 4608 : i32
    %dma_wait3A_950 = tpu.memref_slice %arg7[%dma_wait3A_949] : memref<13312xf32, #tpu.memory_space<vmem>> -> memref<512xf32, #tpu.memory_space<vmem>>
    %dma_wait3A_951 = arith.constant 4608 : i32
    %dma_wait3A_952 = tpu.memref_slice %arg6[%dma_wait3A_951] : memref<13312xi32, #tpu.memory_space<vmem>> -> memref<512xi32, #tpu.memory_space<vmem>>
    %dma_wait3A_953 = arith.constant 0 : i32
    %dma_wait3A_954 = tpu.memref_slice %arg3[%dma_wait3A_948, %dma_wait3A_953] : memref<1x1040000xf32, #tpu.memory_space<hbm>> -> memref<1x1040000xf32, #tpu.memory_space<hbm>>
    %dma_wait3A_955 = tpu.memref_squeeze %dma_wait3A_954 : memref<1x1040000xf32, #tpu.memory_space<hbm>> -> memref<1040000xf32, #tpu.memory_space<hbm>>
    %dma_wait3A_956 = arith.constant 360000 : i32
    %dma_wait3A_957 = tpu.memref_slice %dma_wait3A_955[%dma_wait3A_956] : memref<1040000xf32, #tpu.memory_space<hbm>> -> memref<40000xf32, #tpu.memory_space<hbm>>
    %dma_wait3A_958 = arith.constant 0 : i32
    %dma_wait3A_959 = tpu.memref_slice %dma_wait3A_957[%dma_wait3A_958] : memref<40000xf32, #tpu.memory_space<hbm>> -> memref<40000xf32, #tpu.memory_space<hbm>>
    tpu.wait_indirect_dma semaphore(%arg11 : memref<!tpu.dma_semaphore, #tpu.memory_space<semaphore_mem>>) src(%dma_wait3A_959 : memref<40000xf32, #tpu.memory_space<hbm>>) dst(%dma_wait3A_950 : memref<512xf32, #tpu.memory_space<vmem>>)
    %scan3A_960 = arith.constant 0 : i32
    %scan3A_961 = arith.constant 0 : i32
    %scan3A_962 = arith.constant 32 : i32
    %scan3A_963 = arith.addi %scan3A_961, %scan3A_962 : i32
    %scan3A_964 = arith.constant 1 : i32
    scf.for %scan3A_1254 = %scan3A_961 to %scan3A_963 step %scan3A_964  : i32 {
      %mul3A_1255 = arith.constant 16 : i32
      %mul3A_1256 = arith.muli %scan3A_1254, %mul3A_1255 : i32
      %get3A = arith.index_cast %mul3A_1256 : i32 to index
      %get3A_1257 = tpu.vector_load %arg8[%get3A] {strides = array<i32>} : memref<512xf32, #tpu.memory_space<vmem>>, vector<16xf32>,
      %get3A_1258 = vector.shape_cast %get3A_1257 : vector<16xf32> to vector<16xf32>
      %mul3A_1259 = arith.constant 16 : i32
      %mul3A_1260 = arith.muli %scan3A_1254, %mul3A_1259 : i32
      %add3A_1261 = arith.constant 4608 : i32
      %add3A_1262 = arith.addi %add3A_1261, %mul3A_1260 : i32
      %get3A_1263 = arith.index_cast %add3A_1262 : i32 to index
      %get3A_1264 = tpu.vector_load %arg7[%get3A_1263] {strides = array<i32>} : memref<13312xf32, #tpu.memory_space<vmem>>, vector<16xf32>,
      %get3A_1265 = vector.shape_cast %get3A_1264 : vector<16xf32> to vector<16xf32>
      %add3A_1266 = arith.addf %get3A_1258, %get3A_1265 : vector<16xf32>
      %swap3A = arith.index_cast %mul3A_1256 : i32 to index
      %swap3A_1267 = tpu.vector_load %arg8[%swap3A] {strides = array<i32>} : memref<512xf32, #tpu.memory_space<vmem>>, vector<16xf32>,
      %swap3A_1268 = vector.shape_cast %swap3A_1267 : vector<16xf32> to vector<16xf32>
      %swap3A_1269 = vector.shape_cast %add3A_1266 : vector<16xf32> to vector<16xf32>
      tpu.vector_store %arg8[%swap3A], %swap3A_1269 {strides = array<i32>} : memref<512xf32, #tpu.memory_space<vmem>>, vector<16xf32>,
    }
    %scan3A_965 = arith.constant 32 : i32
    %dma_wait3A_966 = arith.constant 0 : i32
    %dma_wait3A_967 = arith.constant 5120 : i32
    %dma_wait3A_968 = tpu.memref_slice %arg7[%dma_wait3A_967] : memref<13312xf32, #tpu.memory_space<vmem>> -> memref<512xf32, #tpu.memory_space<vmem>>
    %dma_wait3A_969 = arith.constant 5120 : i32
    %dma_wait3A_970 = tpu.memref_slice %arg6[%dma_wait3A_969] : memref<13312xi32, #tpu.memory_space<vmem>> -> memref<512xi32, #tpu.memory_space<vmem>>
    %dma_wait3A_971 = arith.constant 0 : i32
    %dma_wait3A_972 = tpu.memref_slice %arg3[%dma_wait3A_966, %dma_wait3A_971] : memref<1x1040000xf32, #tpu.memory_space<hbm>> -> memref<1x1040000xf32, #tpu.memory_space<hbm>>
    %dma_wait3A_973 = tpu.memref_squeeze %dma_wait3A_972 : memref<1x1040000xf32, #tpu.memory_space<hbm>> -> memref<1040000xf32, #tpu.memory_space<hbm>>
    %dma_wait3A_974 = arith.constant 400000 : i32
    %dma_wait3A_975 = tpu.memref_slice %dma_wait3A_973[%dma_wait3A_974] : memref<1040000xf32, #tpu.memory_space<hbm>> -> memref<40000xf32, #tpu.memory_space<hbm>>
    %dma_wait3A_976 = arith.constant 0 : i32
    %dma_wait3A_977 = tpu.memref_slice %dma_wait3A_975[%dma_wait3A_976] : memref<40000xf32, #tpu.memory_space<hbm>> -> memref<40000xf32, #tpu.memory_space<hbm>>
    tpu.wait_indirect_dma semaphore(%arg11 : memref<!tpu.dma_semaphore, #tpu.memory_space<semaphore_mem>>) src(%dma_wait3A_977 : memref<40000xf32, #tpu.memory_space<hbm>>) dst(%dma_wait3A_968 : memref<512xf32, #tpu.memory_space<vmem>>)
    %scan3A_978 = arith.constant 0 : i32
    %scan3A_979 = arith.constant 0 : i32
    %scan3A_980 = arith.constant 32 : i32
    %scan3A_981 = arith.addi %scan3A_979, %scan3A_980 : i32
    %scan3A_982 = arith.constant 1 : i32
    scf.for %scan3A_1254 = %scan3A_979 to %scan3A_981 step %scan3A_982  : i32 {
      %mul3A_1255 = arith.constant 16 : i32
      %mul3A_1256 = arith.muli %scan3A_1254, %mul3A_1255 : i32
      %get3A = arith.index_cast %mul3A_1256 : i32 to index
      %get3A_1257 = tpu.vector_load %arg8[%get3A] {strides = array<i32>} : memref<512xf32, #tpu.memory_space<vmem>>, vector<16xf32>,
      %get3A_1258 = vector.shape_cast %get3A_1257 : vector<16xf32> to vector<16xf32>
      %mul3A_1259 = arith.constant 16 : i32
      %mul3A_1260 = arith.muli %scan3A_1254, %mul3A_1259 : i32
      %add3A_1261 = arith.constant 5120 : i32
      %add3A_1262 = arith.addi %add3A_1261, %mul3A_1260 : i32
      %get3A_1263 = arith.index_cast %add3A_1262 : i32 to index
      %get3A_1264 = tpu.vector_load %arg7[%get3A_1263] {strides = array<i32>} : memref<13312xf32, #tpu.memory_space<vmem>>, vector<16xf32>,
      %get3A_1265 = vector.shape_cast %get3A_1264 : vector<16xf32> to vector<16xf32>
      %add3A_1266 = arith.addf %get3A_1258, %get3A_1265 : vector<16xf32>
      %swap3A = arith.index_cast %mul3A_1256 : i32 to index
      %swap3A_1267 = tpu.vector_load %arg8[%swap3A] {strides = array<i32>} : memref<512xf32, #tpu.memory_space<vmem>>, vector<16xf32>,
      %swap3A_1268 = vector.shape_cast %swap3A_1267 : vector<16xf32> to vector<16xf32>
      %swap3A_1269 = vector.shape_cast %add3A_1266 : vector<16xf32> to vector<16xf32>
      tpu.vector_store %arg8[%swap3A], %swap3A_1269 {strides = array<i32>} : memref<512xf32, #tpu.memory_space<vmem>>, vector<16xf32>,
    }
    %scan3A_983 = arith.constant 32 : i32
    %dma_wait3A_984 = arith.constant 0 : i32
    %dma_wait3A_985 = arith.constant 5632 : i32
    %dma_wait3A_986 = tpu.memref_slice %arg7[%dma_wait3A_985] : memref<13312xf32, #tpu.memory_space<vmem>> -> memref<512xf32, #tpu.memory_space<vmem>>
    %dma_wait3A_987 = arith.constant 5632 : i32
    %dma_wait3A_988 = tpu.memref_slice %arg6[%dma_wait3A_987] : memref<13312xi32, #tpu.memory_space<vmem>> -> memref<512xi32, #tpu.memory_space<vmem>>
    %dma_wait3A_989 = arith.constant 0 : i32
    %dma_wait3A_990 = tpu.memref_slice %arg3[%dma_wait3A_984, %dma_wait3A_989] : memref<1x1040000xf32, #tpu.memory_space<hbm>> -> memref<1x1040000xf32, #tpu.memory_space<hbm>>
    %dma_wait3A_991 = tpu.memref_squeeze %dma_wait3A_990 : memref<1x1040000xf32, #tpu.memory_space<hbm>> -> memref<1040000xf32, #tpu.memory_space<hbm>>
    %dma_wait3A_992 = arith.constant 440000 : i32
    %dma_wait3A_993 = tpu.memref_slice %dma_wait3A_991[%dma_wait3A_992] : memref<1040000xf32, #tpu.memory_space<hbm>> -> memref<40000xf32, #tpu.memory_space<hbm>>
    %dma_wait3A_994 = arith.constant 0 : i32
    %dma_wait3A_995 = tpu.memref_slice %dma_wait3A_993[%dma_wait3A_994] : memref<40000xf32, #tpu.memory_space<hbm>> -> memref<40000xf32, #tpu.memory_space<hbm>>
    tpu.wait_indirect_dma semaphore(%arg11 : memref<!tpu.dma_semaphore, #tpu.memory_space<semaphore_mem>>) src(%dma_wait3A_995 : memref<40000xf32, #tpu.memory_space<hbm>>) dst(%dma_wait3A_986 : memref<512xf32, #tpu.memory_space<vmem>>)
    %scan3A_996 = arith.constant 0 : i32
    %scan3A_997 = arith.constant 0 : i32
    %scan3A_998 = arith.constant 32 : i32
    %scan3A_999 = arith.addi %scan3A_997, %scan3A_998 : i32
    %scan3A_1000 = arith.constant 1 : i32
    scf.for %scan3A_1254 = %scan3A_997 to %scan3A_999 step %scan3A_1000  : i32 {
      %mul3A_1255 = arith.constant 16 : i32
      %mul3A_1256 = arith.muli %scan3A_1254, %mul3A_1255 : i32
      %get3A = arith.index_cast %mul3A_1256 : i32 to index
      %get3A_1257 = tpu.vector_load %arg8[%get3A] {strides = array<i32>} : memref<512xf32, #tpu.memory_space<vmem>>, vector<16xf32>,
      %get3A_1258 = vector.shape_cast %get3A_1257 : vector<16xf32> to vector<16xf32>
      %mul3A_1259 = arith.constant 16 : i32
      %mul3A_1260 = arith.muli %scan3A_1254, %mul3A_1259 : i32
      %add3A_1261 = arith.constant 5632 : i32
      %add3A_1262 = arith.addi %add3A_1261, %mul3A_1260 : i32
      %get3A_1263 = arith.index_cast %add3A_1262 : i32 to index
      %get3A_1264 = tpu.vector_load %arg7[%get3A_1263] {strides = array<i32>} : memref<13312xf32, #tpu.memory_space<vmem>>, vector<16xf32>,
      %get3A_1265 = vector.shape_cast %get3A_1264 : vector<16xf32> to vector<16xf32>
      %add3A_1266 = arith.addf %get3A_1258, %get3A_1265 : vector<16xf32>
      %swap3A = arith.index_cast %mul3A_1256 : i32 to index
      %swap3A_1267 = tpu.vector_load %arg8[%swap3A] {strides = array<i32>} : memref<512xf32, #tpu.memory_space<vmem>>, vector<16xf32>,
      %swap3A_1268 = vector.shape_cast %swap3A_1267 : vector<16xf32> to vector<16xf32>
      %swap3A_1269 = vector.shape_cast %add3A_1266 : vector<16xf32> to vector<16xf32>
      tpu.vector_store %arg8[%swap3A], %swap3A_1269 {strides = array<i32>} : memref<512xf32, #tpu.memory_space<vmem>>, vector<16xf32>,
    }
    %scan3A_1001 = arith.constant 32 : i32
    %dma_wait3A_1002 = arith.constant 0 : i32
    %dma_wait3A_1003 = arith.constant 6144 : i32
    %dma_wait3A_1004 = tpu.memref_slice %arg7[%dma_wait3A_1003] : memref<13312xf32, #tpu.memory_space<vmem>> -> memref<512xf32, #tpu.memory_space<vmem>>
    %dma_wait3A_1005 = arith.constant 6144 : i32
    %dma_wait3A_1006 = tpu.memref_slice %arg6[%dma_wait3A_1005] : memref<13312xi32, #tpu.memory_space<vmem>> -> memref<512xi32, #tpu.memory_space<vmem>>
    %dma_wait3A_1007 = arith.constant 0 : i32
    %dma_wait3A_1008 = tpu.memref_slice %arg3[%dma_wait3A_1002, %dma_wait3A_1007] : memref<1x1040000xf32, #tpu.memory_space<hbm>> -> memref<1x1040000xf32, #tpu.memory_space<hbm>>
    %dma_wait3A_1009 = tpu.memref_squeeze %dma_wait3A_1008 : memref<1x1040000xf32, #tpu.memory_space<hbm>> -> memref<1040000xf32, #tpu.memory_space<hbm>>
    %dma_wait3A_1010 = arith.constant 480000 : i32
    %dma_wait3A_1011 = tpu.memref_slice %dma_wait3A_1009[%dma_wait3A_1010] : memref<1040000xf32, #tpu.memory_space<hbm>> -> memref<40000xf32, #tpu.memory_space<hbm>>
    %dma_wait3A_1012 = arith.constant 0 : i32
    %dma_wait3A_1013 = tpu.memref_slice %dma_wait3A_1011[%dma_wait3A_1012] : memref<40000xf32, #tpu.memory_space<hbm>> -> memref<40000xf32, #tpu.memory_space<hbm>>
    tpu.wait_indirect_dma semaphore(%arg11 : memref<!tpu.dma_semaphore, #tpu.memory_space<semaphore_mem>>) src(%dma_wait3A_1013 : memref<40000xf32, #tpu.memory_space<hbm>>) dst(%dma_wait3A_1004 : memref<512xf32, #tpu.memory_space<vmem>>)
    %scan3A_1014 = arith.constant 0 : i32
    %scan3A_1015 = arith.constant 0 : i32
    %scan3A_1016 = arith.constant 32 : i32
    %scan3A_1017 = arith.addi %scan3A_1015, %scan3A_1016 : i32
    %scan3A_1018 = arith.constant 1 : i32
    scf.for %scan3A_1254 = %scan3A_1015 to %scan3A_1017 step %scan3A_1018  : i32 {
      %mul3A_1255 = arith.constant 16 : i32
      %mul3A_1256 = arith.muli %scan3A_1254, %mul3A_1255 : i32
      %get3A = arith.index_cast %mul3A_1256 : i32 to index
      %get3A_1257 = tpu.vector_load %arg8[%get3A] {strides = array<i32>} : memref<512xf32, #tpu.memory_space<vmem>>, vector<16xf32>,
      %get3A_1258 = vector.shape_cast %get3A_1257 : vector<16xf32> to vector<16xf32>
      %mul3A_1259 = arith.constant 16 : i32
      %mul3A_1260 = arith.muli %scan3A_1254, %mul3A_1259 : i32
      %add3A_1261 = arith.constant 6144 : i32
      %add3A_1262 = arith.addi %add3A_1261, %mul3A_1260 : i32
      %get3A_1263 = arith.index_cast %add3A_1262 : i32 to index
      %get3A_1264 = tpu.vector_load %arg7[%get3A_1263] {strides = array<i32>} : memref<13312xf32, #tpu.memory_space<vmem>>, vector<16xf32>,
      %get3A_1265 = vector.shape_cast %get3A_1264 : vector<16xf32> to vector<16xf32>
      %add3A_1266 = arith.addf %get3A_1258, %get3A_1265 : vector<16xf32>
      %swap3A = arith.index_cast %mul3A_1256 : i32 to index
      %swap3A_1267 = tpu.vector_load %arg8[%swap3A] {strides = array<i32>} : memref<512xf32, #tpu.memory_space<vmem>>, vector<16xf32>,
      %swap3A_1268 = vector.shape_cast %swap3A_1267 : vector<16xf32> to vector<16xf32>
      %swap3A_1269 = vector.shape_cast %add3A_1266 : vector<16xf32> to vector<16xf32>
      tpu.vector_store %arg8[%swap3A], %swap3A_1269 {strides = array<i32>} : memref<512xf32, #tpu.memory_space<vmem>>, vector<16xf32>,
    }
    %scan3A_1019 = arith.constant 32 : i32
    %dma_wait3A_1020 = arith.constant 0 : i32
    %dma_wait3A_1021 = arith.constant 6656 : i32
    %dma_wait3A_1022 = tpu.memref_slice %arg7[%dma_wait3A_1021] : memref<13312xf32, #tpu.memory_space<vmem>> -> memref<512xf32, #tpu.memory_space<vmem>>
    %dma_wait3A_1023 = arith.constant 6656 : i32
    %dma_wait3A_1024 = tpu.memref_slice %arg6[%dma_wait3A_1023] : memref<13312xi32, #tpu.memory_space<vmem>> -> memref<512xi32, #tpu.memory_space<vmem>>
    %dma_wait3A_1025 = arith.constant 0 : i32
    %dma_wait3A_1026 = tpu.memref_slice %arg3[%dma_wait3A_1020, %dma_wait3A_1025] : memref<1x1040000xf32, #tpu.memory_space<hbm>> -> memref<1x1040000xf32, #tpu.memory_space<hbm>>
    %dma_wait3A_1027 = tpu.memref_squeeze %dma_wait3A_1026 : memref<1x1040000xf32, #tpu.memory_space<hbm>> -> memref<1040000xf32, #tpu.memory_space<hbm>>
    %dma_wait3A_1028 = arith.constant 520000 : i32
    %dma_wait3A_1029 = tpu.memref_slice %dma_wait3A_1027[%dma_wait3A_1028] : memref<1040000xf32, #tpu.memory_space<hbm>> -> memref<40000xf32, #tpu.memory_space<hbm>>
    %dma_wait3A_1030 = arith.constant 0 : i32
    %dma_wait3A_1031 = tpu.memref_slice %dma_wait3A_1029[%dma_wait3A_1030] : memref<40000xf32, #tpu.memory_space<hbm>> -> memref<40000xf32, #tpu.memory_space<hbm>>
    tpu.wait_indirect_dma semaphore(%arg11 : memref<!tpu.dma_semaphore, #tpu.memory_space<semaphore_mem>>) src(%dma_wait3A_1031 : memref<40000xf32, #tpu.memory_space<hbm>>) dst(%dma_wait3A_1022 : memref<512xf32, #tpu.memory_space<vmem>>)
    %scan3A_1032 = arith.constant 0 : i32
    %scan3A_1033 = arith.constant 0 : i32
    %scan3A_1034 = arith.constant 32 : i32
    %scan3A_1035 = arith.addi %scan3A_1033, %scan3A_1034 : i32
    %scan3A_1036 = arith.constant 1 : i32
    scf.for %scan3A_1254 = %scan3A_1033 to %scan3A_1035 step %scan3A_1036  : i32 {
      %mul3A_1255 = arith.constant 16 : i32
      %mul3A_1256 = arith.muli %scan3A_1254, %mul3A_1255 : i32
      %get3A = arith.index_cast %mul3A_1256 : i32 to index
      %get3A_1257 = tpu.vector_load %arg8[%get3A] {strides = array<i32>} : memref<512xf32, #tpu.memory_space<vmem>>, vector<16xf32>,
      %get3A_1258 = vector.shape_cast %get3A_1257 : vector<16xf32> to vector<16xf32>
      %mul3A_1259 = arith.constant 16 : i32
      %mul3A_1260 = arith.muli %scan3A_1254, %mul3A_1259 : i32
      %add3A_1261 = arith.constant 6656 : i32
      %add3A_1262 = arith.addi %add3A_1261, %mul3A_1260 : i32
      %get3A_1263 = arith.index_cast %add3A_1262 : i32 to index
      %get3A_1264 = tpu.vector_load %arg7[%get3A_1263] {strides = array<i32>} : memref<13312xf32, #tpu.memory_space<vmem>>, vector<16xf32>,
      %get3A_1265 = vector.shape_cast %get3A_1264 : vector<16xf32> to vector<16xf32>
      %add3A_1266 = arith.addf %get3A_1258, %get3A_1265 : vector<16xf32>
      %swap3A = arith.index_cast %mul3A_1256 : i32 to index
      %swap3A_1267 = tpu.vector_load %arg8[%swap3A] {strides = array<i32>} : memref<512xf32, #tpu.memory_space<vmem>>, vector<16xf32>,
      %swap3A_1268 = vector.shape_cast %swap3A_1267 : vector<16xf32> to vector<16xf32>
      %swap3A_1269 = vector.shape_cast %add3A_1266 : vector<16xf32> to vector<16xf32>
      tpu.vector_store %arg8[%swap3A], %swap3A_1269 {strides = array<i32>} : memref<512xf32, #tpu.memory_space<vmem>>, vector<16xf32>,
    }
    %scan3A_1037 = arith.constant 32 : i32
    %dma_wait3A_1038 = arith.constant 0 : i32
    %dma_wait3A_1039 = arith.constant 7168 : i32
    %dma_wait3A_1040 = tpu.memref_slice %arg7[%dma_wait3A_1039] : memref<13312xf32, #tpu.memory_space<vmem>> -> memref<512xf32, #tpu.memory_space<vmem>>
    %dma_wait3A_1041 = arith.constant 7168 : i32
    %dma_wait3A_1042 = tpu.memref_slice %arg6[%dma_wait3A_1041] : memref<13312xi32, #tpu.memory_space<vmem>> -> memref<512xi32, #tpu.memory_space<vmem>>
    %dma_wait3A_1043 = arith.constant 0 : i32
    %dma_wait3A_1044 = tpu.memref_slice %arg3[%dma_wait3A_1038, %dma_wait3A_1043] : memref<1x1040000xf32, #tpu.memory_space<hbm>> -> memref<1x1040000xf32, #tpu.memory_space<hbm>>
    %dma_wait3A_1045 = tpu.memref_squeeze %dma_wait3A_1044 : memref<1x1040000xf32, #tpu.memory_space<hbm>> -> memref<1040000xf32, #tpu.memory_space<hbm>>
    %dma_wait3A_1046 = arith.constant 560000 : i32
    %dma_wait3A_1047 = tpu.memref_slice %dma_wait3A_1045[%dma_wait3A_1046] : memref<1040000xf32, #tpu.memory_space<hbm>> -> memref<40000xf32, #tpu.memory_space<hbm>>
    %dma_wait3A_1048 = arith.constant 0 : i32
    %dma_wait3A_1049 = tpu.memref_slice %dma_wait3A_1047[%dma_wait3A_1048] : memref<40000xf32, #tpu.memory_space<hbm>> -> memref<40000xf32, #tpu.memory_space<hbm>>
    tpu.wait_indirect_dma semaphore(%arg11 : memref<!tpu.dma_semaphore, #tpu.memory_space<semaphore_mem>>) src(%dma_wait3A_1049 : memref<40000xf32, #tpu.memory_space<hbm>>) dst(%dma_wait3A_1040 : memref<512xf32, #tpu.memory_space<vmem>>)
    %scan3A_1050 = arith.constant 0 : i32
    %scan3A_1051 = arith.constant 0 : i32
    %scan3A_1052 = arith.constant 32 : i32
    %scan3A_1053 = arith.addi %scan3A_1051, %scan3A_1052 : i32
    %scan3A_1054 = arith.constant 1 : i32
    scf.for %scan3A_1254 = %scan3A_1051 to %scan3A_1053 step %scan3A_1054  : i32 {
      %mul3A_1255 = arith.constant 16 : i32
      %mul3A_1256 = arith.muli %scan3A_1254, %mul3A_1255 : i32
      %get3A = arith.index_cast %mul3A_1256 : i32 to index
      %get3A_1257 = tpu.vector_load %arg8[%get3A] {strides = array<i32>} : memref<512xf32, #tpu.memory_space<vmem>>, vector<16xf32>,
      %get3A_1258 = vector.shape_cast %get3A_1257 : vector<16xf32> to vector<16xf32>
      %mul3A_1259 = arith.constant 16 : i32
      %mul3A_1260 = arith.muli %scan3A_1254, %mul3A_1259 : i32
      %add3A_1261 = arith.constant 7168 : i32
      %add3A_1262 = arith.addi %add3A_1261, %mul3A_1260 : i32
      %get3A_1263 = arith.index_cast %add3A_1262 : i32 to index
      %get3A_1264 = tpu.vector_load %arg7[%get3A_1263] {strides = array<i32>} : memref<13312xf32, #tpu.memory_space<vmem>>, vector<16xf32>,
      %get3A_1265 = vector.shape_cast %get3A_1264 : vector<16xf32> to vector<16xf32>
      %add3A_1266 = arith.addf %get3A_1258, %get3A_1265 : vector<16xf32>
      %swap3A = arith.index_cast %mul3A_1256 : i32 to index
      %swap3A_1267 = tpu.vector_load %arg8[%swap3A] {strides = array<i32>} : memref<512xf32, #tpu.memory_space<vmem>>, vector<16xf32>,
      %swap3A_1268 = vector.shape_cast %swap3A_1267 : vector<16xf32> to vector<16xf32>
      %swap3A_1269 = vector.shape_cast %add3A_1266 : vector<16xf32> to vector<16xf32>
      tpu.vector_store %arg8[%swap3A], %swap3A_1269 {strides = array<i32>} : memref<512xf32, #tpu.memory_space<vmem>>, vector<16xf32>,
    }
    %scan3A_1055 = arith.constant 32 : i32
    %dma_wait3A_1056 = arith.constant 0 : i32
    %dma_wait3A_1057 = arith.constant 7680 : i32
    %dma_wait3A_1058 = tpu.memref_slice %arg7[%dma_wait3A_1057] : memref<13312xf32, #tpu.memory_space<vmem>> -> memref<512xf32, #tpu.memory_space<vmem>>
    %dma_wait3A_1059 = arith.constant 7680 : i32
    %dma_wait3A_1060 = tpu.memref_slice %arg6[%dma_wait3A_1059] : memref<13312xi32, #tpu.memory_space<vmem>> -> memref<512xi32, #tpu.memory_space<vmem>>
    %dma_wait3A_1061 = arith.constant 0 : i32
    %dma_wait3A_1062 = tpu.memref_slice %arg3[%dma_wait3A_1056, %dma_wait3A_1061] : memref<1x1040000xf32, #tpu.memory_space<hbm>> -> memref<1x1040000xf32, #tpu.memory_space<hbm>>
    %dma_wait3A_1063 = tpu.memref_squeeze %dma_wait3A_1062 : memref<1x1040000xf32, #tpu.memory_space<hbm>> -> memref<1040000xf32, #tpu.memory_space<hbm>>
    %dma_wait3A_1064 = arith.constant 600000 : i32
    %dma_wait3A_1065 = tpu.memref_slice %dma_wait3A_1063[%dma_wait3A_1064] : memref<1040000xf32, #tpu.memory_space<hbm>> -> memref<40000xf32, #tpu.memory_space<hbm>>
    %dma_wait3A_1066 = arith.constant 0 : i32
    %dma_wait3A_1067 = tpu.memref_slice %dma_wait3A_1065[%dma_wait3A_1066] : memref<40000xf32, #tpu.memory_space<hbm>> -> memref<40000xf32, #tpu.memory_space<hbm>>
    tpu.wait_indirect_dma semaphore(%arg11 : memref<!tpu.dma_semaphore, #tpu.memory_space<semaphore_mem>>) src(%dma_wait3A_1067 : memref<40000xf32, #tpu.memory_space<hbm>>) dst(%dma_wait3A_1058 : memref<512xf32, #tpu.memory_space<vmem>>)
    %scan3A_1068 = arith.constant 0 : i32
    %scan3A_1069 = arith.constant 0 : i32
    %scan3A_1070 = arith.constant 32 : i32
    %scan3A_1071 = arith.addi %scan3A_1069, %scan3A_1070 : i32
    %scan3A_1072 = arith.constant 1 : i32
    scf.for %scan3A_1254 = %scan3A_1069 to %scan3A_1071 step %scan3A_1072  : i32 {
      %mul3A_1255 = arith.constant 16 : i32
      %mul3A_1256 = arith.muli %scan3A_1254, %mul3A_1255 : i32
      %get3A = arith.index_cast %mul3A_1256 : i32 to index
      %get3A_1257 = tpu.vector_load %arg8[%get3A] {strides = array<i32>} : memref<512xf32, #tpu.memory_space<vmem>>, vector<16xf32>,
      %get3A_1258 = vector.shape_cast %get3A_1257 : vector<16xf32> to vector<16xf32>
      %mul3A_1259 = arith.constant 16 : i32
      %mul3A_1260 = arith.muli %scan3A_1254, %mul3A_1259 : i32
      %add3A_1261 = arith.constant 7680 : i32
      %add3A_1262 = arith.addi %add3A_1261, %mul3A_1260 : i32
      %get3A_1263 = arith.index_cast %add3A_1262 : i32 to index
      %get3A_1264 = tpu.vector_load %arg7[%get3A_1263] {strides = array<i32>} : memref<13312xf32, #tpu.memory_space<vmem>>, vector<16xf32>,
      %get3A_1265 = vector.shape_cast %get3A_1264 : vector<16xf32> to vector<16xf32>
      %add3A_1266 = arith.addf %get3A_1258, %get3A_1265 : vector<16xf32>
      %swap3A = arith.index_cast %mul3A_1256 : i32 to index
      %swap3A_1267 = tpu.vector_load %arg8[%swap3A] {strides = array<i32>} : memref<512xf32, #tpu.memory_space<vmem>>, vector<16xf32>,
      %swap3A_1268 = vector.shape_cast %swap3A_1267 : vector<16xf32> to vector<16xf32>
      %swap3A_1269 = vector.shape_cast %add3A_1266 : vector<16xf32> to vector<16xf32>
      tpu.vector_store %arg8[%swap3A], %swap3A_1269 {strides = array<i32>} : memref<512xf32, #tpu.memory_space<vmem>>, vector<16xf32>,
    }
    %scan3A_1073 = arith.constant 32 : i32
    %dma_wait3A_1074 = arith.constant 0 : i32
    %dma_wait3A_1075 = arith.constant 8192 : i32
    %dma_wait3A_1076 = tpu.memref_slice %arg7[%dma_wait3A_1075] : memref<13312xf32, #tpu.memory_space<vmem>> -> memref<512xf32, #tpu.memory_space<vmem>>
    %dma_wait3A_1077 = arith.constant 8192 : i32
    %dma_wait3A_1078 = tpu.memref_slice %arg6[%dma_wait3A_1077] : memref<13312xi32, #tpu.memory_space<vmem>> -> memref<512xi32, #tpu.memory_space<vmem>>
    %dma_wait3A_1079 = arith.constant 0 : i32
    %dma_wait3A_1080 = tpu.memref_slice %arg3[%dma_wait3A_1074, %dma_wait3A_1079] : memref<1x1040000xf32, #tpu.memory_space<hbm>> -> memref<1x1040000xf32, #tpu.memory_space<hbm>>
    %dma_wait3A_1081 = tpu.memref_squeeze %dma_wait3A_1080 : memref<1x1040000xf32, #tpu.memory_space<hbm>> -> memref<1040000xf32, #tpu.memory_space<hbm>>
    %dma_wait3A_1082 = arith.constant 640000 : i32
    %dma_wait3A_1083 = tpu.memref_slice %dma_wait3A_1081[%dma_wait3A_1082] : memref<1040000xf32, #tpu.memory_space<hbm>> -> memref<40000xf32, #tpu.memory_space<hbm>>
    %dma_wait3A_1084 = arith.constant 0 : i32
    %dma_wait3A_1085 = tpu.memref_slice %dma_wait3A_1083[%dma_wait3A_1084] : memref<40000xf32, #tpu.memory_space<hbm>> -> memref<40000xf32, #tpu.memory_space<hbm>>
    tpu.wait_indirect_dma semaphore(%arg11 : memref<!tpu.dma_semaphore, #tpu.memory_space<semaphore_mem>>) src(%dma_wait3A_1085 : memref<40000xf32, #tpu.memory_space<hbm>>) dst(%dma_wait3A_1076 : memref<512xf32, #tpu.memory_space<vmem>>)
    %scan3A_1086 = arith.constant 0 : i32
    %scan3A_1087 = arith.constant 0 : i32
    %scan3A_1088 = arith.constant 32 : i32
    %scan3A_1089 = arith.addi %scan3A_1087, %scan3A_1088 : i32
    %scan3A_1090 = arith.constant 1 : i32
    scf.for %scan3A_1254 = %scan3A_1087 to %scan3A_1089 step %scan3A_1090  : i32 {
      %mul3A_1255 = arith.constant 16 : i32
      %mul3A_1256 = arith.muli %scan3A_1254, %mul3A_1255 : i32
      %get3A = arith.index_cast %mul3A_1256 : i32 to index
      %get3A_1257 = tpu.vector_load %arg8[%get3A] {strides = array<i32>} : memref<512xf32, #tpu.memory_space<vmem>>, vector<16xf32>,
      %get3A_1258 = vector.shape_cast %get3A_1257 : vector<16xf32> to vector<16xf32>
      %mul3A_1259 = arith.constant 16 : i32
      %mul3A_1260 = arith.muli %scan3A_1254, %mul3A_1259 : i32
      %add3A_1261 = arith.constant 8192 : i32
      %add3A_1262 = arith.addi %add3A_1261, %mul3A_1260 : i32
      %get3A_1263 = arith.index_cast %add3A_1262 : i32 to index
      %get3A_1264 = tpu.vector_load %arg7[%get3A_1263] {strides = array<i32>} : memref<13312xf32, #tpu.memory_space<vmem>>, vector<16xf32>,
      %get3A_1265 = vector.shape_cast %get3A_1264 : vector<16xf32> to vector<16xf32>
      %add3A_1266 = arith.addf %get3A_1258, %get3A_1265 : vector<16xf32>
      %swap3A = arith.index_cast %mul3A_1256 : i32 to index
      %swap3A_1267 = tpu.vector_load %arg8[%swap3A] {strides = array<i32>} : memref<512xf32, #tpu.memory_space<vmem>>, vector<16xf32>,
      %swap3A_1268 = vector.shape_cast %swap3A_1267 : vector<16xf32> to vector<16xf32>
      %swap3A_1269 = vector.shape_cast %add3A_1266 : vector<16xf32> to vector<16xf32>
      tpu.vector_store %arg8[%swap3A], %swap3A_1269 {strides = array<i32>} : memref<512xf32, #tpu.memory_space<vmem>>, vector<16xf32>,
    }
    %scan3A_1091 = arith.constant 32 : i32
    %dma_wait3A_1092 = arith.constant 0 : i32
    %dma_wait3A_1093 = arith.constant 8704 : i32
    %dma_wait3A_1094 = tpu.memref_slice %arg7[%dma_wait3A_1093] : memref<13312xf32, #tpu.memory_space<vmem>> -> memref<512xf32, #tpu.memory_space<vmem>>
    %dma_wait3A_1095 = arith.constant 8704 : i32
    %dma_wait3A_1096 = tpu.memref_slice %arg6[%dma_wait3A_1095] : memref<13312xi32, #tpu.memory_space<vmem>> -> memref<512xi32, #tpu.memory_space<vmem>>
    %dma_wait3A_1097 = arith.constant 0 : i32
    %dma_wait3A_1098 = tpu.memref_slice %arg3[%dma_wait3A_1092, %dma_wait3A_1097] : memref<1x1040000xf32, #tpu.memory_space<hbm>> -> memref<1x1040000xf32, #tpu.memory_space<hbm>>
    %dma_wait3A_1099 = tpu.memref_squeeze %dma_wait3A_1098 : memref<1x1040000xf32, #tpu.memory_space<hbm>> -> memref<1040000xf32, #tpu.memory_space<hbm>>
    %dma_wait3A_1100 = arith.constant 680000 : i32
    %dma_wait3A_1101 = tpu.memref_slice %dma_wait3A_1099[%dma_wait3A_1100] : memref<1040000xf32, #tpu.memory_space<hbm>> -> memref<40000xf32, #tpu.memory_space<hbm>>
    %dma_wait3A_1102 = arith.constant 0 : i32
    %dma_wait3A_1103 = tpu.memref_slice %dma_wait3A_1101[%dma_wait3A_1102] : memref<40000xf32, #tpu.memory_space<hbm>> -> memref<40000xf32, #tpu.memory_space<hbm>>
    tpu.wait_indirect_dma semaphore(%arg11 : memref<!tpu.dma_semaphore, #tpu.memory_space<semaphore_mem>>) src(%dma_wait3A_1103 : memref<40000xf32, #tpu.memory_space<hbm>>) dst(%dma_wait3A_1094 : memref<512xf32, #tpu.memory_space<vmem>>)
    %scan3A_1104 = arith.constant 0 : i32
    %scan3A_1105 = arith.constant 0 : i32
    %scan3A_1106 = arith.constant 32 : i32
    %scan3A_1107 = arith.addi %scan3A_1105, %scan3A_1106 : i32
    %scan3A_1108 = arith.constant 1 : i32
    scf.for %scan3A_1254 = %scan3A_1105 to %scan3A_1107 step %scan3A_1108  : i32 {
      %mul3A_1255 = arith.constant 16 : i32
      %mul3A_1256 = arith.muli %scan3A_1254, %mul3A_1255 : i32
      %get3A = arith.index_cast %mul3A_1256 : i32 to index
      %get3A_1257 = tpu.vector_load %arg8[%get3A] {strides = array<i32>} : memref<512xf32, #tpu.memory_space<vmem>>, vector<16xf32>,
      %get3A_1258 = vector.shape_cast %get3A_1257 : vector<16xf32> to vector<16xf32>
      %mul3A_1259 = arith.constant 16 : i32
      %mul3A_1260 = arith.muli %scan3A_1254, %mul3A_1259 : i32
      %add3A_1261 = arith.constant 8704 : i32
      %add3A_1262 = arith.addi %add3A_1261, %mul3A_1260 : i32
      %get3A_1263 = arith.index_cast %add3A_1262 : i32 to index
      %get3A_1264 = tpu.vector_load %arg7[%get3A_1263] {strides = array<i32>} : memref<13312xf32, #tpu.memory_space<vmem>>, vector<16xf32>,
      %get3A_1265 = vector.shape_cast %get3A_1264 : vector<16xf32> to vector<16xf32>
      %add3A_1266 = arith.addf %get3A_1258, %get3A_1265 : vector<16xf32>
      %swap3A = arith.index_cast %mul3A_1256 : i32 to index
      %swap3A_1267 = tpu.vector_load %arg8[%swap3A] {strides = array<i32>} : memref<512xf32, #tpu.memory_space<vmem>>, vector<16xf32>,
      %swap3A_1268 = vector.shape_cast %swap3A_1267 : vector<16xf32> to vector<16xf32>
      %swap3A_1269 = vector.shape_cast %add3A_1266 : vector<16xf32> to vector<16xf32>
      tpu.vector_store %arg8[%swap3A], %swap3A_1269 {strides = array<i32>} : memref<512xf32, #tpu.memory_space<vmem>>, vector<16xf32>,
    }
    %scan3A_1109 = arith.constant 32 : i32
    %dma_wait3A_1110 = arith.constant 0 : i32
    %dma_wait3A_1111 = arith.constant 9216 : i32
    %dma_wait3A_1112 = tpu.memref_slice %arg7[%dma_wait3A_1111] : memref<13312xf32, #tpu.memory_space<vmem>> -> memref<512xf32, #tpu.memory_space<vmem>>
    %dma_wait3A_1113 = arith.constant 9216 : i32
    %dma_wait3A_1114 = tpu.memref_slice %arg6[%dma_wait3A_1113] : memref<13312xi32, #tpu.memory_space<vmem>> -> memref<512xi32, #tpu.memory_space<vmem>>
    %dma_wait3A_1115 = arith.constant 0 : i32
    %dma_wait3A_1116 = tpu.memref_slice %arg3[%dma_wait3A_1110, %dma_wait3A_1115] : memref<1x1040000xf32, #tpu.memory_space<hbm>> -> memref<1x1040000xf32, #tpu.memory_space<hbm>>
    %dma_wait3A_1117 = tpu.memref_squeeze %dma_wait3A_1116 : memref<1x1040000xf32, #tpu.memory_space<hbm>> -> memref<1040000xf32, #tpu.memory_space<hbm>>
    %dma_wait3A_1118 = arith.constant 720000 : i32
    %dma_wait3A_1119 = tpu.memref_slice %dma_wait3A_1117[%dma_wait3A_1118] : memref<1040000xf32, #tpu.memory_space<hbm>> -> memref<40000xf32, #tpu.memory_space<hbm>>
    %dma_wait3A_1120 = arith.constant 0 : i32
    %dma_wait3A_1121 = tpu.memref_slice %dma_wait3A_1119[%dma_wait3A_1120] : memref<40000xf32, #tpu.memory_space<hbm>> -> memref<40000xf32, #tpu.memory_space<hbm>>
    tpu.wait_indirect_dma semaphore(%arg11 : memref<!tpu.dma_semaphore, #tpu.memory_space<semaphore_mem>>) src(%dma_wait3A_1121 : memref<40000xf32, #tpu.memory_space<hbm>>) dst(%dma_wait3A_1112 : memref<512xf32, #tpu.memory_space<vmem>>)
    %scan3A_1122 = arith.constant 0 : i32
    %scan3A_1123 = arith.constant 0 : i32
    %scan3A_1124 = arith.constant 32 : i32
    %scan3A_1125 = arith.addi %scan3A_1123, %scan3A_1124 : i32
    %scan3A_1126 = arith.constant 1 : i32
    scf.for %scan3A_1254 = %scan3A_1123 to %scan3A_1125 step %scan3A_1126  : i32 {
      %mul3A_1255 = arith.constant 16 : i32
      %mul3A_1256 = arith.muli %scan3A_1254, %mul3A_1255 : i32
      %get3A = arith.index_cast %mul3A_1256 : i32 to index
      %get3A_1257 = tpu.vector_load %arg8[%get3A] {strides = array<i32>} : memref<512xf32, #tpu.memory_space<vmem>>, vector<16xf32>,
      %get3A_1258 = vector.shape_cast %get3A_1257 : vector<16xf32> to vector<16xf32>
      %mul3A_1259 = arith.constant 16 : i32
      %mul3A_1260 = arith.muli %scan3A_1254, %mul3A_1259 : i32
      %add3A_1261 = arith.constant 9216 : i32
      %add3A_1262 = arith.addi %add3A_1261, %mul3A_1260 : i32
      %get3A_1263 = arith.index_cast %add3A_1262 : i32 to index
      %get3A_1264 = tpu.vector_load %arg7[%get3A_1263] {strides = array<i32>} : memref<13312xf32, #tpu.memory_space<vmem>>, vector<16xf32>,
      %get3A_1265 = vector.shape_cast %get3A_1264 : vector<16xf32> to vector<16xf32>
      %add3A_1266 = arith.addf %get3A_1258, %get3A_1265 : vector<16xf32>
      %swap3A = arith.index_cast %mul3A_1256 : i32 to index
      %swap3A_1267 = tpu.vector_load %arg8[%swap3A] {strides = array<i32>} : memref<512xf32, #tpu.memory_space<vmem>>, vector<16xf32>,
      %swap3A_1268 = vector.shape_cast %swap3A_1267 : vector<16xf32> to vector<16xf32>
      %swap3A_1269 = vector.shape_cast %add3A_1266 : vector<16xf32> to vector<16xf32>
      tpu.vector_store %arg8[%swap3A], %swap3A_1269 {strides = array<i32>} : memref<512xf32, #tpu.memory_space<vmem>>, vector<16xf32>,
    }
    %scan3A_1127 = arith.constant 32 : i32
    %dma_wait3A_1128 = arith.constant 0 : i32
    %dma_wait3A_1129 = arith.constant 9728 : i32
    %dma_wait3A_1130 = tpu.memref_slice %arg7[%dma_wait3A_1129] : memref<13312xf32, #tpu.memory_space<vmem>> -> memref<512xf32, #tpu.memory_space<vmem>>
    %dma_wait3A_1131 = arith.constant 9728 : i32
    %dma_wait3A_1132 = tpu.memref_slice %arg6[%dma_wait3A_1131] : memref<13312xi32, #tpu.memory_space<vmem>> -> memref<512xi32, #tpu.memory_space<vmem>>
    %dma_wait3A_1133 = arith.constant 0 : i32
    %dma_wait3A_1134 = tpu.memref_slice %arg3[%dma_wait3A_1128, %dma_wait3A_1133] : memref<1x1040000xf32, #tpu.memory_space<hbm>> -> memref<1x1040000xf32, #tpu.memory_space<hbm>>
    %dma_wait3A_1135 = tpu.memref_squeeze %dma_wait3A_1134 : memref<1x1040000xf32, #tpu.memory_space<hbm>> -> memref<1040000xf32, #tpu.memory_space<hbm>>
    %dma_wait3A_1136 = arith.constant 760000 : i32
    %dma_wait3A_1137 = tpu.memref_slice %dma_wait3A_1135[%dma_wait3A_1136] : memref<1040000xf32, #tpu.memory_space<hbm>> -> memref<40000xf32, #tpu.memory_space<hbm>>
    %dma_wait3A_1138 = arith.constant 0 : i32
    %dma_wait3A_1139 = tpu.memref_slice %dma_wait3A_1137[%dma_wait3A_1138] : memref<40000xf32, #tpu.memory_space<hbm>> -> memref<40000xf32, #tpu.memory_space<hbm>>
    tpu.wait_indirect_dma semaphore(%arg11 : memref<!tpu.dma_semaphore, #tpu.memory_space<semaphore_mem>>) src(%dma_wait3A_1139 : memref<40000xf32, #tpu.memory_space<hbm>>) dst(%dma_wait3A_1130 : memref<512xf32, #tpu.memory_space<vmem>>)
    %scan3A_1140 = arith.constant 0 : i32
    %scan3A_1141 = arith.constant 0 : i32
    %scan3A_1142 = arith.constant 32 : i32
    %scan3A_1143 = arith.addi %scan3A_1141, %scan3A_1142 : i32
    %scan3A_1144 = arith.constant 1 : i32
    scf.for %scan3A_1254 = %scan3A_1141 to %scan3A_1143 step %scan3A_1144  : i32 {
      %mul3A_1255 = arith.constant 16 : i32
      %mul3A_1256 = arith.muli %scan3A_1254, %mul3A_1255 : i32
      %get3A = arith.index_cast %mul3A_1256 : i32 to index
      %get3A_1257 = tpu.vector_load %arg8[%get3A] {strides = array<i32>} : memref<512xf32, #tpu.memory_space<vmem>>, vector<16xf32>,
      %get3A_1258 = vector.shape_cast %get3A_1257 : vector<16xf32> to vector<16xf32>
      %mul3A_1259 = arith.constant 16 : i32
      %mul3A_1260 = arith.muli %scan3A_1254, %mul3A_1259 : i32
      %add3A_1261 = arith.constant 9728 : i32
      %add3A_1262 = arith.addi %add3A_1261, %mul3A_1260 : i32
      %get3A_1263 = arith.index_cast %add3A_1262 : i32 to index
      %get3A_1264 = tpu.vector_load %arg7[%get3A_1263] {strides = array<i32>} : memref<13312xf32, #tpu.memory_space<vmem>>, vector<16xf32>,
      %get3A_1265 = vector.shape_cast %get3A_1264 : vector<16xf32> to vector<16xf32>
      %add3A_1266 = arith.addf %get3A_1258, %get3A_1265 : vector<16xf32>
      %swap3A = arith.index_cast %mul3A_1256 : i32 to index
      %swap3A_1267 = tpu.vector_load %arg8[%swap3A] {strides = array<i32>} : memref<512xf32, #tpu.memory_space<vmem>>, vector<16xf32>,
      %swap3A_1268 = vector.shape_cast %swap3A_1267 : vector<16xf32> to vector<16xf32>
      %swap3A_1269 = vector.shape_cast %add3A_1266 : vector<16xf32> to vector<16xf32>
      tpu.vector_store %arg8[%swap3A], %swap3A_1269 {strides = array<i32>} : memref<512xf32, #tpu.memory_space<vmem>>, vector<16xf32>,
    }
    %scan3A_1145 = arith.constant 32 : i32
    %dma_wait3A_1146 = arith.constant 0 : i32
    %dma_wait3A_1147 = arith.constant 10240 : i32
    %dma_wait3A_1148 = tpu.memref_slice %arg7[%dma_wait3A_1147] : memref<13312xf32, #tpu.memory_space<vmem>> -> memref<512xf32, #tpu.memory_space<vmem>>
    %dma_wait3A_1149 = arith.constant 10240 : i32
    %dma_wait3A_1150 = tpu.memref_slice %arg6[%dma_wait3A_1149] : memref<13312xi32, #tpu.memory_space<vmem>> -> memref<512xi32, #tpu.memory_space<vmem>>
    %dma_wait3A_1151 = arith.constant 0 : i32
    %dma_wait3A_1152 = tpu.memref_slice %arg3[%dma_wait3A_1146, %dma_wait3A_1151] : memref<1x1040000xf32, #tpu.memory_space<hbm>> -> memref<1x1040000xf32, #tpu.memory_space<hbm>>
    %dma_wait3A_1153 = tpu.memref_squeeze %dma_wait3A_1152 : memref<1x1040000xf32, #tpu.memory_space<hbm>> -> memref<1040000xf32, #tpu.memory_space<hbm>>
    %dma_wait3A_1154 = arith.constant 800000 : i32
    %dma_wait3A_1155 = tpu.memref_slice %dma_wait3A_1153[%dma_wait3A_1154] : memref<1040000xf32, #tpu.memory_space<hbm>> -> memref<40000xf32, #tpu.memory_space<hbm>>
    %dma_wait3A_1156 = arith.constant 0 : i32
    %dma_wait3A_1157 = tpu.memref_slice %dma_wait3A_1155[%dma_wait3A_1156] : memref<40000xf32, #tpu.memory_space<hbm>> -> memref<40000xf32, #tpu.memory_space<hbm>>
    tpu.wait_indirect_dma semaphore(%arg11 : memref<!tpu.dma_semaphore, #tpu.memory_space<semaphore_mem>>) src(%dma_wait3A_1157 : memref<40000xf32, #tpu.memory_space<hbm>>) dst(%dma_wait3A_1148 : memref<512xf32, #tpu.memory_space<vmem>>)
    %scan3A_1158 = arith.constant 0 : i32
    %scan3A_1159 = arith.constant 0 : i32
    %scan3A_1160 = arith.constant 32 : i32
    %scan3A_1161 = arith.addi %scan3A_1159, %scan3A_1160 : i32
    %scan3A_1162 = arith.constant 1 : i32
    scf.for %scan3A_1254 = %scan3A_1159 to %scan3A_1161 step %scan3A_1162  : i32 {
      %mul3A_1255 = arith.constant 16 : i32
      %mul3A_1256 = arith.muli %scan3A_1254, %mul3A_1255 : i32
      %get3A = arith.index_cast %mul3A_1256 : i32 to index
      %get3A_1257 = tpu.vector_load %arg8[%get3A] {strides = array<i32>} : memref<512xf32, #tpu.memory_space<vmem>>, vector<16xf32>,
      %get3A_1258 = vector.shape_cast %get3A_1257 : vector<16xf32> to vector<16xf32>
      %mul3A_1259 = arith.constant 16 : i32
      %mul3A_1260 = arith.muli %scan3A_1254, %mul3A_1259 : i32
      %add3A_1261 = arith.constant 10240 : i32
      %add3A_1262 = arith.addi %add3A_1261, %mul3A_1260 : i32
      %get3A_1263 = arith.index_cast %add3A_1262 : i32 to index
      %get3A_1264 = tpu.vector_load %arg7[%get3A_1263] {strides = array<i32>} : memref<13312xf32, #tpu.memory_space<vmem>>, vector<16xf32>,
      %get3A_1265 = vector.shape_cast %get3A_1264 : vector<16xf32> to vector<16xf32>
      %add3A_1266 = arith.addf %get3A_1258, %get3A_1265 : vector<16xf32>
      %swap3A = arith.index_cast %mul3A_1256 : i32 to index
      %swap3A_1267 = tpu.vector_load %arg8[%swap3A] {strides = array<i32>} : memref<512xf32, #tpu.memory_space<vmem>>, vector<16xf32>,
      %swap3A_1268 = vector.shape_cast %swap3A_1267 : vector<16xf32> to vector<16xf32>
      %swap3A_1269 = vector.shape_cast %add3A_1266 : vector<16xf32> to vector<16xf32>
      tpu.vector_store %arg8[%swap3A], %swap3A_1269 {strides = array<i32>} : memref<512xf32, #tpu.memory_space<vmem>>, vector<16xf32>,
    }
    %scan3A_1163 = arith.constant 32 : i32
    %dma_wait3A_1164 = arith.constant 0 : i32
    %dma_wait3A_1165 = arith.constant 10752 : i32
    %dma_wait3A_1166 = tpu.memref_slice %arg7[%dma_wait3A_1165] : memref<13312xf32, #tpu.memory_space<vmem>> -> memref<512xf32, #tpu.memory_space<vmem>>
    %dma_wait3A_1167 = arith.constant 10752 : i32
    %dma_wait3A_1168 = tpu.memref_slice %arg6[%dma_wait3A_1167] : memref<13312xi32, #tpu.memory_space<vmem>> -> memref<512xi32, #tpu.memory_space<vmem>>
    %dma_wait3A_1169 = arith.constant 0 : i32
    %dma_wait3A_1170 = tpu.memref_slice %arg3[%dma_wait3A_1164, %dma_wait3A_1169] : memref<1x1040000xf32, #tpu.memory_space<hbm>> -> memref<1x1040000xf32, #tpu.memory_space<hbm>>
    %dma_wait3A_1171 = tpu.memref_squeeze %dma_wait3A_1170 : memref<1x1040000xf32, #tpu.memory_space<hbm>> -> memref<1040000xf32, #tpu.memory_space<hbm>>
    %dma_wait3A_1172 = arith.constant 840000 : i32
    %dma_wait3A_1173 = tpu.memref_slice %dma_wait3A_1171[%dma_wait3A_1172] : memref<1040000xf32, #tpu.memory_space<hbm>> -> memref<40000xf32, #tpu.memory_space<hbm>>
    %dma_wait3A_1174 = arith.constant 0 : i32
    %dma_wait3A_1175 = tpu.memref_slice %dma_wait3A_1173[%dma_wait3A_1174] : memref<40000xf32, #tpu.memory_space<hbm>> -> memref<40000xf32, #tpu.memory_space<hbm>>
    tpu.wait_indirect_dma semaphore(%arg11 : memref<!tpu.dma_semaphore, #tpu.memory_space<semaphore_mem>>) src(%dma_wait3A_1175 : memref<40000xf32, #tpu.memory_space<hbm>>) dst(%dma_wait3A_1166 : memref<512xf32, #tpu.memory_space<vmem>>)
    %scan3A_1176 = arith.constant 0 : i32
    %scan3A_1177 = arith.constant 0 : i32
    %scan3A_1178 = arith.constant 32 : i32
    %scan3A_1179 = arith.addi %scan3A_1177, %scan3A_1178 : i32
    %scan3A_1180 = arith.constant 1 : i32
    scf.for %scan3A_1254 = %scan3A_1177 to %scan3A_1179 step %scan3A_1180  : i32 {
      %mul3A_1255 = arith.constant 16 : i32
      %mul3A_1256 = arith.muli %scan3A_1254, %mul3A_1255 : i32
      %get3A = arith.index_cast %mul3A_1256 : i32 to index
      %get3A_1257 = tpu.vector_load %arg8[%get3A] {strides = array<i32>} : memref<512xf32, #tpu.memory_space<vmem>>, vector<16xf32>,
      %get3A_1258 = vector.shape_cast %get3A_1257 : vector<16xf32> to vector<16xf32>
      %mul3A_1259 = arith.constant 16 : i32
      %mul3A_1260 = arith.muli %scan3A_1254, %mul3A_1259 : i32
      %add3A_1261 = arith.constant 10752 : i32
      %add3A_1262 = arith.addi %add3A_1261, %mul3A_1260 : i32
      %get3A_1263 = arith.index_cast %add3A_1262 : i32 to index
      %get3A_1264 = tpu.vector_load %arg7[%get3A_1263] {strides = array<i32>} : memref<13312xf32, #tpu.memory_space<vmem>>, vector<16xf32>,
      %get3A_1265 = vector.shape_cast %get3A_1264 : vector<16xf32> to vector<16xf32>
      %add3A_1266 = arith.addf %get3A_1258, %get3A_1265 : vector<16xf32>
      %swap3A = arith.index_cast %mul3A_1256 : i32 to index
      %swap3A_1267 = tpu.vector_load %arg8[%swap3A] {strides = array<i32>} : memref<512xf32, #tpu.memory_space<vmem>>, vector<16xf32>,
      %swap3A_1268 = vector.shape_cast %swap3A_1267 : vector<16xf32> to vector<16xf32>
      %swap3A_1269 = vector.shape_cast %add3A_1266 : vector<16xf32> to vector<16xf32>
      tpu.vector_store %arg8[%swap3A], %swap3A_1269 {strides = array<i32>} : memref<512xf32, #tpu.memory_space<vmem>>, vector<16xf32>,
    }
    %scan3A_1181 = arith.constant 32 : i32
    %dma_wait3A_1182 = arith.constant 0 : i32
    %dma_wait3A_1183 = arith.constant 11264 : i32
    %dma_wait3A_1184 = tpu.memref_slice %arg7[%dma_wait3A_1183] : memref<13312xf32, #tpu.memory_space<vmem>> -> memref<512xf32, #tpu.memory_space<vmem>>
    %dma_wait3A_1185 = arith.constant 11264 : i32
    %dma_wait3A_1186 = tpu.memref_slice %arg6[%dma_wait3A_1185] : memref<13312xi32, #tpu.memory_space<vmem>> -> memref<512xi32, #tpu.memory_space<vmem>>
    %dma_wait3A_1187 = arith.constant 0 : i32
    %dma_wait3A_1188 = tpu.memref_slice %arg3[%dma_wait3A_1182, %dma_wait3A_1187] : memref<1x1040000xf32, #tpu.memory_space<hbm>> -> memref<1x1040000xf32, #tpu.memory_space<hbm>>
    %dma_wait3A_1189 = tpu.memref_squeeze %dma_wait3A_1188 : memref<1x1040000xf32, #tpu.memory_space<hbm>> -> memref<1040000xf32, #tpu.memory_space<hbm>>
    %dma_wait3A_1190 = arith.constant 880000 : i32
    %dma_wait3A_1191 = tpu.memref_slice %dma_wait3A_1189[%dma_wait3A_1190] : memref<1040000xf32, #tpu.memory_space<hbm>> -> memref<40000xf32, #tpu.memory_space<hbm>>
    %dma_wait3A_1192 = arith.constant 0 : i32
    %dma_wait3A_1193 = tpu.memref_slice %dma_wait3A_1191[%dma_wait3A_1192] : memref<40000xf32, #tpu.memory_space<hbm>> -> memref<40000xf32, #tpu.memory_space<hbm>>
    tpu.wait_indirect_dma semaphore(%arg11 : memref<!tpu.dma_semaphore, #tpu.memory_space<semaphore_mem>>) src(%dma_wait3A_1193 : memref<40000xf32, #tpu.memory_space<hbm>>) dst(%dma_wait3A_1184 : memref<512xf32, #tpu.memory_space<vmem>>)
    %scan3A_1194 = arith.constant 0 : i32
    %scan3A_1195 = arith.constant 0 : i32
    %scan3A_1196 = arith.constant 32 : i32
    %scan3A_1197 = arith.addi %scan3A_1195, %scan3A_1196 : i32
    %scan3A_1198 = arith.constant 1 : i32
    scf.for %scan3A_1254 = %scan3A_1195 to %scan3A_1197 step %scan3A_1198  : i32 {
      %mul3A_1255 = arith.constant 16 : i32
      %mul3A_1256 = arith.muli %scan3A_1254, %mul3A_1255 : i32
      %get3A = arith.index_cast %mul3A_1256 : i32 to index
      %get3A_1257 = tpu.vector_load %arg8[%get3A] {strides = array<i32>} : memref<512xf32, #tpu.memory_space<vmem>>, vector<16xf32>,
      %get3A_1258 = vector.shape_cast %get3A_1257 : vector<16xf32> to vector<16xf32>
      %mul3A_1259 = arith.constant 16 : i32
      %mul3A_1260 = arith.muli %scan3A_1254, %mul3A_1259 : i32
      %add3A_1261 = arith.constant 11264 : i32
      %add3A_1262 = arith.addi %add3A_1261, %mul3A_1260 : i32
      %get3A_1263 = arith.index_cast %add3A_1262 : i32 to index
      %get3A_1264 = tpu.vector_load %arg7[%get3A_1263] {strides = array<i32>} : memref<13312xf32, #tpu.memory_space<vmem>>, vector<16xf32>,
      %get3A_1265 = vector.shape_cast %get3A_1264 : vector<16xf32> to vector<16xf32>
      %add3A_1266 = arith.addf %get3A_1258, %get3A_1265 : vector<16xf32>
      %swap3A = arith.index_cast %mul3A_1256 : i32 to index
      %swap3A_1267 = tpu.vector_load %arg8[%swap3A] {strides = array<i32>} : memref<512xf32, #tpu.memory_space<vmem>>, vector<16xf32>,
      %swap3A_1268 = vector.shape_cast %swap3A_1267 : vector<16xf32> to vector<16xf32>
      %swap3A_1269 = vector.shape_cast %add3A_1266 : vector<16xf32> to vector<16xf32>
      tpu.vector_store %arg8[%swap3A], %swap3A_1269 {strides = array<i32>} : memref<512xf32, #tpu.memory_space<vmem>>, vector<16xf32>,
    }
    %scan3A_1199 = arith.constant 32 : i32
    %dma_wait3A_1200 = arith.constant 0 : i32
    %dma_wait3A_1201 = arith.constant 11776 : i32
    %dma_wait3A_1202 = tpu.memref_slice %arg7[%dma_wait3A_1201] : memref<13312xf32, #tpu.memory_space<vmem>> -> memref<512xf32, #tpu.memory_space<vmem>>
    %dma_wait3A_1203 = arith.constant 11776 : i32
    %dma_wait3A_1204 = tpu.memref_slice %arg6[%dma_wait3A_1203] : memref<13312xi32, #tpu.memory_space<vmem>> -> memref<512xi32, #tpu.memory_space<vmem>>
    %dma_wait3A_1205 = arith.constant 0 : i32
    %dma_wait3A_1206 = tpu.memref_slice %arg3[%dma_wait3A_1200, %dma_wait3A_1205] : memref<1x1040000xf32, #tpu.memory_space<hbm>> -> memref<1x1040000xf32, #tpu.memory_space<hbm>>
    %dma_wait3A_1207 = tpu.memref_squeeze %dma_wait3A_1206 : memref<1x1040000xf32, #tpu.memory_space<hbm>> -> memref<1040000xf32, #tpu.memory_space<hbm>>
    %dma_wait3A_1208 = arith.constant 920000 : i32
    %dma_wait3A_1209 = tpu.memref_slice %dma_wait3A_1207[%dma_wait3A_1208] : memref<1040000xf32, #tpu.memory_space<hbm>> -> memref<40000xf32, #tpu.memory_space<hbm>>
    %dma_wait3A_1210 = arith.constant 0 : i32
    %dma_wait3A_1211 = tpu.memref_slice %dma_wait3A_1209[%dma_wait3A_1210] : memref<40000xf32, #tpu.memory_space<hbm>> -> memref<40000xf32, #tpu.memory_space<hbm>>
    tpu.wait_indirect_dma semaphore(%arg11 : memref<!tpu.dma_semaphore, #tpu.memory_space<semaphore_mem>>) src(%dma_wait3A_1211 : memref<40000xf32, #tpu.memory_space<hbm>>) dst(%dma_wait3A_1202 : memref<512xf32, #tpu.memory_space<vmem>>)
    %scan3A_1212 = arith.constant 0 : i32
    %scan3A_1213 = arith.constant 0 : i32
    %scan3A_1214 = arith.constant 32 : i32
    %scan3A_1215 = arith.addi %scan3A_1213, %scan3A_1214 : i32
    %scan3A_1216 = arith.constant 1 : i32
    scf.for %scan3A_1254 = %scan3A_1213 to %scan3A_1215 step %scan3A_1216  : i32 {
      %mul3A_1255 = arith.constant 16 : i32
      %mul3A_1256 = arith.muli %scan3A_1254, %mul3A_1255 : i32
      %get3A = arith.index_cast %mul3A_1256 : i32 to index
      %get3A_1257 = tpu.vector_load %arg8[%get3A] {strides = array<i32>} : memref<512xf32, #tpu.memory_space<vmem>>, vector<16xf32>,
      %get3A_1258 = vector.shape_cast %get3A_1257 : vector<16xf32> to vector<16xf32>
      %mul3A_1259 = arith.constant 16 : i32
      %mul3A_1260 = arith.muli %scan3A_1254, %mul3A_1259 : i32
      %add3A_1261 = arith.constant 11776 : i32
      %add3A_1262 = arith.addi %add3A_1261, %mul3A_1260 : i32
      %get3A_1263 = arith.index_cast %add3A_1262 : i32 to index
      %get3A_1264 = tpu.vector_load %arg7[%get3A_1263] {strides = array<i32>} : memref<13312xf32, #tpu.memory_space<vmem>>, vector<16xf32>,
      %get3A_1265 = vector.shape_cast %get3A_1264 : vector<16xf32> to vector<16xf32>
      %add3A_1266 = arith.addf %get3A_1258, %get3A_1265 : vector<16xf32>
      %swap3A = arith.index_cast %mul3A_1256 : i32 to index
      %swap3A_1267 = tpu.vector_load %arg8[%swap3A] {strides = array<i32>} : memref<512xf32, #tpu.memory_space<vmem>>, vector<16xf32>,
      %swap3A_1268 = vector.shape_cast %swap3A_1267 : vector<16xf32> to vector<16xf32>
      %swap3A_1269 = vector.shape_cast %add3A_1266 : vector<16xf32> to vector<16xf32>
      tpu.vector_store %arg8[%swap3A], %swap3A_1269 {strides = array<i32>} : memref<512xf32, #tpu.memory_space<vmem>>, vector<16xf32>,
    }
    %scan3A_1217 = arith.constant 32 : i32
    %dma_wait3A_1218 = arith.constant 0 : i32
    %dma_wait3A_1219 = arith.constant 12288 : i32
    %dma_wait3A_1220 = tpu.memref_slice %arg7[%dma_wait3A_1219] : memref<13312xf32, #tpu.memory_space<vmem>> -> memref<512xf32, #tpu.memory_space<vmem>>
    %dma_wait3A_1221 = arith.constant 12288 : i32
    %dma_wait3A_1222 = tpu.memref_slice %arg6[%dma_wait3A_1221] : memref<13312xi32, #tpu.memory_space<vmem>> -> memref<512xi32, #tpu.memory_space<vmem>>
    %dma_wait3A_1223 = arith.constant 0 : i32
    %dma_wait3A_1224 = tpu.memref_slice %arg3[%dma_wait3A_1218, %dma_wait3A_1223] : memref<1x1040000xf32, #tpu.memory_space<hbm>> -> memref<1x1040000xf32, #tpu.memory_space<hbm>>
    %dma_wait3A_1225 = tpu.memref_squeeze %dma_wait3A_1224 : memref<1x1040000xf32, #tpu.memory_space<hbm>> -> memref<1040000xf32, #tpu.memory_space<hbm>>
    %dma_wait3A_1226 = arith.constant 960000 : i32
    %dma_wait3A_1227 = tpu.memref_slice %dma_wait3A_1225[%dma_wait3A_1226] : memref<1040000xf32, #tpu.memory_space<hbm>> -> memref<40000xf32, #tpu.memory_space<hbm>>
    %dma_wait3A_1228 = arith.constant 0 : i32
    %dma_wait3A_1229 = tpu.memref_slice %dma_wait3A_1227[%dma_wait3A_1228] : memref<40000xf32, #tpu.memory_space<hbm>> -> memref<40000xf32, #tpu.memory_space<hbm>>
    tpu.wait_indirect_dma semaphore(%arg11 : memref<!tpu.dma_semaphore, #tpu.memory_space<semaphore_mem>>) src(%dma_wait3A_1229 : memref<40000xf32, #tpu.memory_space<hbm>>) dst(%dma_wait3A_1220 : memref<512xf32, #tpu.memory_space<vmem>>)
    %scan3A_1230 = arith.constant 0 : i32
    %scan3A_1231 = arith.constant 0 : i32
    %scan3A_1232 = arith.constant 32 : i32
    %scan3A_1233 = arith.addi %scan3A_1231, %scan3A_1232 : i32
    %scan3A_1234 = arith.constant 1 : i32
    scf.for %scan3A_1254 = %scan3A_1231 to %scan3A_1233 step %scan3A_1234  : i32 {
      %mul3A_1255 = arith.constant 16 : i32
      %mul3A_1256 = arith.muli %scan3A_1254, %mul3A_1255 : i32
      %get3A = arith.index_cast %mul3A_1256 : i32 to index
      %get3A_1257 = tpu.vector_load %arg8[%get3A] {strides = array<i32>} : memref<512xf32, #tpu.memory_space<vmem>>, vector<16xf32>,
      %get3A_1258 = vector.shape_cast %get3A_1257 : vector<16xf32> to vector<16xf32>
      %mul3A_1259 = arith.constant 16 : i32
      %mul3A_1260 = arith.muli %scan3A_1254, %mul3A_1259 : i32
      %add3A_1261 = arith.constant 12288 : i32
      %add3A_1262 = arith.addi %add3A_1261, %mul3A_1260 : i32
      %get3A_1263 = arith.index_cast %add3A_1262 : i32 to index
      %get3A_1264 = tpu.vector_load %arg7[%get3A_1263] {strides = array<i32>} : memref<13312xf32, #tpu.memory_space<vmem>>, vector<16xf32>,
      %get3A_1265 = vector.shape_cast %get3A_1264 : vector<16xf32> to vector<16xf32>
      %add3A_1266 = arith.addf %get3A_1258, %get3A_1265 : vector<16xf32>
      %swap3A = arith.index_cast %mul3A_1256 : i32 to index
      %swap3A_1267 = tpu.vector_load %arg8[%swap3A] {strides = array<i32>} : memref<512xf32, #tpu.memory_space<vmem>>, vector<16xf32>,
      %swap3A_1268 = vector.shape_cast %swap3A_1267 : vector<16xf32> to vector<16xf32>
      %swap3A_1269 = vector.shape_cast %add3A_1266 : vector<16xf32> to vector<16xf32>
      tpu.vector_store %arg8[%swap3A], %swap3A_1269 {strides = array<i32>} : memref<512xf32, #tpu.memory_space<vmem>>, vector<16xf32>,
    }
    %scan3A_1235 = arith.constant 32 : i32
    %dma_wait3A_1236 = arith.constant 0 : i32
    %dma_wait3A_1237 = arith.constant 12800 : i32
    %dma_wait3A_1238 = tpu.memref_slice %arg7[%dma_wait3A_1237] : memref<13312xf32, #tpu.memory_space<vmem>> -> memref<512xf32, #tpu.memory_space<vmem>>
    %dma_wait3A_1239 = arith.constant 12800 : i32
    %dma_wait3A_1240 = tpu.memref_slice %arg6[%dma_wait3A_1239] : memref<13312xi32, #tpu.memory_space<vmem>> -> memref<512xi32, #tpu.memory_space<vmem>>
    %dma_wait3A_1241 = arith.constant 0 : i32
    %dma_wait3A_1242 = tpu.memref_slice %arg3[%dma_wait3A_1236, %dma_wait3A_1241] : memref<1x1040000xf32, #tpu.memory_space<hbm>> -> memref<1x1040000xf32, #tpu.memory_space<hbm>>
    %dma_wait3A_1243 = tpu.memref_squeeze %dma_wait3A_1242 : memref<1x1040000xf32, #tpu.memory_space<hbm>> -> memref<1040000xf32, #tpu.memory_space<hbm>>
    %dma_wait3A_1244 = arith.constant 1000000 : i32
    %dma_wait3A_1245 = tpu.memref_slice %dma_wait3A_1243[%dma_wait3A_1244] : memref<1040000xf32, #tpu.memory_space<hbm>> -> memref<40000xf32, #tpu.memory_space<hbm>>
    %dma_wait3A_1246 = arith.constant 0 : i32
    %dma_wait3A_1247 = tpu.memref_slice %dma_wait3A_1245[%dma_wait3A_1246] : memref<40000xf32, #tpu.memory_space<hbm>> -> memref<40000xf32, #tpu.memory_space<hbm>>
    tpu.wait_indirect_dma semaphore(%arg11 : memref<!tpu.dma_semaphore, #tpu.memory_space<semaphore_mem>>) src(%dma_wait3A_1247 : memref<40000xf32, #tpu.memory_space<hbm>>) dst(%dma_wait3A_1238 : memref<512xf32, #tpu.memory_space<vmem>>)
    %scan3A_1248 = arith.constant 0 : i32
    %scan3A_1249 = arith.constant 0 : i32
    %scan3A_1250 = arith.constant 32 : i32
    %scan3A_1251 = arith.addi %scan3A_1249, %scan3A_1250 : i32
    %scan3A_1252 = arith.constant 1 : i32
    scf.for %scan3A_1254 = %scan3A_1249 to %scan3A_1251 step %scan3A_1252  : i32 {
      %mul3A_1255 = arith.constant 16 : i32
      %mul3A_1256 = arith.muli %scan3A_1254, %mul3A_1255 : i32
      %get3A = arith.index_cast %mul3A_1256 : i32 to index
      %get3A_1257 = tpu.vector_load %arg8[%get3A] {strides = array<i32>} : memref<512xf32, #tpu.memory_space<vmem>>, vector<16xf32>,
      %get3A_1258 = vector.shape_cast %get3A_1257 : vector<16xf32> to vector<16xf32>
      %mul3A_1259 = arith.constant 16 : i32
      %mul3A_1260 = arith.muli %scan3A_1254, %mul3A_1259 : i32
      %add3A_1261 = arith.constant 12800 : i32
      %add3A_1262 = arith.addi %add3A_1261, %mul3A_1260 : i32
      %get3A_1263 = arith.index_cast %add3A_1262 : i32 to index
      %get3A_1264 = tpu.vector_load %arg7[%get3A_1263] {strides = array<i32>} : memref<13312xf32, #tpu.memory_space<vmem>>, vector<16xf32>,
      %get3A_1265 = vector.shape_cast %get3A_1264 : vector<16xf32> to vector<16xf32>
      %add3A_1266 = arith.addf %get3A_1258, %get3A_1265 : vector<16xf32>
      %swap3A = arith.index_cast %mul3A_1256 : i32 to index
      %swap3A_1267 = tpu.vector_load %arg8[%swap3A] {strides = array<i32>} : memref<512xf32, #tpu.memory_space<vmem>>, vector<16xf32>,
      %swap3A_1268 = vector.shape_cast %swap3A_1267 : vector<16xf32> to vector<16xf32>
      %swap3A_1269 = vector.shape_cast %add3A_1266 : vector<16xf32> to vector<16xf32>
      tpu.vector_store %arg8[%swap3A], %swap3A_1269 {strides = array<i32>} : memref<512xf32, #tpu.memory_space<vmem>>, vector<16xf32>,
    }
    %scan3A_1253 = arith.constant 32 : i32
    "tpu.region"() ({
      %run_scoped3A = tpu.sem_alloc : memref<!tpu.dma_semaphore, #tpu.memory_space<semaphore_mem>>
      %dma_start3A_1254 = tpu.memref_slice %arg5[%mul3A_2] : memref<16384xf32, #tpu.memory_space<hbm>> -> memref<512xf32, #tpu.memory_space<hbm>>
      %dma_start3A_1255 = tpu.memref_slice %arg5[%mul3A_2] : memref<16384xf32, #tpu.memory_space<hbm>> -> memref<512xf32, #tpu.memory_space<hbm>>
      tpu.enqueue_dma source(%arg8 : memref<512xf32, #tpu.memory_space<vmem>>) target(%dma_start3A_1255 : memref<512xf32, #tpu.memory_space<hbm>>) target_semaphore(%run_scoped3A : memref<!tpu.dma_semaphore, #tpu.memory_space<semaphore_mem>>)
      %dma_wait3A_1256 = tpu.memref_slice %arg5[%mul3A_2] : memref<16384xf32, #tpu.memory_space<hbm>> -> memref<512xf32, #tpu.memory_space<hbm>>
      %dma_wait3A_1257 = tpu.memref_slice %arg5[%mul3A_2] : memref<16384xf32, #tpu.memory_space<hbm>> -> memref<512xf32, #tpu.memory_space<hbm>>
      tpu.wait_dma2 semaphore(%run_scoped3A : memref<!tpu.dma_semaphore, #tpu.memory_space<semaphore_mem>>) src(%arg8 : memref<512xf32, #tpu.memory_space<vmem>>) dst(%dma_wait3A_1257 : memref<512xf32, #tpu.memory_space<hbm>>)
      tpu.yield
    }) : () -> ()
    return
  }
}

</mosaic_0001>

<sc_bundles>
// kernel: kernel.3.cloned.1.call-start
scs
__scs_entry_jumppad:
0x0: {  	(pc) =	sbr.rel $0x88, $3  }
0x1: {  	(tag) =	ssettag $0x0;
	lr =	simm.s32 $0x1  }
0x2: {  	[smem:$0x3F9E] =	sst lr;
	_ =	strace $0xD0000000  }
0x3: {  	_ = 	snop  }
0x4: {  	_ = 	snop  }
0x5: {  	_ = 	snop  }
0x6: {  	_ = 	snop  }
0x7: {  	_ = 	snop  }
__scs_overlays_trampoline_lowered:
0x8: {  	[smem:$0x3FAD] =	sst s0  }
0x9: {  	[smem:$0x3FAE] =	sst s1  }
0xa: {  	[smem:$0x3FAF] =	sst s2  }
0xb: {  	[smem:$0x3FB0] =	sst s3  }
0xc: {  	[smem:$0x3FB1] =	sst s4  }
0xd: {  	[smem:$0x3FB2] =	sst s5  }
0xe: {  	[smem:$0x3FB3] =	sst s6  }
0xf: {  	[smem:$0x3FB4] =	sst s7  }
0x10: {  	[smem:$0x3FB5] =	sst s8  }
0x11: {  	[smem:$0x3FB6] =	sst s9;
	s0 =	simm.s32 @!p0 $0x0  }
0x12: {  	s1 =	sld [smem:$0x3F9C];
	s0 =	simm.s32 @p0 $0x1  }
0x13: {  	[smem:$0x3FB7] =	sst s0;
	s0 =	simm.s32 @!p1 $0x0  }
0x14: {  	s2 =	sld [smem:$0x3F9B];
	s0 =	simm.s32 @p1 $0x1  }
0x15: {  	[smem:$0x3FB8] =	sst s0;
	s0 =	simm.s32 @!p2 $0x0  }
0x16: {  	s3 =	sld [smem:$0x3FDB];
	s0 =	simm.s32 @p2 $0x1  }
0x17: {  	s4 =	simm.s32 $0x1BF5;
	[smem:$0x3FBA] =	sst s0  }
0x18: {  	s0 =	sld [smem:$0x3F9D];
	_ =	swait.ge [sflag:s4], $0x0  }
0x19: {  	s7 =	sld [smem:$0x3F9E]  }
0x1a: {  	s8 =	sadd.s32 $0xFFFFE003, lr  }
0x1b: {  	s9 =	sadd.s32 $0xFFFFFEF7, lr;
	s5 =	simm.s32 $0xFFFFFFFF;
	p2 =	slt.u32 s8, $0xFFFFF086  }
0x1c: {  	p1 =	slt.u32 s9, $0xF7A;
	s5 =	simm.s32 @!p2 $0x0  }
0x1d: {  	s5 =	simm.s32 @p1 $0x1;
	p0 =	seq.s32 s7, s2  }
0x1e: {  	s7 =	smul.u32 @!p0 $0xF7A, s2;
	p2 =	seq.s32 @!p0 s5, $0x0  }
0x1f: {  	s9 =	smul.u32 $0xF7A, s1;
	s8 =	simm.s32 @!p0 $0x1BF5;
	p2 =	por !p2, p0  }
0x20: {  	[sflag:s8] =	ssyncset.s32 @!p0 $0xFFFFF086;
	s6 =	sadd.s32 @!p0 s3, s7;
	s7 =	simm.s32 @!p0 $0x108  }
0x21: {  	s3 =	sadd.s32 s3, s9;
	s6 =	sadd.s32 @!p0 $0x88, s6;
	s7 =	simm.s32 @p2 $0x1082  }
0x22: {  	[simem:s7], [sflag:s8] =	dma.local @!p0 [hbm:s6], $0xF7A  }
0x23: {  	s9 =	sor.u32 $0xD0000000, s2;
	s6 =	simm.s32 $0x108;
	_ =	swait.ge @!p0 [sflag:s8], $0x0  }
0x24: {  	s3 =	sadd.s32 $0x88, s3;
	s6 =	simm.s32 @!p1 $0x1082;
	[sflag:s4] =	ssyncset.s32 $0xFFFFF086  }
0x25: {  	[simem:s6], [sflag:s4] =	dma.local [hbm:s3], $0xF7A  }
0x26: {  	[smem:$0x3F9E] =	sst s1;
	(tag) =	ssettag s2;
	_ =	strace s9  }
0x27: {  	s1 =	sld [smem:$0x3FAE]  }
0x28: {  	s2 =	sld [smem:$0x3FAF]  }
0x29: {  	s4 =	sld [smem:$0x3FB1]  }
0x2a: {  	p0 =	seq.s32 s5, $0x0;
	s5 =	sld [smem:$0x3FB2]  }
0x2b: {  	s6 =	sld [smem:$0x3FB3]  }
0x2c: {  	s7 =	sld [smem:$0x3FB4]  }
0x2d: {  	s3 =	simm.s32 $0x108;
	s8 =	sld [smem:$0x3FB5]  }
0x2e: {  	s3 =	simm.s32 @!p0 $0x1082;
	s9 =	sld [smem:$0x3FB6]  }
0x2f: {  	lr =	sadd.s32 s0, s3;
	s0 =	sld [smem:$0x3FAD]  }
0x30: {  	s3 =	sld [smem:$0x3FB0]  }
0x31: {  	[smem:$0x3FB9] =	sst s10  }
0x32: {  	s10 =	sld [smem:$0x3FB7];
	_ =	sdelay $0x3  }
0x33: {  	p0 =	seq.s32 s10, $0x1;
	s10 =	sld [smem:$0x3FB9];
	_ =	sdelay $0x3  }
0x34: {  	[smem:$0x3FB9] =	sst s10  }
0x35: {  	s10 =	sld [smem:$0x3FB8];
	_ =	sdelay $0x3  }
0x36: {  	p1 =	seq.s32 s10, $0x1;
	s10 =	sld [smem:$0x3FB9];
	_ =	sdelay $0x3  }
0x37: {  	[smem:$0x3FB9] =	sst s10  }
0x38: {  	s10 =	sld [smem:$0x3FBA]  }
0x39: {  	_ = 	snop;
	(pc) =	sbr.ind lr, $3  }
0x3a: {  	_ = 	snop  }
0x3b: {  	_ = 	snop  }
0x3c: {  	p2 =	seq.s32 s10, $0x1;
	s10 =	sld [smem:$0x3FB9]  }
0x3d: {  	_ =	shalt  }
0x3e: {  	_ =	shalt  }
0x3f: {  	_ =	shalt  }
0x40: {  	_ =	shalt  }
0x41: {  	_ =	shalt  }
0x42: {  	_ =	shalt  }
0x43: {  	_ =	shalt  }
0x44: {  	_ =	shalt  }
0x45: {  	_ =	shalt  }
0x46: {  	_ =	shalt  }
0x47: {  	_ =	shalt  }
0x48: {  	_ =	shalt  }
0x49: {  	_ =	shalt  }
0x4a: {  	_ =	shalt  }
0x4b: {  	_ =	shalt  }
0x4c: {  	_ =	shalt  }
0x4d: {  	_ =	shalt  }
0x4e: {  	_ =	shalt  }
0x4f: {  	_ =	shalt  }
0x50: {  	_ =	shalt  }
0x51: {  	_ =	shalt  }
0x52: {  	_ =	shalt  }
0x53: {  	_ =	shalt  }
0x54: {  	_ =	shalt  }
0x55: {  	_ =	shalt  }
0x56: {  	_ =	shalt  }
0x57: {  	_ =	shalt  }
0x58: {  	_ =	shalt  }
0x59: {  	_ =	shalt  }
0x5a: {  	_ =	shalt  }
0x5b: {  	_ =	shalt  }
0x5c: {  	_ =	shalt  }
0x5d: {  	_ =	shalt  }
0x5e: {  	_ =	shalt  }
0x5f: {  	_ =	shalt  }
0x60: {  	_ =	shalt  }
0x61: {  	_ =	shalt  }
0x62: {  	_ =	shalt  }
0x63: {  	_ =	shalt  }
0x64: {  	_ =	shalt  }
0x65: {  	_ =	shalt  }
0x66: {  	_ =	shalt  }
0x67: {  	_ =	shalt  }
0x68: {  	_ =	shalt  }
0x69: {  	_ =	shalt  }
0x6a: {  	_ =	shalt  }
0x6b: {  	_ =	shalt  }
0x6c: {  	_ =	shalt  }
0x6d: {  	_ =	shalt  }
0x6e: {  	_ =	shalt  }
0x6f: {  	_ =	shalt  }
0x70: {  	_ =	shalt  }
0x71: {  	_ =	shalt  }
0x72: {  	_ =	shalt  }
0x73: {  	_ =	shalt  }
0x74: {  	_ =	shalt  }
0x75: {  	_ =	shalt  }
0x76: {  	_ =	shalt  }
0x77: {  	_ =	shalt  }
0x78: {  	_ =	shalt  }
0x79: {  	_ =	shalt  }
0x7a: {  	_ =	shalt  }
0x7b: {  	_ =	shalt  }
0x7c: {  	_ =	shalt  }
0x7d: {  	_ =	shalt  }
0x7e: {  	_ =	shalt  }
0x7f: {  	_ =	shalt  }
0x80: {  	_ =	shalt  }
0x81: {  	_ =	shalt  }
0x82: {  	_ =	shalt  }
0x83: {  	_ =	shalt  }
0x84: {  	_ =	shalt  }
0x85: {  	_ =	shalt  }
0x86: {  	_ =	shalt  }
0x87: {  	_ =	shalt  }
.Lfunc_end0:
.L_simem_size_0:
called_computation_lowered:
.L_overlay_start_0:
0x88: {  	s2 =	sld [smem:$0x3FD9]  }
0x89: {  	s3 =	sld [smem:$0x3FFE];
	_ =	sdelay $0x1  }
0x8a: {  	s1 =	srdreg.scid  }
0x8b: {  	s0 =	sand.u32 $0x1, s1  }
0x8c: {  	s17 =	sshll.u32 s0, $0xA;
	s2 =	sadd.s32 s3, s2  }
0x8d: {  	s2 =	sadd.s32 s2, s17  }
0x8e: {  	[smem:$0x3FC5] =	sst s2  }
0x8f: {  	_ = 	snop  }
0x90: {  	s2 =	sld [smem:$0x3FC9]  }
0x91: {  	s18 =	sld [smem:$0x3FC8]  }
0x92: {  	s4 =	sld [smem:$0x3FD0];
	(tm) =	ssettm $0x1  }
0x93: {  	s5 =	sld [smem:$0x3FFB];
	_ =	sdelay $0x3  }
0x94: {  	_ =	strace s5  }
0x95: {  	s5 =	sld [smem:$0x3FFC];
	_ =	sdelay $0x3  }
0x96: {  	_ =	strace s5  }
0x97: {  	s5 =	sld [smem:$0x3FFD];
	_ =	sdelay $0x3  }
0x98: {  	_ =	strace s5  }
0x99: {  	_ =	strace $0x8FFFFFFF  }
0x9a: {  	s19 =	sld [smem:$0x3FDB];
	_ =	sdelay $0x1  }
0x9b: {  	s6 =	simm.s32 $_scs_section_size  }
0x9c: {  	s7 =	simm.s32 $_size__tile_overlayer_lowered;
	s8 =	simm.s32 $_tile_overlayer_lowered  }
0x9d: {  	s22 =	simm.s32 $0x1BFF;
	s21 =	sshll.u32 s8, $0x1;
	s5 =	sadd.s32 s6, s19  }
0x9e: {  	s9 =	simm.s32 $0x0;
	s20 =	sshll.u32 s7, $0x1;
	s7 =	sadd.s32 s21, s5  }
0x9f: {  	[timem:s9], [sflag:s22] =	dma.local [hbm:s7], s20  }
0xa0: {  	_ =	swait.ge [sflag:s22], s20  }
0xa1: {  	s6 =	ssub.s32 $0x0, s20;
	[sflag:s22] =	ssyncset.done $0x0  }
0xa2: {  	[sflag:s22] =	ssyncadd.s32 s6;
	_ =	sdelay $0x1  }
0xa3: {  	s23 =	simm.s32 $0x1B8B  }
0xa4: {  	_ =	swait.ge [sflag:s23], $0x1  }
0xa5: {  	[sflag:s23] =	ssyncset.done $0x0  }
0xa6: {  	s25 =	simm.s32 $0x1B8E;
	s24 =	sld [smem:$0x3FFE];
	[sflag:s23] =	ssyncadd.s32 $0xFFFFFFFF  }
0xa7: {  	s26 =	simm.s32 $execute0_lowered;
	[smem:$0x3FD2] =	sst s25  }
0xa8: {  	s7 =	sshll.u32 s26, $0x1;
	_ =	strace $0x80000046;
	[dreg:$0x1] =	wrdreg $0xFFFFFFFF  }
0xa9: {  	s28 =	simm.s32 $_size_execute0_lowered;
	s5 =	sadd.s32 s5, s7;
	[dreg:$0x0] =	wrdreg $0x0  }
0xaa: {  	s7 =	sshll.u32 s28, $0x1;
	[dreg:$0x2] =	wrdreg s5  }
0xab: {  	[dreg:$0x3] =	wrdreg s7  }
0xac: {  	[dreg:$0x4] =	wrdreg $0xC0  }
0xad: {  	_ =	task [dreg:s9], $0x5FFFF  }
0xae: {  	[dreg:$0x1] =	wrdreg $0xFFFFFFFF  }
0xaf: {  	[dreg:$0x0] =	wrdreg $0x60  }
0xb0: {  	[dreg:$0x2] =	wrdreg s2  }
0xb1: {  	[dreg:$0x3] =	wrdreg s18  }
0xb2: {  	[dreg:$0x4] =	wrdreg s24  }
0xb3: {  	[dreg:$0x5] =	wrdreg s4  }
0xb4: {  	[dreg:$0x6] =	wrdreg $0x9  }
0xb5: {  	_ =	task.clear_ibuf [dreg:s9], $0x7FFFF;
	_ =	strace $0x90000046  }
0xb6: {  	s29 =	simm.s32 $0x9;
	_ =	strace $0x80000048  }
0xb7: {  	_ =	swait.ge [sflag:s29], $0x1  }
0xb8: {  	[sflag:s29] =	ssyncadd.s32 $0xFFFFFFFF  }
0xb9: {  	_ =	strace $0x90000048  }
0xba: {  	_ =	sfence  }
0xbb: {  	s30 =	sld [smem:$0x0];
	_ =	sdelay $0x2  }
0xbc: {  	s31 =	sshll.u32 s1, $0xD;
	s1 =	sshrl.u32 s1, $0x2  }
0xbd: {  	s3 =	sand.u32 $0x4000, s31;
	s1 =	sadd.s32 s1, s30  }
0xbe: {  	s0 =	sor.u32 s3, s0;
	s1 =	sshll.u32 s1, $0x11  }
0xbf: {  	s0 =	sor.u32 s1, s0  }
0xc0: {  	s0 =	sadd.s32 $0x8F2B, s0  }
0xc1: {  	[sflag:s0] =	ssyncadd.remote.s32 $0x1  }
0xc2: {  	_ =	sfence.sel $0xFFFF  }
0xc3: {  	[dreg:$0x0] =	wrdreg $0xFFFFFFFF;
	(pc) =	sbr.abs _section_cstart, $3  }
0xc4: {  	[dreg:$0x1] =	wrdreg $0xFFFFFFFF  }
0xc5: {  	_ =	task.clear_ibuf [dreg:s9], $0x2FFFF;
	_ =	strace $0x9FFFFFFF  }
0xc6: {  	(tm) =	ssettm $0x7FFFFFFF  }
0xc7: {  	_ =	shalt  }
tec
execute0_lowered:
.L_overlay_start_1:
0x0: {  	(tag) =	ssettag $0x1  }
0x1: {  	s0 =	rddreg [dreg:$0x0]  }
0x2: {  	s8 =	rddreg [dreg:$0x1]  }
0x3: {  	s1 =	rddreg [dreg:$0x2]  }
0x4: {  	s2 =	rddreg [dreg:$0x3];
	s3 =	simm.s32 $0x0;
	s4 =	srdreg.scid  }
0x5: {  	s6 =	stileid.u32;
	[smem:$0x7FF] =	sst s3;
	s4 =	sand.u32 $0x1, s4  }
0x6: {  	s6 =	sshll.u32 s6, $0xA;
	s1 =	sadd.s32 $0x400, s1;
	s5 =	ssub.s32 $0x2, s4  }
0x7: {  	s4 =	sshll.u32 s4, $0x9;
	_ =	strace $0x80000047;
	[dreg:$0x5] =	wrdreg s1  }
0x8: {  	s1 =	sadd.s32 $0x2710, s8;
	s7 =	sshrl.u32 s5, $0x1;
	s4 =	sor.u32 s4, s6  }
0x9: {  	[smem:$0x7E6] =	sst s1;
	s19 =	ssub.s32 s5, s7;
	s5 =	sadd.s32 s0, s4  }
0xa: {  	s16 =	sshrl.u32 s4, $0x3;
	s4 =	sadd.s32 $0x4E20, s8;
	[smem:$0x7E3] =	sst s5  }
0xb: {  	s0 =	sadd.s32 $0x10, s5;
	[smem:$0x7E8] =	sst s4  }
0xc: {  	s20 =	sadd.s32 $0x20, s5;
	[dreg:$0x6] =	wrdreg s0  }
0xd: {  	s21 =	sadd.s32 $0x30, s5;
	[dreg:$0x7] =	wrdreg s20  }
0xe: {  	s22 =	sadd.s32 $0x40, s5;
	[dreg:$0x8] =	wrdreg s21  }
0xf: {  	s23 =	sadd.s32 $0x50, s5;
	[dreg:$0x9] =	wrdreg s22  }
0x10: {  	s24 =	sadd.s32 $0x60, s5;
	[dreg:$0xa] =	wrdreg s23  }
0x11: {  	s25 =	sadd.s32 $0x70, s5;
	[dreg:$0xb] =	wrdreg s24  }
0x12: {  	s26 =	sadd.s32 $0x4000, s5;
	[dreg:$0xc] =	wrdreg s25  }
0x13: {  	s6 =	sadd.s32 $0x4010, s5;
	[dreg:$0xd] =	wrdreg s26  }
0x14: {  	s7 =	sadd.s32 $0x4020, s5;
	[dreg:$0xe] =	wrdreg s6  }
0x15: {  	s9 =	sadd.s32 $0x4030, s5;
	[dreg:$0xf] =	wrdreg s7  }
0x16: {  	s10 =	sadd.s32 $0x4040, s5;
	[dreg:$0x10] =	wrdreg s9  }
0x17: {  	s11 =	sadd.s32 $0x4050, s5;
	[dreg:$0x11] =	wrdreg s10  }
0x18: {  	s12 =	sadd.s32 $0x4060, s5;
	[dreg:$0x12] =	wrdreg s11  }
0x19: {  	s13 =	sadd.s32 $0x4070, s5;
	[dreg:$0x13] =	wrdreg s12  }
0x1a: {  	s14 =	sadd.s32 $0x8000, s5;
	[dreg:$0x14] =	wrdreg s13  }
0x1b: {  	s15 =	sadd.s32 $0x8010, s5;
	[dreg:$0x15] =	wrdreg s14  }
0x1c: {  	s17 =	sadd.s32 $0x8020, s5;
	[dreg:$0x16] =	wrdreg s15  }
0x1d: {  	s18 =	smax.u32 s19, $0x1;
	[dreg:$0x18] =	wrdreg s17  }
0x1e: {  	s19 =	sadd.s32 $0x8030, s5;
	[dreg:$0x19] =	wrdreg s18  }
0x1f: {  	s0 =	sadd.s32 s2, s16;
	[dreg:$0x1a] =	wrdreg s19  }
0x20: {  	s20 =	sadd.s32 $0x8040, s5;
	[dreg:$0x17] =	wrdreg s0  }
0x21: {  	s21 =	sadd.s32 $0x8050, s5;
	[dreg:$0x1b] =	wrdreg s20  }
0x22: {  	s22 =	sadd.s32 $0x8060, s5;
	[dreg:$0x1c] =	wrdreg s21  }
0x23: {  	s23 =	sadd.s32 $0x8070, s5;
	[dreg:$0x1d] =	wrdreg s22  }
0x24: {  	s24 =	sadd.s32 $0xC000, s5;
	[dreg:$0x1e] =	wrdreg s23  }
0x25: {  	s25 =	sadd.s32 $0xC010, s5;
	[dreg:$0x1f] =	wrdreg s24  }
0x26: {  	s26 =	sadd.s32 $0x1388, s8;
	[smem:$0x7E4] =	sst s25  }
0x27: {  	s2 =	sadd.s32 $0x3A98, s8;
	[smem:$0x7E5] =	sst s26  }
0x28: {  	s5 =	sadd.s32 $0x61A8, s8;
	[smem:$0x7E7] =	sst s2  }
0x29: {  	s6 =	sadd.s32 $0x7530, s8;
	[smem:$0x7E9] =	sst s5  }
0x2a: {  	s7 =	sadd.s32 $0x88B8, s8;
	[smem:$0x7EA] =	sst s6  }
0x2b: {  	s9 =	sadd.s32 $0x9C40, s8;
	[smem:$0x7EB] =	sst s7  }
0x2c: {  	s10 =	sadd.s32 $0xAFC8, s8;
	[smem:$0x7EC] =	sst s9  }
0x2d: {  	s11 =	sadd.s32 $0xC350, s8;
	[smem:$0x7ED] =	sst s10  }
0x2e: {  	s12 =	sadd.s32 $0xD6D8, s8;
	[smem:$0x7EE] =	sst s11  }
0x2f: {  	s13 =	sadd.s32 $0xEA60, s8;
	[smem:$0x7EF] =	sst s12  }
0x30: {  	s30 =	simm.s32 $0x80;
	s14 =	sadd.s32 $0xFDE8, s8;
	[smem:$0x7F0] =	sst s13  }
0x31: {  	s31 =	simm.s32 $0x400;
	s15 =	sadd.s32 $0x11170, s8;
	[smem:$0x7F1] =	sst s14  }
0x32: {  	s28 =	simm.s32 $0x1600;
	s16 =	sadd.s32 $0x124F8, s8;
	[smem:$0x7F2] =	sst s15  }
0x33: {  	s29 =	simm.s32 $0x1A00;
	s17 =	sadd.s32 $0x13880, s8;
	[smem:$0x7F3] =	sst s16  }
0x34: {  	s1 =	simm.s32 $0x0;
	s18 =	sadd.s32 $0x14C08, s8;
	[smem:$0x7F4] =	sst s17  }
0x35: {  	s4 =	simm.s32 $0x2400;
	s19 =	sadd.s32 $0x15F90, s8;
	[smem:$0x7F5] =	sst s18  }
0x36: {  	[smem:$0x7F6] =	sst s19;
	s20 =	sadd.s32 $0x17318, s8;
	s21 =	sadd.s32 $0x186A0, s8  }
0x37: {  	s22 =	sadd.s32 $0x19A28, s8;
	s23 =	sadd.s32 $0x1ADB0, s8;
	s24 =	sadd.s32 $0x1C138, s8  }
0x38: {  	s25 =	sadd.s32 $0x1D4C0, s8;
	s26 =	sadd.s32 $0x1E848, s8;
	s0 =	simm.s32 $0x200  }
0x39: {  	s9 =	simm.s32 $0x2;
	s12 =	simm.s32 $0xC00;
	[smem:$0x7F7] =	sst s20  }
0x3a: {  	s13 =	simm.s32 $0x1000;
	s14 =	simm.s32 $0x1400;
	[smem:$0x7F8] =	sst s21  }
0x3b: {  	s15 =	simm.s32 $0x1800;
	s16 =	simm.s32 $0x1E00;
	[smem:$0x7F9] =	sst s22  }
0x3c: {  	s17 =	simm.s32 $0x2200;
	s18 =	simm.s32 $0x2600;
	[smem:$0x7FA] =	sst s23  }
0x3d: {  	s6 =	simm.s32 $0x2800;
	s19 =	simm.s32 $0x2A00;
	[smem:$0x7FB] =	sst s24  }
0x3e: {  	s7 =	simm.s32 $0x2C00;
	s5 =	simm.s32 $0x3000;
	[smem:$0x7FC] =	sst s25  }
0x3f: {  	[smem:$0x7FD] =	sst s26;
	s21 =	simm.s32 $0x1;
	s24 =	simm.s32 $0xA00  }
0x40: {  	s25 =	simm.s32 $0xE00;
	s26 =	simm.s32 $0x1200;
	s20 =	simm.s32 $0x2E00  }
.LBB2_1:
0x41: {  	s23 =	sld [smem:$0x7E3]  }
0x42: {  	[smem:$0x7E2] =	sst s1  }
0x43: {  	s10 =	rddreg [dreg:$0x6]  }
0x44: {  	[tilespmem:s3], [sflag:$0x1] =	stream.strided.gather [hbm4b:s23+s30], $0x200, s31, s30, $0x38;
	[tilespmem:$0x6A80] =	vst v63  }
0x45: {  	s1 =	rddreg [dreg:$0x7]  }
0x46: {  	[tilespmem:s0], [sflag:$0x1] =	stream.strided.gather [hbm4b:s10+s30], $0x200, s31, s30, $0x38;
	[tilespmem:$0x6A80] =	vst v63  }
0x47: {  	s2 =	rddreg [dreg:$0x8]  }
0x48: {  	[tilespmem:s31], [sflag:$0x1] =	stream.strided.gather [hbm4b:s1+s30], $0x200, s31, s30, $0x38;
	[tilespmem:$0x6A80] =	vst v63  }
0x49: {  	s11 =	simm.s32 $0x600;
	s8 =	rddreg [dreg:$0xa]  }
0x4a: {  	[tilespmem:s11], [sflag:$0x1] =	stream.strided.gather [hbm4b:s2+s30], $0x200, s31, s30, $0x38;
	[tilespmem:$0x6A80] =	vst v63  }
0x4b: {  	s3 =	rddreg [dreg:$0x9];
	s23 =	simm.s32 $0x800  }
0x4c: {  	[tilespmem:s23], [sflag:$0x1] =	stream.strided.gather [hbm4b:s3+s30], $0x200, s31, s30, $0x38;
	[tilespmem:$0x6A80] =	vst v63  }
0x4d: {  	s22 =	rddreg [dreg:$0xb]  }
0x4e: {  	[tilespmem:s24], [sflag:$0x1] =	stream.strided.gather [hbm4b:s8+s30], $0x200, s31, s30, $0x38;
	[tilespmem:$0x6A80] =	vst v63  }
0x4f: {  	s1 =	rddreg [dreg:$0xc]  }
0x50: {  	[tilespmem:s12], [sflag:$0x1] =	stream.strided.gather [hbm4b:s22+s30], $0x200, s31, s30, $0x38;
	[tilespmem:$0x6A80] =	vst v63  }
0x51: {  	s2 =	rddreg [dreg:$0xd]  }
0x52: {  	[tilespmem:s25], [sflag:$0x1] =	stream.strided.gather [hbm4b:s1+s30], $0x200, s31, s30, $0x38;
	[tilespmem:$0x6A80] =	vst v63  }
0x53: {  	s3 =	rddreg [dreg:$0xe]  }
0x54: {  	[tilespmem:s13], [sflag:$0x1] =	stream.strided.gather [hbm4b:s2+s30], $0x200, s31, s30, $0x38;
	[tilespmem:$0x6A80] =	vst v63  }
0x55: {  	s8 =	rddreg [dreg:$0xf]  }
0x56: {  	[tilespmem:s26], [sflag:$0x1] =	stream.strided.gather [hbm4b:s3+s30], $0x200, s31, s30, $0x38;
	[tilespmem:$0x6A80] =	vst v63  }
0x57: {  	s22 =	rddreg [dreg:$0x10]  }
0x58: {  	[tilespmem:s14], [sflag:$0x1] =	stream.strided.gather [hbm4b:s8+s30], $0x200, s31, s30, $0x38;
	[tilespmem:$0x6A80] =	vst v63  }
0x59: {  	s1 =	rddreg [dreg:$0x11]  }
0x5a: {  	[tilespmem:s28], [sflag:$0x1] =	stream.strided.gather [hbm4b:s22+s30], $0x200, s31, s30, $0x38;
	[tilespmem:$0x6A80] =	vst v63  }
0x5b: {  	s2 =	rddreg [dreg:$0x12]  }
0x5c: {  	[tilespmem:s15], [sflag:$0x1] =	stream.strided.gather [hbm4b:s1+s30], $0x200, s31, s30, $0x38;
	[tilespmem:$0x6A80] =	vst v63  }
0x5d: {  	s3 =	rddreg [dreg:$0x13]  }
0x5e: {  	[tilespmem:s29], [sflag:$0x1] =	stream.strided.gather [hbm4b:s2+s30], $0x200, s31, s30, $0x38;
	[tilespmem:$0x6A80] =	vst v63  }
0x5f: {  	s8 =	rddreg [dreg:$0x14];
	s2 =	simm.s32 $0x1C00  }
0x60: {  	[tilespmem:s2], [sflag:$0x1] =	stream.strided.gather [hbm4b:s3+s30], $0x200, s31, s30, $0x38;
	[tilespmem:$0x6A80] =	vst v63  }
0x61: {  	s22 =	rddreg [dreg:$0x15]  }
0x62: {  	[tilespmem:s16], [sflag:$0x1] =	stream.strided.gather [hbm4b:s8+s30], $0x200, s31, s30, $0x38;
	[tilespmem:$0x6A80] =	vst v63  }
0x63: {  	s1 =	simm.s32 $0x2000;
	s3 =	rddreg [dreg:$0x16]  }
0x64: {  	[tilespmem:s1], [sflag:$0x1] =	stream.strided.gather [hbm4b:s22+s30], $0x200, s31, s30, $0x38;
	[tilespmem:$0x6A80] =	vst v63  }
0x65: {  	s8 =	rddreg [dreg:$0x18]  }
0x66: {  	[tilespmem:s17], [sflag:$0x1] =	stream.strided.gather [hbm4b:s3+s30], $0x200, s31, s30, $0x38;
	[tilespmem:$0x6A80] =	vst v63  }
0x67: {  	s22 =	rddreg [dreg:$0x1a]  }
0x68: {  	[tilespmem:s4], [sflag:$0x1] =	stream.strided.gather [hbm4b:s8+s30], $0x200, s31, s30, $0x38;
	[tilespmem:$0x6A80] =	vst v63  }
0x69: {  	s3 =	rddreg [dreg:$0x1b]  }
0x6a: {  	[tilespmem:s18], [sflag:$0x1] =	stream.strided.gather [hbm4b:s22+s30], $0x200, s31, s30, $0x38;
	[tilespmem:$0x6A80] =	vst v63  }
0x6b: {  	s8 =	rddreg [dreg:$0x1c]  }
0x6c: {  	[tilespmem:s6], [sflag:$0x1] =	stream.strided.gather [hbm4b:s3+s30], $0x200, s31, s30, $0x38;
	[tilespmem:$0x6A80] =	vst v63  }
0x6d: {  	s22 =	rddreg [dreg:$0x1d]  }
0x6e: {  	[tilespmem:s19], [sflag:$0x1] =	stream.strided.gather [hbm4b:s8+s30], $0x200, s31, s30, $0x38;
	[tilespmem:$0x6A80] =	vst v63  }
0x6f: {  	s3 =	rddreg [dreg:$0x1e]  }
0x70: {  	[tilespmem:s7], [sflag:$0x1] =	stream.strided.gather [hbm4b:s22+s30], $0x200, s31, s30, $0x38;
	[tilespmem:$0x6A80] =	vst v63  }
0x71: {  	s8 =	rddreg [dreg:$0x1f]  }
0x72: {  	[tilespmem:s20], [sflag:$0x1] =	stream.strided.gather [hbm4b:s3+s30], $0x200, s31, s30, $0x38;
	[tilespmem:$0x6A80] =	vst v63  }
0x73: {  	s22 =	sld [smem:$0x7E4]  }
0x74: {  	[tilespmem:s5], [sflag:$0x1] =	stream.strided.gather [hbm4b:s8+s30], $0x200, s31, s30, $0x38;
	[tilespmem:$0x6A80] =	vst v63  }
0x75: {  	s3 =	simm.s32 $0x3200  }
0x76: {  	[tilespmem:s3], [sflag:$0x1] =	stream.strided.gather [hbm4b:s22+s30], $0x200, s31, s30, $0x38;
	[tilespmem:$0x6A80] =	vst v63  }
0x77: {  	s10 =	rddreg [dreg:$0x5];
	s8 =	simm.s32 $0x0;
	s22 =	simm.s32 $0x6A00  }
0x78: {  	[tilespmem:s22], [sflag:$0x3] =	stream.linear.gather [hbm4b:s10+s8], $0x80, $0x38;
	[tilespmem:$0x6A80] =	vst v63  }
0x79: {  	s22 =	simm.s32 $0x3  }
0x7a: {  	_ =	swait.ge [sflag:s22], $0x80  }
0x7b: {  	[sflag:s22] =	ssyncset.done $0x0  }
0x7c: {  	[sflag:s22] =	ssyncadd.s32 $0xFFFFFF80  }
0x7d: {  	v0 =	vld [tilespmem:$0x6A00];
	_ =	sdelay $0x1  }
0x7e: {  	v1 =	vld [tilespmem:$0x6A00];
	_ =	sdelay $0x1  }
0x7f: {  	v2 =	vld [tilespmem:$0x6A00]  }
0x80: {  	[tilespmem:$0x6800] =	vst v0  }
0x81: {  	[tilespmem:$0x6810] =	vst v0;
	v0 =	vld [tilespmem:$0x6A00]  }
0x82: {  	[tilespmem:$0x6820] =	vst v1  }
0x83: {  	[tilespmem:$0x6830] =	vst v1;
	v1 =	vld [tilespmem:$0x6A00]  }
0x84: {  	[tilespmem:$0x6840] =	vst v2  }
0x85: {  	[tilespmem:$0x6850] =	vst v2;
	v2 =	vld [tilespmem:$0x6A00]  }
0x86: {  	[tilespmem:$0x6860] =	vst v0  }
0x87: {  	[tilespmem:$0x6870] =	vst v0;
	v0 =	vld [tilespmem:$0x6A00]  }
0x88: {  	[tilespmem:$0x6880] =	vst v1  }
0x89: {  	[tilespmem:$0x6890] =	vst v1;
	v1 =	vld [tilespmem:$0x6A00]  }
0x8a: {  	[tilespmem:$0x68A0] =	vst v2  }
0x8b: {  	[tilespmem:$0x68B0] =	vst v2;
	v2 =	vld [tilespmem:$0x6A00]  }
0x8c: {  	[tilespmem:$0x68C0] =	vst v0  }
0x8d: {  	[tilespmem:$0x68D0] =	vst v0;
	v0 =	vld [tilespmem:$0x6A00]  }
0x8e: {  	[tilespmem:$0x68E0] =	vst v1  }
0x8f: {  	[tilespmem:$0x68F0] =	vst v1;
	v1 =	vld [tilespmem:$0x6A00]  }
0x90: {  	[tilespmem:$0x6900] =	vst v2  }
0x91: {  	[tilespmem:$0x6910] =	vst v2;
	v2 =	vld [tilespmem:$0x6A00]  }
0x92: {  	[tilespmem:$0x6920] =	vst v0  }
0x93: {  	[tilespmem:$0x6930] =	vst v0;
	v0 =	vld [tilespmem:$0x6A00]  }
0x94: {  	[tilespmem:$0x6940] =	vst v1  }
0x95: {  	[tilespmem:$0x6950] =	vst v1;
	v1 =	vld [tilespmem:$0x6A00]  }
0x96: {  	[tilespmem:$0x6960] =	vst v2  }
0x97: {  	[tilespmem:$0x6970] =	vst v2;
	v2 =	vld [tilespmem:$0x6A00]  }
0x98: {  	[tilespmem:$0x6980] =	vst v0  }
0x99: {  	[tilespmem:$0x6990] =	vst v0;
	v0 =	vld [tilespmem:$0x6A00]  }
0x9a: {  	[tilespmem:$0x69A0] =	vst v1  }
0x9b: {  	[tilespmem:$0x69B0] =	vst v1  }
0x9c: {  	[tilespmem:$0x69C0] =	vst v2  }
0x9d: {  	[tilespmem:$0x69D0] =	vst v2  }
0x9e: {  	[tilespmem:$0x69E0] =	vst v0  }
0x9f: {  	[tilespmem:$0x69F0] =	vst v0  }
0xa0: {  	_ =	swait.ge [sflag:s21], $0x200  }
0xa1: {  	[sflag:s21] =	ssyncset.done $0x0  }
0xa2: {  	[sflag:s21] =	ssyncadd.s32 $0xFFFFFE00  }
0xa3: {  	s22 =	simm.s32 $0x3400;
	s10 =	rddreg [dreg:$0x1]  }
0xa4: {  	[tilespmem:s22], [sflag:$0x2] =	stream.indirect.gather [hbm4b:s10+s0], $0x1, s8, s0, $0xb8;
	[tilespmem:$0x6A80] =	vst v63  }
0xa5: {  	_ =	swait.ge [sflag:s21], $0x200  }
0xa6: {  	s8 =	sld [smem:$0x7E5]  }
0xa7: {  	[sflag:s21] =	ssyncset.done $0x0  }
0xa8: {  	s22 =	simm.s32 $0x3600;
	[sflag:s21] =	ssyncadd.s32 $0xFFFFFE00  }
0xa9: {  	[tilespmem:s22], [sflag:$0x2] =	stream.indirect.gather [hbm4b:s8+s0], $0x1, s0, s0, $0xb8;
	[tilespmem:$0x6A80] =	vst v63  }
0xaa: {  	_ =	swait.ge [sflag:s21], $0x200  }
0xab: {  	s8 =	sld [smem:$0x7E6]  }
0xac: {  	[sflag:s21] =	ssyncset.done $0x0  }
0xad: {  	s22 =	simm.s32 $0x3800;
	[sflag:s21] =	ssyncadd.s32 $0xFFFFFE00  }
0xae: {  	[tilespmem:s22], [sflag:$0x2] =	stream.indirect.gather [hbm4b:s8+s0], $0x1, s31, s0, $0xb8;
	[tilespmem:$0x6A80] =	vst v63  }
0xaf: {  	_ =	swait.ge [sflag:s21], $0x200  }
0xb0: {  	s8 =	sld [smem:$0x7E7]  }
0xb1: {  	[sflag:s21] =	ssyncset.done $0x0  }
0xb2: {  	s22 =	simm.s32 $0x3A00;
	[sflag:s21] =	ssyncadd.s32 $0xFFFFFE00  }
0xb3: {  	[tilespmem:s22], [sflag:$0x2] =	stream.indirect.gather [hbm4b:s8+s0], $0x1, s11, s0, $0xb8;
	[tilespmem:$0x6A80] =	vst v63  }
0xb4: {  	_ =	swait.ge [sflag:s21], $0x200  }
0xb5: {  	s11 =	sld [smem:$0x7E8]  }
0xb6: {  	[sflag:s21] =	ssyncset.done $0x0  }
0xb7: {  	s22 =	simm.s32 $0x3C00;
	[sflag:s21] =	ssyncadd.s32 $0xFFFFFE00  }
0xb8: {  	[tilespmem:s22], [sflag:$0x2] =	stream.indirect.gather [hbm4b:s11+s0], $0x1, s23, s0, $0xb8;
	[tilespmem:$0x6A80] =	vst v63  }
0xb9: {  	_ =	swait.ge [sflag:s21], $0x200  }
0xba: {  	s8 =	sld [smem:$0x7E9]  }
0xbb: {  	[sflag:s21] =	ssyncset.done $0x0  }
0xbc: {  	s11 =	simm.s32 $0x3E00;
	[sflag:s21] =	ssyncadd.s32 $0xFFFFFE00  }
0xbd: {  	[tilespmem:s11], [sflag:$0x2] =	stream.indirect.gather [hbm4b:s8+s0], $0x1, s24, s0, $0xb8;
	[tilespmem:$0x6A80] =	vst v63  }
0xbe: {  	_ =	swait.ge [sflag:s21], $0x200  }
0xbf: {  	s22 =	sld [smem:$0x7EA]  }
0xc0: {  	[sflag:s21] =	ssyncset.done $0x0  }
0xc1: {  	s23 =	simm.s32 $0x4000;
	[sflag:s21] =	ssyncadd.s32 $0xFFFFFE00  }
0xc2: {  	[tilespmem:s23], [sflag:$0x2] =	stream.indirect.gather [hbm4b:s22+s0], $0x1, s12, s0, $0xb8;
	[tilespmem:$0x6A80] =	vst v63  }
0xc3: {  	_ =	swait.ge [sflag:s21], $0x200  }
0xc4: {  	s8 =	sld [smem:$0x7EB]  }
0xc5: {  	[sflag:s21] =	ssyncset.done $0x0  }
0xc6: {  	s11 =	simm.s32 $0x4200;
	[sflag:s21] =	ssyncadd.s32 $0xFFFFFE00  }
0xc7: {  	[tilespmem:s11], [sflag:$0x2] =	stream.indirect.gather [hbm4b:s8+s0], $0x1, s25, s0, $0xb8;
	[tilespmem:$0x6A80] =	vst v63  }
0xc8: {  	_ =	swait.ge [sflag:s21], $0x200  }
0xc9: {  	s22 =	sld [smem:$0x7EC]  }
0xca: {  	[sflag:s21] =	ssyncset.done $0x0  }
0xcb: {  	s23 =	simm.s32 $0x4400;
	[sflag:s21] =	ssyncadd.s32 $0xFFFFFE00  }
0xcc: {  	[tilespmem:s23], [sflag:$0x2] =	stream.indirect.gather [hbm4b:s22+s0], $0x1, s13, s0, $0xb8;
	[tilespmem:$0x6A80] =	vst v63  }
0xcd: {  	_ =	swait.ge [sflag:s21], $0x200  }
0xce: {  	s8 =	sld [smem:$0x7ED]  }
0xcf: {  	[sflag:s21] =	ssyncset.done $0x0  }
0xd0: {  	s11 =	simm.s32 $0x4600;
	[sflag:s21] =	ssyncadd.s32 $0xFFFFFE00  }
0xd1: {  	[tilespmem:s11], [sflag:$0x2] =	stream.indirect.gather [hbm4b:s8+s0], $0x1, s26, s0, $0xb8;
	[tilespmem:$0x6A80] =	vst v63  }
0xd2: {  	_ =	swait.ge [sflag:s21], $0x200  }
0xd3: {  	s22 =	sld [smem:$0x7EE]  }
0xd4: {  	[sflag:s21] =	ssyncset.done $0x0  }
0xd5: {  	s23 =	simm.s32 $0x4800;
	[sflag:s21] =	ssyncadd.s32 $0xFFFFFE00  }
0xd6: {  	[tilespmem:s23], [sflag:$0x2] =	stream.indirect.gather [hbm4b:s22+s0], $0x1, s14, s0, $0xb8;
	[tilespmem:$0x6A80] =	vst v63  }
0xd7: {  	_ =	swait.ge [sflag:s21], $0x200  }
0xd8: {  	s8 =	sld [smem:$0x7EF]  }
0xd9: {  	[sflag:s21] =	ssyncset.done $0x0  }
0xda: {  	s11 =	simm.s32 $0x4A00;
	[sflag:s21] =	ssyncadd.s32 $0xFFFFFE00  }
0xdb: {  	[tilespmem:s11], [sflag:$0x2] =	stream.indirect.gather [hbm4b:s8+s0], $0x1, s28, s0, $0xb8;
	[tilespmem:$0x6A80] =	vst v63  }
0xdc: {  	_ =	swait.ge [sflag:s21], $0x200  }
0xdd: {  	s22 =	sld [smem:$0x7F0]  }
0xde: {  	[sflag:s21] =	ssyncset.done $0x0  }
0xdf: {  	s23 =	simm.s32 $0x4C00;
	[sflag:s21] =	ssyncadd.s32 $0xFFFFFE00  }
0xe0: {  	[tilespmem:s23], [sflag:$0x2] =	stream.indirect.gather [hbm4b:s22+s0], $0x1, s15, s0, $0xb8;
	[tilespmem:$0x6A80] =	vst v63  }
0xe1: {  	_ =	swait.ge [sflag:s21], $0x200  }
0xe2: {  	s8 =	sld [smem:$0x7F1]  }
0xe3: {  	[sflag:s21] =	ssyncset.done $0x0  }
0xe4: {  	s11 =	simm.s32 $0x4E00;
	[sflag:s21] =	ssyncadd.s32 $0xFFFFFE00  }
0xe5: {  	[tilespmem:s11], [sflag:$0x2] =	stream.indirect.gather [hbm4b:s8+s0], $0x1, s29, s0, $0xb8;
	[tilespmem:$0x6A80] =	vst v63  }
0xe6: {  	_ =	swait.ge [sflag:s21], $0x200  }
0xe7: {  	s22 =	sld [smem:$0x7F2]  }
0xe8: {  	[sflag:s21] =	ssyncset.done $0x0  }
0xe9: {  	s23 =	simm.s32 $0x5000;
	[sflag:s21] =	ssyncadd.s32 $0xFFFFFE00  }
0xea: {  	[tilespmem:s23], [sflag:$0x2] =	stream.indirect.gather [hbm4b:s22+s0], $0x1, s2, s0, $0xb8;
	[tilespmem:$0x6A80] =	vst v63  }
0xeb: {  	_ =	swait.ge [sflag:s21], $0x200  }
0xec: {  	s8 =	sld [smem:$0x7F3]  }
0xed: {  	[sflag:s21] =	ssyncset.done $0x0  }
0xee: {  	s11 =	simm.s32 $0x5200;
	[sflag:s21] =	ssyncadd.s32 $0xFFFFFE00  }
0xef: {  	[tilespmem:s11], [sflag:$0x2] =	stream.indirect.gather [hbm4b:s8+s0], $0x1, s16, s0, $0xb8;
	[tilespmem:$0x6A80] =	vst v63  }
0xf0: {  	_ =	swait.ge [sflag:s21], $0x200  }
0xf1: {  	s22 =	sld [smem:$0x7F4]  }
0xf2: {  	[sflag:s21] =	ssyncset.done $0x0  }
0xf3: {  	s23 =	simm.s32 $0x5400;
	[sflag:s21] =	ssyncadd.s32 $0xFFFFFE00  }
0xf4: {  	[tilespmem:s23], [sflag:$0x2] =	stream.indirect.gather [hbm4b:s22+s0], $0x1, s1, s0, $0xb8;
	[tilespmem:$0x6A80] =	vst v63  }
0xf5: {  	_ =	swait.ge [sflag:s21], $0x200  }
0xf6: {  	s1 =	sld [smem:$0x7F5]  }
0xf7: {  	[sflag:s21] =	ssyncset.done $0x0  }
0xf8: {  	s2 =	simm.s32 $0x5600;
	[sflag:s21] =	ssyncadd.s32 $0xFFFFFE00  }
0xf9: {  	[tilespmem:s2], [sflag:$0x2] =	stream.indirect.gather [hbm4b:s1+s0], $0x1, s17, s0, $0xb8;
	[tilespmem:$0x6A80] =	vst v63  }
0xfa: {  	_ =	swait.ge [sflag:s21], $0x200  }
0xfb: {  	s8 =	sld [smem:$0x7F6]  }
0xfc: {  	[sflag:s21] =	ssyncset.done $0x0  }
0xfd: {  	s11 =	simm.s32 $0x5800;
	[sflag:s21] =	ssyncadd.s32 $0xFFFFFE00  }
0xfe: {  	[tilespmem:s11], [sflag:$0x2] =	stream.indirect.gather [hbm4b:s8+s0], $0x1, s4, s0, $0xb8;
	[tilespmem:$0x6A80] =	vst v63  }
0xff: {  	_ =	swait.ge [sflag:s21], $0x200  }
0x100: {  	s22 =	sld [smem:$0x7F7]  }
0x101: {  	[sflag:s21] =	ssyncset.done $0x0  }
0x102: {  	s23 =	simm.s32 $0x5A00;
	[sflag:s21] =	ssyncadd.s32 $0xFFFFFE00  }
0x103: {  	[tilespmem:s23], [sflag:$0x2] =	stream.indirect.gather [hbm4b:s22+s0], $0x1, s18, s0, $0xb8;
	[tilespmem:$0x6A80] =	vst v63  }
0x104: {  	_ =	swait.ge [sflag:s21], $0x200  }
0x105: {  	s1 =	sld [smem:$0x7F8]  }
0x106: {  	[sflag:s21] =	ssyncset.done $0x0  }
0x107: {  	s2 =	simm.s32 $0x5C00;
	[sflag:s21] =	ssyncadd.s32 $0xFFFFFE00  }
0x108: {  	[tilespmem:s2], [sflag:$0x2] =	stream.indirect.gather [hbm4b:s1+s0], $0x1, s6, s0, $0xb8;
	[tilespmem:$0x6A80] =	vst v63  }
0x109: {  	_ =	swait.ge [sflag:s21], $0x200  }
0x10a: {  	s8 =	sld [smem:$0x7F9]  }
0x10b: {  	[sflag:s21] =	ssyncset.done $0x0  }
0x10c: {  	s11 =	simm.s32 $0x5E00;
	[sflag:s21] =	ssyncadd.s32 $0xFFFFFE00  }
0x10d: {  	[tilespmem:s11], [sflag:$0x2] =	stream.indirect.gather [hbm4b:s8+s0], $0x1, s19, s0, $0xb8;
	[tilespmem:$0x6A80] =	vst v63  }
0x10e: {  	_ =	swait.ge [sflag:s21], $0x200  }
0x10f: {  	s22 =	sld [smem:$0x7FA]  }
0x110: {  	[sflag:s21] =	ssyncset.done $0x0  }
0x111: {  	s23 =	simm.s32 $0x6000;
	[sflag:s21] =	ssyncadd.s32 $0xFFFFFE00  }
0x112: {  	[tilespmem:s23], [sflag:$0x2] =	stream.indirect.gather [hbm4b:s22+s0], $0x1, s7, s0, $0xb8;
	[tilespmem:$0x6A80] =	vst v63  }
0x113: {  	_ =	swait.ge [sflag:s21], $0x200  }
0x114: {  	s1 =	sld [smem:$0x7FB]  }
0x115: {  	[sflag:s21] =	ssyncset.done $0x0  }
0x116: {  	s2 =	simm.s32 $0x6200;
	[sflag:s21] =	ssyncadd.s32 $0xFFFFFE00  }
0x117: {  	[tilespmem:s2], [sflag:$0x2] =	stream.indirect.gather [hbm4b:s1+s0], $0x1, s20, s0, $0xb8;
	[tilespmem:$0x6A80] =	vst v63  }
0x118: {  	_ =	swait.ge [sflag:s21], $0x200  }
0x119: {  	s8 =	sld [smem:$0x7FC]  }
0x11a: {  	[sflag:s21] =	ssyncset.done $0x0  }
0x11b: {  	s11 =	simm.s32 $0x6400;
	[sflag:s21] =	ssyncadd.s32 $0xFFFFFE00  }
0x11c: {  	[tilespmem:s11], [sflag:$0x2] =	stream.indirect.gather [hbm4b:s8+s0], $0x1, s5, s0, $0xb8;
	[tilespmem:$0x6A80] =	vst v63  }
0x11d: {  	_ =	swait.ge [sflag:s21], $0x200  }
0x11e: {  	s22 =	sld [smem:$0x7FD]  }
0x11f: {  	[sflag:s21] =	ssyncset.done $0x0  }
0x120: {  	s23 =	simm.s32 $0x6600;
	[sflag:s21] =	ssyncadd.s32 $0xFFFFFE00  }
0x121: {  	[tilespmem:s23], [sflag:$0x2] =	stream.indirect.gather [hbm4b:s22+s0], $0x1, s3, s0, $0xb8;
	[tilespmem:$0x6A80] =	vst v63  }
0x122: {  	_ =	swait.ge [sflag:s9], $0x200  }
0x123: {  	[sflag:s9] =	ssyncset.done $0x0  }
0x124: {  	s10 =	simm.s32 $0x0;
	[sflag:s9] =	ssyncadd.s32 $0xFFFFFE00  }
0x125: {  	s23 =	simm.s32 $0x40;
	v0 =	vld [tilespmem:s10+$0x3400]  }
.LBB2_2:
0x126: {  	p0 =	sne.s32 s23, $0x7C0;
	v1 =	vld [tilespmem:s10+$0x6800];
	_ =	sdelay $0x2  }
.Ltmp0:
0x127: {  	(pc) =	sbr.rel @p0 .LBB2_2-.Ltmp0, $4  }
0x128: {  	_ = 	snop  }
0x129: {  	v1 =	vadd.f32 v0, v1  }
0x12a: {  	s11 =	sshra.s32 s23, $0x2  }
0x12b: {  	s23 =	sadd.s32 $0x40, s23;
	v0 =	vld [tilespmem:s11+$0x3400];
	[tilespmem:s10+$0x6800] =	vst v1;
	s10 =	smov.u32 s11  }
0x12c: {  	v1 =	vld [tilespmem:s10+$0x6800];
	_ =	sdelay $0x4  }
0x12d: {  	v0 =	vadd.f32 v0, v1;
	_ =	sdelay $0x1  }
0x12e: {  	[tilespmem:s10+$0x6800] =	vst v0  }
0x12f: {  	_ =	swait.ge [sflag:s9], $0x200  }
0x130: {  	s23 =	simm.s32 $0x0;
	[sflag:s9] =	ssyncset.done $0x0  }
0x131: {  	s11 =	sand.u32 $0x1F0, s23;
	[sflag:s9] =	ssyncadd.s32 $0xFFFFFE00  }
0x132: {  	s23 =	simm.s32 $0x10;
	s10 =	simm.s32 $0x6800;
	v0 =	vld [tilespmem:s11+$0x3600]  }
.LBB2_4:
0x133: {  	p0 =	sne.s32 s23, $0x1F0;
	v1 =	vld [tilespmem:s10+$0x0];
	_ =	sdelay $0x3  }
.Ltmp1:
0x134: {  	(pc) =	sbr.rel @p0 .LBB2_4-.Ltmp1, $3  }
0x135: {  	v0 =	vadd.f32 v0, v1;
	_ =	sdelay $0x1  }
0x136: {  	s11 =	sand.u32 $0x1F0, s23;
	[tilespmem:s10+$0x0] =	vst v0  }
0x137: {  	s23 =	sadd.s32 $0x10, s23;
	s10 =	sadd.s32 $0x10, s10;
	v0 =	vld [tilespmem:s11+$0x3600]  }
0x138: {  	v1 =	vld [tilespmem:s10+$0x0];
	_ =	sdelay $0x4  }
0x139: {  	v0 =	vadd.f32 v0, v1;
	_ =	sdelay $0x1  }
0x13a: {  	[tilespmem:s10+$0x0] =	vst v0  }
0x13b: {  	_ =	swait.ge [sflag:s9], $0x200  }
0x13c: {  	s23 =	simm.s32 $0x0;
	[sflag:s9] =	ssyncset.done $0x0  }
0x13d: {  	s11 =	sand.u32 $0x1F0, s23;
	[sflag:s9] =	ssyncadd.s32 $0xFFFFFE00  }
0x13e: {  	s3 =	simm.s32 $0x0;
	s23 =	simm.s32 $0x10;
	s10 =	simm.s32 $0x6800;
	v0 =	vld [tilespmem:s11+$0x3800]  }
.LBB2_6:
0x13f: {  	p0 =	sne.s32 s23, $0x1F0;
	v1 =	vld [tilespmem:s10+$0x0];
	_ =	sdelay $0x3  }
.Ltmp2:
0x140: {  	(pc) =	sbr.rel @p0 .LBB2_6-.Ltmp2, $3  }
0x141: {  	v0 =	vadd.f32 v0, v1;
	_ =	sdelay $0x1  }
0x142: {  	s11 =	sand.u32 $0x1F0, s23;
	[tilespmem:s10+$0x0] =	vst v0  }
0x143: {  	s23 =	sadd.s32 $0x10, s23;
	s10 =	sadd.s32 $0x10, s10;
	v0 =	vld [tilespmem:s11+$0x3800]  }
0x144: {  	v1 =	vld [tilespmem:s10+$0x0];
	_ =	sdelay $0x4  }
0x145: {  	v0 =	vadd.f32 v0, v1;
	_ =	sdelay $0x1  }
0x146: {  	[tilespmem:s10+$0x0] =	vst v0  }
0x147: {  	_ =	swait.ge [sflag:s9], $0x200  }
0x148: {  	s23 =	simm.s32 $0x0;
	[sflag:s9] =	ssyncset.done $0x0  }
0x149: {  	s11 =	sand.u32 $0x1F0, s23;
	[sflag:s9] =	ssyncadd.s32 $0xFFFFFE00  }
0x14a: {  	s23 =	simm.s32 $0x10;
	s10 =	simm.s32 $0x6800;
	v0 =	vld [tilespmem:s11+$0x3A00]  }
.LBB2_8:
0x14b: {  	p0 =	sne.s32 s23, $0x1F0;
	v1 =	vld [tilespmem:s10+$0x0];
	_ =	sdelay $0x3  }
.Ltmp3:
0x14c: {  	(pc) =	sbr.rel @p0 .LBB2_8-.Ltmp3, $3  }
0x14d: {  	v0 =	vadd.f32 v0, v1;
	_ =	sdelay $0x1  }
0x14e: {  	s11 =	sand.u32 $0x1F0, s23;
	[tilespmem:s10+$0x0] =	vst v0  }
0x14f: {  	s23 =	sadd.s32 $0x10, s23;
	s10 =	sadd.s32 $0x10, s10;
	v0 =	vld [tilespmem:s11+$0x3A00]  }
0x150: {  	v1 =	vld [tilespmem:s10+$0x0];
	_ =	sdelay $0x4  }
0x151: {  	v0 =	vadd.f32 v0, v1;
	_ =	sdelay $0x1  }
0x152: {  	[tilespmem:s10+$0x0] =	vst v0  }
0x153: {  	_ =	swait.ge [sflag:s9], $0x200  }
0x154: {  	s23 =	simm.s32 $0x0;
	[sflag:s9] =	ssyncset.done $0x0  }
0x155: {  	s11 =	sand.u32 $0x1F0, s23;
	[sflag:s9] =	ssyncadd.s32 $0xFFFFFE00  }
0x156: {  	s23 =	simm.s32 $0x10;
	s10 =	simm.s32 $0x6800;
	v0 =	vld [tilespmem:s11+$0x3C00]  }
.LBB2_10:
0x157: {  	p0 =	sne.s32 s23, $0x1F0;
	v1 =	vld [tilespmem:s10+$0x0];
	_ =	sdelay $0x3  }
.Ltmp4:
0x158: {  	(pc) =	sbr.rel @p0 .LBB2_10-.Ltmp4, $3  }
0x159: {  	v0 =	vadd.f32 v0, v1;
	_ =	sdelay $0x1  }
0x15a: {  	s11 =	sand.u32 $0x1F0, s23;
	[tilespmem:s10+$0x0] =	vst v0  }
0x15b: {  	s23 =	sadd.s32 $0x10, s23;
	s10 =	sadd.s32 $0x10, s10;
	v0 =	vld [tilespmem:s11+$0x3C00]  }
0x15c: {  	v1 =	vld [tilespmem:s10+$0x0];
	_ =	sdelay $0x4  }
0x15d: {  	v0 =	vadd.f32 v0, v1;
	_ =	sdelay $0x1  }
0x15e: {  	[tilespmem:s10+$0x0] =	vst v0  }
0x15f: {  	_ =	swait.ge [sflag:s9], $0x200  }
0x160: {  	s23 =	simm.s32 $0x0;
	[sflag:s9] =	ssyncset.done $0x0  }
0x161: {  	s11 =	sand.u32 $0x1F0, s23;
	[sflag:s9] =	ssyncadd.s32 $0xFFFFFE00  }
0x162: {  	s23 =	simm.s32 $0x10;
	s10 =	simm.s32 $0x6800;
	v0 =	vld [tilespmem:s11+$0x3E00]  }
.LBB2_12:
0x163: {  	p0 =	sne.s32 s23, $0x1F0;
	v1 =	vld [tilespmem:s10+$0x0];
	_ =	sdelay $0x3  }
.Ltmp5:
0x164: {  	(pc) =	sbr.rel @p0 .LBB2_12-.Ltmp5, $3  }
0x165: {  	v0 =	vadd.f32 v0, v1;
	_ =	sdelay $0x1  }
0x166: {  	s11 =	sand.u32 $0x1F0, s23;
	[tilespmem:s10+$0x0] =	vst v0  }
0x167: {  	s23 =	sadd.s32 $0x10, s23;
	s10 =	sadd.s32 $0x10, s10;
	v0 =	vld [tilespmem:s11+$0x3E00]  }
0x168: {  	v1 =	vld [tilespmem:s10+$0x0];
	_ =	sdelay $0x4  }
0x169: {  	v0 =	vadd.f32 v0, v1;
	_ =	sdelay $0x1  }
0x16a: {  	[tilespmem:s10+$0x0] =	vst v0  }
0x16b: {  	_ =	swait.ge [sflag:s9], $0x200  }
0x16c: {  	s23 =	simm.s32 $0x0;
	[sflag:s9] =	ssyncset.done $0x0  }
0x16d: {  	s11 =	sand.u32 $0x1F0, s23;
	[sflag:s9] =	ssyncadd.s32 $0xFFFFFE00  }
0x16e: {  	s23 =	simm.s32 $0x10;
	s10 =	simm.s32 $0x6800;
	v0 =	vld [tilespmem:s11+$0x4000]  }
.LBB2_14:
0x16f: {  	p0 =	sne.s32 s23, $0x1F0;
	v1 =	vld [tilespmem:s10+$0x0];
	_ =	sdelay $0x3  }
.Ltmp6:
0x170: {  	(pc) =	sbr.rel @p0 .LBB2_14-.Ltmp6, $3  }
0x171: {  	v0 =	vadd.f32 v0, v1;
	_ =	sdelay $0x1  }
0x172: {  	s11 =	sand.u32 $0x1F0, s23;
	[tilespmem:s10+$0x0] =	vst v0  }
0x173: {  	s23 =	sadd.s32 $0x10, s23;
	s10 =	sadd.s32 $0x10, s10;
	v0 =	vld [tilespmem:s11+$0x4000]  }
0x174: {  	v1 =	vld [tilespmem:s10+$0x0];
	_ =	sdelay $0x4  }
0x175: {  	v0 =	vadd.f32 v0, v1;
	_ =	sdelay $0x1  }
0x176: {  	[tilespmem:s10+$0x0] =	vst v0  }
0x177: {  	_ =	swait.ge [sflag:s9], $0x200  }
0x178: {  	s23 =	simm.s32 $0x0;
	[sflag:s9] =	ssyncset.done $0x0  }
0x179: {  	s11 =	sand.u32 $0x1F0, s23;
	[sflag:s9] =	ssyncadd.s32 $0xFFFFFE00  }
0x17a: {  	s23 =	simm.s32 $0x10;
	s10 =	simm.s32 $0x6800;
	v0 =	vld [tilespmem:s11+$0x4200]  }
.LBB2_16:
0x17b: {  	p0 =	sne.s32 s23, $0x1F0;
	v1 =	vld [tilespmem:s10+$0x0];
	_ =	sdelay $0x3  }
.Ltmp7:
0x17c: {  	(pc) =	sbr.rel @p0 .LBB2_16-.Ltmp7, $3  }
0x17d: {  	v0 =	vadd.f32 v0, v1;
	_ =	sdelay $0x1  }
0x17e: {  	s11 =	sand.u32 $0x1F0, s23;
	[tilespmem:s10+$0x0] =	vst v0  }
0x17f: {  	s23 =	sadd.s32 $0x10, s23;
	s10 =	sadd.s32 $0x10, s10;
	v0 =	vld [tilespmem:s11+$0x4200]  }
0x180: {  	v1 =	vld [tilespmem:s10+$0x0];
	_ =	sdelay $0x4  }
0x181: {  	v0 =	vadd.f32 v0, v1;
	_ =	sdelay $0x1  }
0x182: {  	[tilespmem:s10+$0x0] =	vst v0  }
0x183: {  	_ =	swait.ge [sflag:s9], $0x200  }
0x184: {  	s23 =	simm.s32 $0x0;
	[sflag:s9] =	ssyncset.done $0x0  }
0x185: {  	s11 =	sand.u32 $0x1F0, s23;
	[sflag:s9] =	ssyncadd.s32 $0xFFFFFE00  }
0x186: {  	s23 =	simm.s32 $0x10;
	s10 =	simm.s32 $0x6800;
	v0 =	vld [tilespmem:s11+$0x4400]  }
.LBB2_18:
0x187: {  	p0 =	sne.s32 s23, $0x1F0;
	v1 =	vld [tilespmem:s10+$0x0];
	_ =	sdelay $0x3  }
.Ltmp8:
0x188: {  	(pc) =	sbr.rel @p0 .LBB2_18-.Ltmp8, $3  }
0x189: {  	v0 =	vadd.f32 v0, v1;
	_ =	sdelay $0x1  }
0x18a: {  	s11 =	sand.u32 $0x1F0, s23;
	[tilespmem:s10+$0x0] =	vst v0  }
0x18b: {  	s23 =	sadd.s32 $0x10, s23;
	s10 =	sadd.s32 $0x10, s10;
	v0 =	vld [tilespmem:s11+$0x4400]  }
0x18c: {  	v1 =	vld [tilespmem:s10+$0x0];
	_ =	sdelay $0x4  }
0x18d: {  	v0 =	vadd.f32 v0, v1;
	_ =	sdelay $0x1  }
0x18e: {  	[tilespmem:s10+$0x0] =	vst v0  }
0x18f: {  	_ =	swait.ge [sflag:s9], $0x200  }
0x190: {  	s23 =	simm.s32 $0x0;
	[sflag:s9] =	ssyncset.done $0x0  }
0x191: {  	s11 =	sand.u32 $0x1F0, s23;
	[sflag:s9] =	ssyncadd.s32 $0xFFFFFE00  }
0x192: {  	s23 =	simm.s32 $0x10;
	s10 =	simm.s32 $0x6800;
	v0 =	vld [tilespmem:s11+$0x4600]  }
.LBB2_20:
0x193: {  	p0 =	sne.s32 s23, $0x1F0;
	v1 =	vld [tilespmem:s10+$0x0];
	_ =	sdelay $0x3  }
.Ltmp9:
0x194: {  	(pc) =	sbr.rel @p0 .LBB2_20-.Ltmp9, $3  }
0x195: {  	v0 =	vadd.f32 v0, v1;
	_ =	sdelay $0x1  }
0x196: {  	s11 =	sand.u32 $0x1F0, s23;
	[tilespmem:s10+$0x0] =	vst v0  }
0x197: {  	s23 =	sadd.s32 $0x10, s23;
	s10 =	sadd.s32 $0x10, s10;
	v0 =	vld [tilespmem:s11+$0x4600]  }
0x198: {  	v1 =	vld [tilespmem:s10+$0x0];
	_ =	sdelay $0x4  }
0x199: {  	v0 =	vadd.f32 v0, v1;
	_ =	sdelay $0x1  }
0x19a: {  	[tilespmem:s10+$0x0] =	vst v0  }
0x19b: {  	_ =	swait.ge [sflag:s9], $0x200  }
0x19c: {  	s23 =	simm.s32 $0x0;
	[sflag:s9] =	ssyncset.done $0x0  }
0x19d: {  	s11 =	sand.u32 $0x1F0, s23;
	[sflag:s9] =	ssyncadd.s32 $0xFFFFFE00  }
0x19e: {  	s23 =	simm.s32 $0x10;
	s10 =	simm.s32 $0x6800;
	v0 =	vld [tilespmem:s11+$0x4800]  }
.LBB2_22:
0x19f: {  	p0 =	sne.s32 s23, $0x1F0;
	v1 =	vld [tilespmem:s10+$0x0];
	_ =	sdelay $0x3  }
.Ltmp10:
0x1a0: {  	(pc) =	sbr.rel @p0 .LBB2_22-.Ltmp10, $3  }
0x1a1: {  	v0 =	vadd.f32 v0, v1;
	_ =	sdelay $0x1  }
0x1a2: {  	s11 =	sand.u32 $0x1F0, s23;
	[tilespmem:s10+$0x0] =	vst v0  }
0x1a3: {  	s23 =	sadd.s32 $0x10, s23;
	s10 =	sadd.s32 $0x10, s10;
	v0 =	vld [tilespmem:s11+$0x4800]  }
0x1a4: {  	v1 =	vld [tilespmem:s10+$0x0];
	_ =	sdelay $0x4  }
0x1a5: {  	v0 =	vadd.f32 v0, v1;
	_ =	sdelay $0x1  }
0x1a6: {  	[tilespmem:s10+$0x0] =	vst v0  }
0x1a7: {  	_ =	swait.ge [sflag:s9], $0x200  }
0x1a8: {  	s23 =	simm.s32 $0x0;
	[sflag:s9] =	ssyncset.done $0x0  }
0x1a9: {  	s11 =	sand.u32 $0x1F0, s23;
	[sflag:s9] =	ssyncadd.s32 $0xFFFFFE00  }
0x1aa: {  	s23 =	simm.s32 $0x10;
	s10 =	simm.s32 $0x6800;
	v0 =	vld [tilespmem:s11+$0x4A00]  }
.LBB2_24:
0x1ab: {  	p0 =	sne.s32 s23, $0x1F0;
	v1 =	vld [tilespmem:s10+$0x0];
	_ =	sdelay $0x3  }
.Ltmp11:
0x1ac: {  	(pc) =	sbr.rel @p0 .LBB2_24-.Ltmp11, $3  }
0x1ad: {  	v0 =	vadd.f32 v0, v1;
	_ =	sdelay $0x1  }
0x1ae: {  	s11 =	sand.u32 $0x1F0, s23;
	[tilespmem:s10+$0x0] =	vst v0  }
0x1af: {  	s23 =	sadd.s32 $0x10, s23;
	s10 =	sadd.s32 $0x10, s10;
	v0 =	vld [tilespmem:s11+$0x4A00]  }
0x1b0: {  	v1 =	vld [tilespmem:s10+$0x0];
	_ =	sdelay $0x4  }
0x1b1: {  	v0 =	vadd.f32 v0, v1;
	_ =	sdelay $0x1  }
0x1b2: {  	[tilespmem:s10+$0x0] =	vst v0  }
0x1b3: {  	_ =	swait.ge [sflag:s9], $0x200  }
0x1b4: {  	s23 =	simm.s32 $0x0;
	[sflag:s9] =	ssyncset.done $0x0  }
0x1b5: {  	s11 =	sand.u32 $0x1F0, s23;
	[sflag:s9] =	ssyncadd.s32 $0xFFFFFE00  }
0x1b6: {  	s23 =	simm.s32 $0x10;
	s10 =	simm.s32 $0x6800;
	v0 =	vld [tilespmem:s11+$0x4C00]  }
.LBB2_26:
0x1b7: {  	p0 =	sne.s32 s23, $0x1F0;
	v1 =	vld [tilespmem:s10+$0x0];
	_ =	sdelay $0x3  }
.Ltmp12:
0x1b8: {  	(pc) =	sbr.rel @p0 .LBB2_26-.Ltmp12, $3  }
0x1b9: {  	v0 =	vadd.f32 v0, v1;
	_ =	sdelay $0x1  }
0x1ba: {  	s11 =	sand.u32 $0x1F0, s23;
	[tilespmem:s10+$0x0] =	vst v0  }
0x1bb: {  	s23 =	sadd.s32 $0x10, s23;
	s10 =	sadd.s32 $0x10, s10;
	v0 =	vld [tilespmem:s11+$0x4C00]  }
0x1bc: {  	v1 =	vld [tilespmem:s10+$0x0];
	_ =	sdelay $0x4  }
0x1bd: {  	v0 =	vadd.f32 v0, v1;
	_ =	sdelay $0x1  }
0x1be: {  	[tilespmem:s10+$0x0] =	vst v0  }
0x1bf: {  	_ =	swait.ge [sflag:s9], $0x200  }
0x1c0: {  	s23 =	simm.s32 $0x0;
	[sflag:s9] =	ssyncset.done $0x0  }
0x1c1: {  	s11 =	sand.u32 $0x1F0, s23;
	[sflag:s9] =	ssyncadd.s32 $0xFFFFFE00  }
0x1c2: {  	s23 =	simm.s32 $0x10;
	s10 =	simm.s32 $0x6800;
	v0 =	vld [tilespmem:s11+$0x4E00]  }
.LBB2_28:
0x1c3: {  	p0 =	sne.s32 s23, $0x1F0;
	v1 =	vld [tilespmem:s10+$0x0];
	_ =	sdelay $0x3  }
.Ltmp13:
0x1c4: {  	(pc) =	sbr.rel @p0 .LBB2_28-.Ltmp13, $3  }
0x1c5: {  	v0 =	vadd.f32 v0, v1;
	_ =	sdelay $0x1  }
0x1c6: {  	s11 =	sand.u32 $0x1F0, s23;
	[tilespmem:s10+$0x0] =	vst v0  }
0x1c7: {  	s23 =	sadd.s32 $0x10, s23;
	s10 =	sadd.s32 $0x10, s10;
	v0 =	vld [tilespmem:s11+$0x4E00]  }
0x1c8: {  	v1 =	vld [tilespmem:s10+$0x0];
	_ =	sdelay $0x4  }
0x1c9: {  	v0 =	vadd.f32 v0, v1;
	_ =	sdelay $0x1  }
0x1ca: {  	[tilespmem:s10+$0x0] =	vst v0  }
0x1cb: {  	_ =	swait.ge [sflag:s9], $0x200  }
0x1cc: {  	s23 =	simm.s32 $0x0;
	[sflag:s9] =	ssyncset.done $0x0  }
0x1cd: {  	s11 =	sand.u32 $0x1F0, s23;
	[sflag:s9] =	ssyncadd.s32 $0xFFFFFE00  }
0x1ce: {  	s23 =	simm.s32 $0x10;
	s10 =	simm.s32 $0x6800;
	v0 =	vld [tilespmem:s11+$0x5000]  }
.LBB2_30:
0x1cf: {  	p0 =	sne.s32 s23, $0x1F0;
	v1 =	vld [tilespmem:s10+$0x0];
	_ =	sdelay $0x3  }
.Ltmp14:
0x1d0: {  	(pc) =	sbr.rel @p0 .LBB2_30-.Ltmp14, $3  }
0x1d1: {  	v0 =	vadd.f32 v0, v1;
	_ =	sdelay $0x1  }
0x1d2: {  	s11 =	sand.u32 $0x1F0, s23;
	[tilespmem:s10+$0x0] =	vst v0  }
0x1d3: {  	s23 =	sadd.s32 $0x10, s23;
	s10 =	sadd.s32 $0x10, s10;
	v0 =	vld [tilespmem:s11+$0x5000]  }
0x1d4: {  	v1 =	vld [tilespmem:s10+$0x0];
	_ =	sdelay $0x4  }
0x1d5: {  	v0 =	vadd.f32 v0, v1;
	_ =	sdelay $0x1  }
0x1d6: {  	[tilespmem:s10+$0x0] =	vst v0  }
0x1d7: {  	_ =	swait.ge [sflag:s9], $0x200  }
0x1d8: {  	s23 =	simm.s32 $0x0;
	[sflag:s9] =	ssyncset.done $0x0  }
0x1d9: {  	s11 =	sand.u32 $0x1F0, s23;
	[sflag:s9] =	ssyncadd.s32 $0xFFFFFE00  }
0x1da: {  	s23 =	simm.s32 $0x10;
	s10 =	simm.s32 $0x6800;
	v0 =	vld [tilespmem:s11+$0x5200]  }
.LBB2_32:
0x1db: {  	p0 =	sne.s32 s23, $0x1F0;
	v1 =	vld [tilespmem:s10+$0x0];
	_ =	sdelay $0x3  }
.Ltmp15:
0x1dc: {  	(pc) =	sbr.rel @p0 .LBB2_32-.Ltmp15, $3  }
0x1dd: {  	v0 =	vadd.f32 v0, v1;
	_ =	sdelay $0x1  }
0x1de: {  	s11 =	sand.u32 $0x1F0, s23;
	[tilespmem:s10+$0x0] =	vst v0  }
0x1df: {  	s23 =	sadd.s32 $0x10, s23;
	s10 =	sadd.s32 $0x10, s10;
	v0 =	vld [tilespmem:s11+$0x5200]  }
0x1e0: {  	v1 =	vld [tilespmem:s10+$0x0];
	_ =	sdelay $0x4  }
0x1e1: {  	v0 =	vadd.f32 v0, v1;
	_ =	sdelay $0x1  }
0x1e2: {  	[tilespmem:s10+$0x0] =	vst v0  }
0x1e3: {  	_ =	swait.ge [sflag:s9], $0x200  }
0x1e4: {  	s23 =	simm.s32 $0x0;
	[sflag:s9] =	ssyncset.done $0x0  }
0x1e5: {  	s11 =	sand.u32 $0x1F0, s23;
	[sflag:s9] =	ssyncadd.s32 $0xFFFFFE00  }
0x1e6: {  	s23 =	simm.s32 $0x10;
	s10 =	simm.s32 $0x6800;
	v0 =	vld [tilespmem:s11+$0x5400]  }
.LBB2_34:
0x1e7: {  	p0 =	sne.s32 s23, $0x1F0;
	v1 =	vld [tilespmem:s10+$0x0];
	_ =	sdelay $0x3  }
.Ltmp16:
0x1e8: {  	(pc) =	sbr.rel @p0 .LBB2_34-.Ltmp16, $3  }
0x1e9: {  	v0 =	vadd.f32 v0, v1;
	_ =	sdelay $0x1  }
0x1ea: {  	s11 =	sand.u32 $0x1F0, s23;
	[tilespmem:s10+$0x0] =	vst v0  }
0x1eb: {  	s23 =	sadd.s32 $0x10, s23;
	s10 =	sadd.s32 $0x10, s10;
	v0 =	vld [tilespmem:s11+$0x5400]  }
0x1ec: {  	v1 =	vld [tilespmem:s10+$0x0];
	_ =	sdelay $0x4  }
0x1ed: {  	v0 =	vadd.f32 v0, v1;
	_ =	sdelay $0x1  }
0x1ee: {  	[tilespmem:s10+$0x0] =	vst v0  }
0x1ef: {  	_ =	swait.ge [sflag:s9], $0x200  }
0x1f0: {  	s23 =	simm.s32 $0x0;
	[sflag:s9] =	ssyncset.done $0x0  }
0x1f1: {  	s11 =	sand.u32 $0x1F0, s23;
	[sflag:s9] =	ssyncadd.s32 $0xFFFFFE00  }
0x1f2: {  	s23 =	simm.s32 $0x10;
	s10 =	simm.s32 $0x6800;
	v0 =	vld [tilespmem:s11+$0x5600]  }
.LBB2_36:
0x1f3: {  	p0 =	sne.s32 s23, $0x1F0;
	v1 =	vld [tilespmem:s10+$0x0];
	_ =	sdelay $0x3  }
.Ltmp17:
0x1f4: {  	(pc) =	sbr.rel @p0 .LBB2_36-.Ltmp17, $3  }
0x1f5: {  	v0 =	vadd.f32 v0, v1;
	_ =	sdelay $0x1  }
0x1f6: {  	s11 =	sand.u32 $0x1F0, s23;
	[tilespmem:s10+$0x0] =	vst v0  }
0x1f7: {  	s23 =	sadd.s32 $0x10, s23;
	s10 =	sadd.s32 $0x10, s10;
	v0 =	vld [tilespmem:s11+$0x5600]  }
0x1f8: {  	v1 =	vld [tilespmem:s10+$0x0];
	_ =	sdelay $0x4  }
0x1f9: {  	v0 =	vadd.f32 v0, v1;
	_ =	sdelay $0x1  }
0x1fa: {  	[tilespmem:s10+$0x0] =	vst v0  }
0x1fb: {  	_ =	swait.ge [sflag:s9], $0x200  }
0x1fc: {  	s23 =	simm.s32 $0x0;
	[sflag:s9] =	ssyncset.done $0x0  }
0x1fd: {  	s11 =	sand.u32 $0x1F0, s23;
	[sflag:s9] =	ssyncadd.s32 $0xFFFFFE00  }
0x1fe: {  	s23 =	simm.s32 $0x10;
	s10 =	simm.s32 $0x6800;
	v0 =	vld [tilespmem:s11+$0x5800]  }
.LBB2_38:
0x1ff: {  	p0 =	sne.s32 s23, $0x1F0;
	v1 =	vld [tilespmem:s10+$0x0];
	_ =	sdelay $0x3  }
.Ltmp18:
0x200: {  	(pc) =	sbr.rel @p0 .LBB2_38-.Ltmp18, $3  }
0x201: {  	v0 =	vadd.f32 v0, v1;
	_ =	sdelay $0x1  }
0x202: {  	s11 =	sand.u32 $0x1F0, s23;
	[tilespmem:s10+$0x0] =	vst v0  }
0x203: {  	s23 =	sadd.s32 $0x10, s23;
	s10 =	sadd.s32 $0x10, s10;
	v0 =	vld [tilespmem:s11+$0x5800]  }
0x204: {  	v1 =	vld [tilespmem:s10+$0x0];
	_ =	sdelay $0x4  }
0x205: {  	v0 =	vadd.f32 v0, v1;
	_ =	sdelay $0x1  }
0x206: {  	[tilespmem:s10+$0x0] =	vst v0  }
0x207: {  	_ =	swait.ge [sflag:s9], $0x200  }
0x208: {  	s23 =	simm.s32 $0x0;
	[sflag:s9] =	ssyncset.done $0x0  }
0x209: {  	s11 =	sand.u32 $0x1F0, s23;
	[sflag:s9] =	ssyncadd.s32 $0xFFFFFE00  }
0x20a: {  	s23 =	simm.s32 $0x10;
	s10 =	simm.s32 $0x6800;
	v0 =	vld [tilespmem:s11+$0x5A00]  }
.LBB2_40:
0x20b: {  	p0 =	sne.s32 s23, $0x1F0;
	v1 =	vld [tilespmem:s10+$0x0];
	_ =	sdelay $0x3  }
.Ltmp19:
0x20c: {  	(pc) =	sbr.rel @p0 .LBB2_40-.Ltmp19, $3  }
0x20d: {  	v0 =	vadd.f32 v0, v1;
	_ =	sdelay $0x1  }
0x20e: {  	s11 =	sand.u32 $0x1F0, s23;
	[tilespmem:s10+$0x0] =	vst v0  }
0x20f: {  	s23 =	sadd.s32 $0x10, s23;
	s10 =	sadd.s32 $0x10, s10;
	v0 =	vld [tilespmem:s11+$0x5A00]  }
0x210: {  	v1 =	vld [tilespmem:s10+$0x0];
	_ =	sdelay $0x4  }
0x211: {  	v0 =	vadd.f32 v0, v1;
	_ =	sdelay $0x1  }
0x212: {  	[tilespmem:s10+$0x0] =	vst v0  }
0x213: {  	_ =	swait.ge [sflag:s9], $0x200  }
0x214: {  	s23 =	simm.s32 $0x0;
	[sflag:s9] =	ssyncset.done $0x0  }
0x215: {  	s11 =	sand.u32 $0x1F0, s23;
	[sflag:s9] =	ssyncadd.s32 $0xFFFFFE00  }
0x216: {  	s23 =	simm.s32 $0x10;
	s10 =	simm.s32 $0x6800;
	v0 =	vld [tilespmem:s11+$0x5C00]  }
.LBB2_42:
0x217: {  	p0 =	sne.s32 s23, $0x1F0;
	v1 =	vld [tilespmem:s10+$0x0];
	_ =	sdelay $0x3  }
.Ltmp20:
0x218: {  	(pc) =	sbr.rel @p0 .LBB2_42-.Ltmp20, $3  }
0x219: {  	v0 =	vadd.f32 v0, v1;
	_ =	sdelay $0x1  }
0x21a: {  	s11 =	sand.u32 $0x1F0, s23;
	[tilespmem:s10+$0x0] =	vst v0  }
0x21b: {  	s23 =	sadd.s32 $0x10, s23;
	s10 =	sadd.s32 $0x10, s10;
	v0 =	vld [tilespmem:s11+$0x5C00]  }
0x21c: {  	v1 =	vld [tilespmem:s10+$0x0];
	_ =	sdelay $0x4  }
0x21d: {  	v0 =	vadd.f32 v0, v1;
	_ =	sdelay $0x1  }
0x21e: {  	[tilespmem:s10+$0x0] =	vst v0  }
0x21f: {  	_ =	swait.ge [sflag:s9], $0x200  }
0x220: {  	s23 =	simm.s32 $0x0;
	[sflag:s9] =	ssyncset.done $0x0  }
0x221: {  	s11 =	sand.u32 $0x1F0, s23;
	[sflag:s9] =	ssyncadd.s32 $0xFFFFFE00  }
0x222: {  	s23 =	simm.s32 $0x10;
	s10 =	simm.s32 $0x6800;
	v0 =	vld [tilespmem:s11+$0x5E00]  }
.LBB2_44:
0x223: {  	p0 =	sne.s32 s23, $0x1F0;
	v1 =	vld [tilespmem:s10+$0x0];
	_ =	sdelay $0x3  }
.Ltmp21:
0x224: {  	(pc) =	sbr.rel @p0 .LBB2_44-.Ltmp21, $3  }
0x225: {  	v0 =	vadd.f32 v0, v1;
	_ =	sdelay $0x1  }
0x226: {  	s11 =	sand.u32 $0x1F0, s23;
	[tilespmem:s10+$0x0] =	vst v0  }
0x227: {  	s23 =	sadd.s32 $0x10, s23;
	s10 =	sadd.s32 $0x10, s10;
	v0 =	vld [tilespmem:s11+$0x5E00]  }
0x228: {  	v1 =	vld [tilespmem:s10+$0x0];
	_ =	sdelay $0x4  }
0x229: {  	v0 =	vadd.f32 v0, v1;
	_ =	sdelay $0x1  }
0x22a: {  	[tilespmem:s10+$0x0] =	vst v0  }
0x22b: {  	_ =	swait.ge [sflag:s9], $0x200  }
0x22c: {  	s23 =	simm.s32 $0x0;
	[sflag:s9] =	ssyncset.done $0x0  }
0x22d: {  	s11 =	sand.u32 $0x1F0, s23;
	[sflag:s9] =	ssyncadd.s32 $0xFFFFFE00  }
0x22e: {  	s23 =	simm.s32 $0x10;
	s10 =	simm.s32 $0x6800;
	v0 =	vld [tilespmem:s11+$0x6000]  }
.LBB2_46:
0x22f: {  	p0 =	sne.s32 s23, $0x1F0;
	v1 =	vld [tilespmem:s10+$0x0];
	_ =	sdelay $0x3  }
.Ltmp22:
0x230: {  	(pc) =	sbr.rel @p0 .LBB2_46-.Ltmp22, $3  }
0x231: {  	v0 =	vadd.f32 v0, v1;
	_ =	sdelay $0x1  }
0x232: {  	s11 =	sand.u32 $0x1F0, s23;
	[tilespmem:s10+$0x0] =	vst v0  }
0x233: {  	s23 =	sadd.s32 $0x10, s23;
	s10 =	sadd.s32 $0x10, s10;
	v0 =	vld [tilespmem:s11+$0x6000]  }
0x234: {  	v1 =	vld [tilespmem:s10+$0x0];
	_ =	sdelay $0x4  }
0x235: {  	v0 =	vadd.f32 v0, v1;
	_ =	sdelay $0x1  }
0x236: {  	[tilespmem:s10+$0x0] =	vst v0  }
0x237: {  	_ =	swait.ge [sflag:s9], $0x200  }
0x238: {  	s23 =	simm.s32 $0x0;
	[sflag:s9] =	ssyncset.done $0x0  }
0x239: {  	s11 =	sand.u32 $0x1F0, s23;
	[sflag:s9] =	ssyncadd.s32 $0xFFFFFE00  }
0x23a: {  	s23 =	simm.s32 $0x10;
	s10 =	simm.s32 $0x6800;
	v0 =	vld [tilespmem:s11+$0x6200]  }
.LBB2_48:
0x23b: {  	p0 =	sne.s32 s23, $0x1F0;
	v1 =	vld [tilespmem:s10+$0x0];
	_ =	sdelay $0x3  }
.Ltmp23:
0x23c: {  	(pc) =	sbr.rel @p0 .LBB2_48-.Ltmp23, $3  }
0x23d: {  	v0 =	vadd.f32 v0, v1;
	_ =	sdelay $0x1  }
0x23e: {  	s11 =	sand.u32 $0x1F0, s23;
	[tilespmem:s10+$0x0] =	vst v0  }
0x23f: {  	s23 =	sadd.s32 $0x10, s23;
	s10 =	sadd.s32 $0x10, s10;
	v0 =	vld [tilespmem:s11+$0x6200]  }
0x240: {  	v1 =	vld [tilespmem:s10+$0x0];
	_ =	sdelay $0x4  }
0x241: {  	v0 =	vadd.f32 v0, v1;
	_ =	sdelay $0x1  }
0x242: {  	[tilespmem:s10+$0x0] =	vst v0  }
0x243: {  	_ =	swait.ge [sflag:s9], $0x200  }
0x244: {  	s23 =	simm.s32 $0x0;
	[sflag:s9] =	ssyncset.done $0x0  }
0x245: {  	s11 =	sand.u32 $0x1F0, s23;
	[sflag:s9] =	ssyncadd.s32 $0xFFFFFE00  }
0x246: {  	s23 =	simm.s32 $0x10;
	s10 =	simm.s32 $0x6800;
	v0 =	vld [tilespmem:s11+$0x6400]  }
.LBB2_50:
0x247: {  	p0 =	sne.s32 s23, $0x1F0;
	v1 =	vld [tilespmem:s10+$0x0];
	_ =	sdelay $0x3  }
.Ltmp24:
0x248: {  	(pc) =	sbr.rel @p0 .LBB2_50-.Ltmp24, $3  }
0x249: {  	v0 =	vadd.f32 v0, v1;
	_ =	sdelay $0x1  }
0x24a: {  	s11 =	sand.u32 $0x1F0, s23;
	[tilespmem:s10+$0x0] =	vst v0  }
0x24b: {  	s23 =	sadd.s32 $0x10, s23;
	s10 =	sadd.s32 $0x10, s10;
	v0 =	vld [tilespmem:s11+$0x6400]  }
0x24c: {  	v1 =	vld [tilespmem:s10+$0x0];
	_ =	sdelay $0x4  }
0x24d: {  	v0 =	vadd.f32 v0, v1;
	_ =	sdelay $0x1  }
0x24e: {  	[tilespmem:s10+$0x0] =	vst v0  }
0x24f: {  	_ =	swait.ge [sflag:s9], $0x200  }
0x250: {  	s23 =	simm.s32 $0x0;
	[sflag:s9] =	ssyncset.done $0x0  }
0x251: {  	s11 =	sand.u32 $0x1F0, s23;
	[sflag:s9] =	ssyncadd.s32 $0xFFFFFE00  }
0x252: {  	s23 =	simm.s32 $0x10;
	s10 =	simm.s32 $0x6800;
	v0 =	vld [tilespmem:s11+$0x6600]  }
.LBB2_52:
0x253: {  	p0 =	sne.s32 s23, $0x1F0;
	v1 =	vld [tilespmem:s10+$0x0];
	_ =	sdelay $0x3  }
.Ltmp25:
0x254: {  	(pc) =	sbr.rel @p0 .LBB2_52-.Ltmp25, $3  }
0x255: {  	v0 =	vadd.f32 v0, v1;
	_ =	sdelay $0x1  }
0x256: {  	s11 =	sand.u32 $0x1F0, s23;
	[tilespmem:s10+$0x0] =	vst v0  }
0x257: {  	s23 =	sadd.s32 $0x10, s23;
	s10 =	sadd.s32 $0x10, s10;
	v0 =	vld [tilespmem:s11+$0x6600]  }
0x258: {  	v1 =	vld [tilespmem:s10+$0x0];
	_ =	sdelay $0x4  }
0x259: {  	v0 =	vadd.f32 v0, v1;
	_ =	sdelay $0x1  }
0x25a: {  	s11 =	rddreg [dreg:$0x17];
	s1 =	simm.s32 $0x6800;
	s2 =	simm.s32 $0x3;
	[tilespmem:s10+$0x0] =	vst v0  }
0x25b: {  	[hbm4b:s11+s3] =	stream.linear.scatter [tilespmem:s1], [sflag:$0x3], $0x200, $0x38;
	[tilespmem:$0x6A80] =	vst v63  }
0x25c: {  	_ =	swait.ge [sflag:s2], $0x200  }
0x25d: {  	s22 =	sld [smem:$0x7E2];
	_ =	sdelay $0x2  }
0x25e: {  	s23 =	rddreg [dreg:$0x19];
	s1 =	sadd.s32 $0x1, s22  }
0x25f: {  	p0 =	sne.s32 s1, s23  }
.Ltmp26:
0x260: {  	_ = 	snop;
	(pc) =	sbr.rel @p0 .LBB2_1-.Ltmp26, $3  }
0x261: {  	_ =	sdelay $0x1  }
0x262: {  	[sflag:s2] =	ssyncset.done $0x0  }
0x263: {  	[sflag:s2] =	ssyncadd.s32 $0xFFFFFE00  }
0x264: {  	_ =	sfence.sel $0x180000  }
0x265: {  	[bflag:$0x0] =	sbarrier.arrive $0xFFFF  }
0x266: {  	_ =	strace $0x90000047  }
0x267: {  	s0 =	stileid.u32;
	[bflag:$0x2] =	sbarrier.arrive $0xFFFF  }
0x268: {  	p0 =	sne.s32 s0, $0x0;
	s0 =	rddreg [dreg:$0x4]  }
0x269: {  	s0 =	sadd.s32 @!p0 $0x100000, s0  }
0x26a: {  	[sflag:s0] =	ssyncadd.tile.s32 @!p0 $0x1;
	_ =	shalt  }
.Lfunc_end2:
_tile_overlayer_lowered:
.L_overlay_start_2:
0x26b: {  	(tag) =	ssettag $0x2  }
0x26c: {  	s0 =	rddreg [dreg:$0x0];
	s2 =	stileid.u32  }
0x26d: {  	s1 =	rddreg [dreg:$0x1];
	p0 =	sne.s32 s2, $0x0  }
0x26e: {  	s3 =	rddreg [dreg:$0x2];
	[bflag:$0x3] =	sbarrier.arrive $0xFFFF;
	s2 =	simm.s32 @!p0 $0x1C03  }
0x26f: {  	[timem:s3], [sflag:s2] =	dma.local @!p0 [hbm:s0], s1  }
0x270: {  	s0 =	simm.s32 @!p0 $0x3  }
0x271: {  	_ =	swait.ge @!p0 [sflag:s0], s1  }
0x272: {  	s1 =	ssub.s32 @!p0 $0x0, s1;
	[sflag:s0] =	ssyncset.done @!p0 $0x0  }
0x273: {  	[sflag:s0] =	ssyncadd.s32 @!p0 s1  }
0x274: {  	[bflag:$0x3] =	sbarrier.arrive $0xFFFF  }
0x275: {  	_ =	shalt  }

</sc_bundles>
